<compile_context>
chip_gen: v7x
topology: tpu7x:2x2x1
jax: 0.10.2.dev20260603
libtpu: 0.0.44.dev20260713+nightly
codegen_flags: <defaults>
</compile_context>

<pallas_src>
import functools

import jax
import jax.numpy as jnp
from jax import lax
from jax.experimental import pallas as pl
from jax.experimental.pallas import tpu as pltpu
from jax.experimental.pallas import tpu_sc as plsc

N_NODES = 10000
N_EDGES = 320000
NC, NS, LANES = 2, 16, 16
NW = NC * NS
NPT = 320
NPAD = NW * NPT
EPT = N_EDGES // NW
GB = 80
CH = 4000
FLUSH = 128

_mesh = plsc.VectorSubcoreMesh(core_axis_name="c", subcore_axis_name="s")


def _wid():
    return lax.axis_index("s") * NC + lax.axis_index("c")



def _relu(v):
    return jnp.maximum(v, 0.0)


def _dot(a, b):
    return jnp.dot(a, b, preferred_element_type=jnp.float32)


def _stage0(x, w1, b1):
    d = x.shape[1]

    def body(x_ref, w_ref, b_ref, pq_ref):
        w = w_ref[...]
        a = w[0:d] - w[2 * d:3 * d]
        bb = w[d:2 * d] + w[2 * d:3 * d]
        xx = x_ref[...]
        pq_ref[...] = jnp.concatenate(
            [_dot(xx, a) + b_ref[...], _dot(xx, bb)], axis=1)

    return pl.pallas_call(
        body,
        out_shape=jax.ShapeDtypeStruct((N_NODES, 128), jnp.float32),
    )(x, w1, b1.reshape(1, 64))


def _edge_mlp(ee1, ee2, w2, b2, w3, b3):
    BE = 2000
    grid = N_EDGES // BE

    def body(e1_ref, e2_ref, w2_ref, b2_ref, w3_ref, b3_ref, out_ref):
        h = _relu(e1_ref[...][:, 0:64] + e2_ref[...][:, 64:128])
        h = _relu(_dot(h, w2_ref[...]) + b2_ref[...])
        m = _dot(h, w3_ref[...]) + b3_ref[...]
        out_ref[...] = jnp.concatenate([m, jnp.zeros_like(m)], axis=1)

    full = lambda i: (0, 0)
    return pl.pallas_call(
        body,
        grid=(grid,),
        in_specs=[pl.BlockSpec((BE, 128), lambda i: (i, 0)),
                  pl.BlockSpec((BE, 128), lambda i: (i, 0)),
                  pl.BlockSpec((64, 64), full),
                  pl.BlockSpec((1, 64), full),
                  pl.BlockSpec((64, 64), full),
                  pl.BlockSpec((1, 64), full)],
        out_specs=pl.BlockSpec((BE, 128), lambda i: (i, 0)),
        out_shape=jax.ShapeDtypeStruct((N_EDGES, 128), jnp.float32),
    )(ee1, ee2, w2, b2.reshape(1, 64), w3, b3.reshape(1, 64))


def _stage1(aggr, x, gamma, phi2_w, phi2_b):
    (g1w, g1b), (g2w, g2b), (g3w, g3b) = gamma
    dx = x.shape[1]

    def body(a_ref, x_ref, g1w_ref, g1b_ref, g2w_ref, g2b_ref, g3w_ref,
             g3b_ref, pw_ref, pb_ref, h_ref, pq_ref):
        g1 = g1w_ref[...]
        t = _relu(_dot(a_ref[...], g1[0:64]) + _dot(x_ref[...], g1[64:64 + dx])
                  + g1b_ref[...])
        t = _relu(_dot(t, g2w_ref[...]) + g2b_ref[...])
        h = _relu(_dot(t, g3w_ref[...]) + g3b_ref[...])
        h_ref[...] = h
        pw = pw_ref[...]
        a2 = pw[0:64] - pw[128:192]
        b2 = pw[64:128] + pw[128:192]
        pq_ref[...] = jnp.concatenate(
            [_dot(h, a2) + pb_ref[...], _dot(h, b2)], axis=1)

    return pl.pallas_call(
        body,
        out_shape=[jax.ShapeDtypeStruct((N_NODES, 64), jnp.float32),
                   jax.ShapeDtypeStruct((N_NODES, 128), jnp.float32)],
    )(aggr, x, g1w, g1b.reshape(1, 64), g2w, g2b.reshape(1, 64),
      g3w, g3b.reshape(1, 64), phi2_w, phi2_b.reshape(1, 64))


def _stage2(aggr, h1, gamma, head):
    (g1w, g1b), (g2w, g2b), (g3w, g3b) = gamma
    (h1w, h1b), (h2w, h2b), (h3w, h3b) = head
    nout = h3w.shape[1]

    def body(a_ref, x_ref, g1w_ref, g1b_ref, g2w_ref, g2b_ref, g3w_ref,
             g3b_ref, h1w_ref, h1b_ref, h2w_ref, h2b_ref, h3w_ref, h3b_ref,
             out_ref):
        g1 = g1w_ref[...]
        t = _relu(_dot(a_ref[...], g1[0:64]) + _dot(x_ref[...], g1[64:128])
                  + g1b_ref[...])
        t = _relu(_dot(t, g2w_ref[...]) + g2b_ref[...])
        g = _dot(t, g3w_ref[...]) + g3b_ref[...]
        v = _relu(_dot(g, h1w_ref[...]) + h1b_ref[...])
        v = _relu(_dot(v, h2w_ref[...]) + h2b_ref[...])
        out_ref[...] = _dot(v, h3w_ref[...]) + h3b_ref[...]

    return pl.pallas_call(
        body,
        out_shape=jax.ShapeDtypeStruct((N_NODES, nout), jnp.float32),
    )(aggr, h1, g1w, g1b.reshape(1, 64), g2w, g2b.reshape(1, 64),
      g3w, g3b.reshape(1, 64), h1w, h1b.reshape(1, 64),
      h2w, h2b.reshape(1, 64), h3w, h3b.reshape(1, nout))



@functools.partial(
    pl.kernel,
    out_type=[jax.ShapeDtypeStruct((N_EDGES, 128), jnp.float32),
              jax.ShapeDtypeStruct((N_EDGES, 128), jnp.float32)],
    mesh=_mesh,
    compiler_params=pltpu.CompilerParams(needs_layout_passes=False),
    scratch_types=[
        pltpu.VMEM((EPT,), jnp.int32),
        pltpu.VMEM((EPT,), jnp.int32),
        pltpu.VMEM((GB, 128), jnp.float32),
        pltpu.VMEM((GB, 128), jnp.float32),
        pltpu.SemaphoreType.DMA,
        pltpu.SemaphoreType.DMA,
    ],
)
def _sc_gather(pq_hbm, dst_hbm, src_hbm, e1_hbm, e2_hbm,
               dbuf, sbuf, buf_a, buf_b, sem_a, sem_b):
    base = _wid() * EPT
    pltpu.sync_copy(dst_hbm.at[pl.ds(base, EPT)], dbuf)
    pltpu.sync_copy(src_hbm.at[pl.ds(base, EPT)], sbuf)

    def grp(g, carry):
        off = g * GB
        ca = pltpu.async_copy(pq_hbm.at[dbuf.at[pl.ds(off, GB)]], buf_a, sem_a)
        cb = pltpu.async_copy(pq_hbm.at[sbuf.at[pl.ds(off, GB)]], buf_b, sem_b)
        ca.wait()
        cb.wait()
        pltpu.sync_copy(buf_a, e1_hbm.at[pl.ds(base + off, GB)])
        pltpu.sync_copy(buf_b, e2_hbm.at[pl.ds(base + off, GB)])
        return carry

    lax.fori_loop(0, EPT // GB, grp, 0)


@functools.partial(
    pl.kernel,
    out_type=jax.ShapeDtypeStruct((NPAD, 64), jnp.float32),
    mesh=_mesh,
    compiler_params=pltpu.CompilerParams(needs_layout_passes=False),
    scratch_types=[
        pltpu.VMEM((CH,), jnp.int32),
        pltpu.VMEM((FLUSH + 32,), jnp.int32),
        pltpu.VMEM((FLUSH + 32,), jnp.int32),
        pltpu.VMEM((FLUSH,), jnp.int32),
        pltpu.VMEM((FLUSH, 128), jnp.float32),
        pltpu.VMEM((NPT + 1, 64), jnp.float32),
        pltpu.SemaphoreType.DMA,
    ],
)
def _sc_segmax(m_hbm, dst_hbm, out_hbm, dbuf, pend_e, pend_d, gidx, rows,
               aggr, sem):
    wid = _wid()
    lo = wid * NPT
    hi = lo + NPT
    neg = jnp.full((LANES,), -jnp.inf, jnp.float32)
    lane = lax.iota(jnp.int32, LANES)

    def ini(t, carry):
        for f in range(4):
            aggr[t, pl.ds(f * 16, 16)] = neg
        return carry

    lax.fori_loop(0, NPT + 1, ini, 0)

    def flush():
        for k in range(FLUSH // LANES):
            gidx[pl.ds(k * LANES, LANES)] = pend_e[pl.ds(k * LANES, LANES)]
        pltpu.async_copy(m_hbm.at[gidx], rows, sem).wait()

        def upd(j, carry):
            dl = pend_d[pl.ds(j, 16)][0]
            for f in range(4):
                sl = pl.ds(f * 16, 16)
                aggr[dl, sl] = jnp.maximum(aggr[dl, sl], rows[j, sl])
            return carry

        lax.fori_loop(0, FLUSH, upd, 0)

    def chunk(c, pcnt):
        pltpu.sync_copy(dst_hbm.at[pl.ds(c * CH, CH)], dbuf)

        def step(i, pcnt):
            d = dbuf[pl.ds(i * 16, 16)]
            m = (d >= lo) & (d < hi)
            eg = c * CH + i * 16 + lane
            pos = pcnt + plsc.cumsum(m.astype(jnp.int32)) - 1
            plsc.store_scatter(pend_e, [pos], eg, mask=m)
            plsc.store_scatter(pend_d, [pos], d - lo, mask=m)
            npc = pcnt + jnp.max(plsc.all_reduce_population_count(m))

            @pl.when(npc >= FLUSH)
            def _():
                flush()
                rem_e = pend_e[pl.ds(FLUSH, 16)]
                rem_d = pend_d[pl.ds(FLUSH, 16)]
                pend_e[pl.ds(0, 16)] = rem_e
                pend_d[pl.ds(0, 16)] = rem_d

            return jnp.where(npc >= FLUSH, npc - FLUSH, npc)

        return lax.fori_loop(0, CH // 16, step, pcnt)

    pcnt = lax.fori_loop(0, N_EDGES // CH, chunk, 0)

    for g in range(FLUSH // LANES):
        sl = pl.ds(g * LANES, LANES)
        valid = (g * LANES + lane) < pcnt
        pend_e[sl] = jnp.where(valid, pend_e[sl], 0)
        pend_d[sl] = jnp.where(valid, pend_d[sl], NPT)
    flush()

    def fin(t, carry):
        for f in range(4):
            sl = pl.ds(f * 16, 16)
            v = aggr[t, sl]
            aggr[t, sl] = jnp.where(v == -jnp.inf, 0.0, v)
        return carry

    lax.fori_loop(0, NPT, fin, 0)
    pltpu.sync_copy(aggr.at[pl.ds(0, NPT)], out_hbm.at[pl.ds(lo, NPT)])



def kernel(x, edge_index, params):
    src = edge_index[0]
    dst = edge_index[1]

    phi1, gamma1 = params["phi1"], params["gamma1"]
    phi2, gamma2 = params["phi2"], params["gamma2"]
    head = params["head"]

    pq1 = _stage0(x, phi1[0][0], phi1[0][1])
    ee1, ee2 = _sc_gather(pq1, dst, src)
    m1 = _edge_mlp(ee1, ee2, phi1[1][0], phi1[1][1], phi1[2][0], phi1[2][1])
    aggr1 = _sc_segmax(m1, dst)
    h1, pq2 = _stage1(aggr1[:N_NODES], x, gamma1, phi2[0][0], phi2[0][1])

    f1, f2 = _sc_gather(pq2, dst, src)
    m2 = _edge_mlp(f1, f2, phi2[1][0], phi2[1][1], phi2[2][0], phi2[2][1])
    aggr2 = _sc_segmax(m2, dst)

    out = _stage2(aggr2[:N_NODES], h1, gamma2, head)
    return out.reshape((-1, 100, 100))

# --- scband reference (transcript-rebuilt; emitter-appended) ---
"""Pipeline reference for scband-cbfgnn-33011118637573 (READ-ONLY COPY).

The authoritative reference and input builder live on the scoring server;
editing this copy changes nothing except your own understanding.
"""

import jax, jax.numpy as jnp
import numpy as np

N_NODES = 10000
N_EDGES = 320000
STATE_DIM = 128
PHI_DIM = 64
NUM_AGENTS = 100


def _init_mlp(key, in_dim, hidden, out_dim):
    dims = [in_dim] + list(hidden) + [out_dim]
    params = []
    for i in range(len(dims) - 1):
        key, k = jax.random.split(key)
        W = jax.random.normal(k, (dims[i], dims[i + 1]), dtype=jnp.float32) * (1.0 / np.sqrt(dims[i]))
        b = jnp.zeros((dims[i + 1],), dtype=jnp.float32)
        params.append((W, b))
    return params


def _mlp(params, x):
    n = len(params)
    for i, (W, b) in enumerate(params):
        x = x @ W + b
        if i < n - 1:
            x = jax.nn.relu(x)
    return x


def _cbf_layer(phi, gamma, x, src, dst, num_nodes):
    x_j = x[src]
    x_i = x[dst]
    info_ij = jnp.concatenate([x_i, x_j, x_j - x_i], axis=1)
    msg = _mlp(phi, info_ij)
    aggr = jax.ops.segment_max(msg, dst, num_segments=num_nodes)
    aggr = jnp.where(jnp.isfinite(aggr), aggr, 0.0)
    gamma_input = jnp.concatenate([aggr, x], axis=1)
    return _mlp(gamma, gamma_input)


def setup_inputs(seed: int = 0) -> dict:
    key = jax.random.key(seed)
    ks = jax.random.split(key, 8)
    x = jax.random.normal(ks[0], (N_NODES, STATE_DIM), dtype=jnp.float32)
    edge_index = jax.random.randint(ks[1], (2, N_EDGES), 0, N_NODES, dtype=jnp.int32)
    params = {
        "phi1": _init_mlp(ks[2], 3 * STATE_DIM, (64, 64), PHI_DIM),
        "gamma1": _init_mlp(ks[3], PHI_DIM + STATE_DIM, (64, 64), 64),
        "phi2": _init_mlp(ks[4], 3 * 64, (64, 64), PHI_DIM),
        "gamma2": _init_mlp(ks[5], PHI_DIM + 64, (64, 64), 64),
        "head": _init_mlp(ks[6], 64, (64, 64), NUM_AGENTS),
    }
    return {"x": x, "edge_index": edge_index, "params": params}


def reference(x, edge_index, params):
    src = edge_index[0]
    dst = edge_index[1]
    n = x.shape[0]
    h = _cbf_layer(params["phi1"], params["gamma1"], x, src, dst, n)
    h = jax.nn.relu(h)
    h = _cbf_layer(params["phi2"], params["gamma2"], h, src, dst, n)
    h = _mlp(params["head"], h)
    return h.reshape((-1, NUM_AGENTS, NUM_AGENTS))

if __name__ == "__main__":
    import jax
    _d = setup_inputs()
    print(jax.jit(kernel)(*tuple(_d.values())))

</pallas_src>

<mosaic_0001>
#map = affine_map<(d0, d1) -> (0, 0)>
#map1 = affine_map<(d0, d1) -> (0)>
module attributes {stable_mosaic.version = 14 : i64} {
  func.func @_sc_segmax(%arg0: i32, %arg1: i32, %arg2: memref<320000x128xf32, #tpu.memory_space<hbm>>, %arg3: memref<320000xi32, #tpu.memory_space<hbm>>, %arg4: memref<10240x64xf32, #tpu.memory_space<hbm>>, %arg5: memref<4000xi32, #tpu.memory_space<vmem>>, %arg6: memref<160xi32, #tpu.memory_space<vmem>>, %arg7: memref<160xi32, #tpu.memory_space<vmem>>, %arg8: memref<128xi32, #tpu.memory_space<vmem>>, %arg9: memref<128x128xf32, #tpu.memory_space<vmem>>, %arg10: memref<321x64xf32, #tpu.memory_space<vmem>>, %arg11: memref<!tpu.dma_semaphore, #tpu.memory_space<semaphore_mem>>) attributes {dimension_semantics = [#tpu.dimension_semantics<core_parallel>, #tpu.dimension_semantics<subcore_parallel>], iteration_bounds = array<i64: 2, 16>, scalar_prefetch = 0 : i64, scratch_operands = 7 : i64, tpu.core_type = #tpu.core_type<sc_vector_subcore>, window_params = [{transform_indices = #map}, {transform_indices = #map1}, {transform_indices = #map}]} {
    %mul3A = arith.constant 2 : i32
    %mul3A_0 = arith.muli %arg1, %mul3A : i32
    %add3A = arith.addi %mul3A_0, %arg0 : i32
    %mul3A_1 = arith.constant 320 : i32
    %mul3A_2 = arith.muli %add3A, %mul3A_1 : i32
    %add3A_3 = arith.constant 320 : i32
    %add3A_4 = arith.addi %mul3A_2, %add3A_3 : i32
    %broadcast_in_dim3A = arith.constant 0xFF800000 : f32
    %broadcast_in_dim3A_5 = vector.broadcast %broadcast_in_dim3A : f32 to vector<16xf32>
    %iota3A = tpu.iota {dimensions = array<i32: 0>} : vector<16xi32>
    %scan3A = arith.constant 0 : i32
    %scan3A_6 = arith.constant 0 : i32
    %scan3A_7 = arith.constant 321 : i32
    %scan3A_8 = arith.addi %scan3A_6, %scan3A_7 : i32
    %scan3A_9 = arith.constant 1 : i32
    scf.for %scan3A_213 = %scan3A_6 to %scan3A_8 step %scan3A_9  : i32 {
      %swap3A_214 = arith.index_cast %scan3A_213 : i32 to index
      %swap3A_215 = arith.constant 0 : index
      %swap3A_216 = tpu.vector_load %arg10[%swap3A_214, %swap3A_215] {strides = array<i32>} : memref<321x64xf32, #tpu.memory_space<vmem>>, vector<16xf32>,
      tpu.vector_store %arg10[%swap3A_214, %swap3A_215], %broadcast_in_dim3A_5 {strides = array<i32>} : memref<321x64xf32, #tpu.memory_space<vmem>>, vector<16xf32>,
      %swap3A_217 = arith.index_cast %scan3A_213 : i32 to index
      %swap3A_218 = arith.constant 16 : index
      %swap3A_219 = tpu.vector_load %arg10[%swap3A_217, %swap3A_218] {strides = array<i32>} : memref<321x64xf32, #tpu.memory_space<vmem>>, vector<16xf32>,
      tpu.vector_store %arg10[%swap3A_217, %swap3A_218], %broadcast_in_dim3A_5 {strides = array<i32>} : memref<321x64xf32, #tpu.memory_space<vmem>>, vector<16xf32>,
      %swap3A_220 = arith.index_cast %scan3A_213 : i32 to index
      %swap3A_221 = arith.constant 32 : index
      %swap3A_222 = tpu.vector_load %arg10[%swap3A_220, %swap3A_221] {strides = array<i32>} : memref<321x64xf32, #tpu.memory_space<vmem>>, vector<16xf32>,
      tpu.vector_store %arg10[%swap3A_220, %swap3A_221], %broadcast_in_dim3A_5 {strides = array<i32>} : memref<321x64xf32, #tpu.memory_space<vmem>>, vector<16xf32>,
      %swap3A_223 = arith.index_cast %scan3A_213 : i32 to index
      %swap3A_224 = arith.constant 48 : index
      %swap3A_225 = tpu.vector_load %arg10[%swap3A_223, %swap3A_224] {strides = array<i32>} : memref<321x64xf32, #tpu.memory_space<vmem>>, vector<16xf32>,
      tpu.vector_store %arg10[%swap3A_223, %swap3A_224], %broadcast_in_dim3A_5 {strides = array<i32>} : memref<321x64xf32, #tpu.memory_space<vmem>>, vector<16xf32>,
    }
    %scan3A_10 = arith.constant 321 : i32
    %scan3A_11 = arith.constant 0 : i32
    %scan3A_12 = arith.constant 0 : i32
    %scan3A_13 = arith.constant 80 : i32
    %scan3A_14 = arith.addi %scan3A_12, %scan3A_13 : i32
    %scan3A_15 = arith.constant 1 : i32
    %scan3A_16 = scf.for %scan3A_213 = %scan3A_12 to %scan3A_14 step %scan3A_15 iter_args(%scan3A_214 = %scan3A_11) -> (i32)  : i32 {
      %mul3A_215 = arith.constant 4000 : i32
      %mul3A_216 = arith.muli %scan3A_213, %mul3A_215 : i32
      "tpu.region"() ({
        %run_scoped3A = tpu.sem_alloc : memref<!tpu.dma_semaphore, #tpu.memory_space<semaphore_mem>>
        %dma_start3A_223 = tpu.memref_slice %arg3[%mul3A_216] : memref<320000xi32, #tpu.memory_space<hbm>> -> memref<4000xi32, #tpu.memory_space<hbm>>
        %dma_start3A_224 = tpu.memref_slice %arg3[%mul3A_216] : memref<320000xi32, #tpu.memory_space<hbm>> -> memref<4000xi32, #tpu.memory_space<hbm>>
        tpu.enqueue_dma source(%dma_start3A_224 : memref<4000xi32, #tpu.memory_space<hbm>>) target(%arg5 : memref<4000xi32, #tpu.memory_space<vmem>>) target_semaphore(%run_scoped3A : memref<!tpu.dma_semaphore, #tpu.memory_space<semaphore_mem>>)
        %dma_wait3A_225 = tpu.memref_slice %arg3[%mul3A_216] : memref<320000xi32, #tpu.memory_space<hbm>> -> memref<4000xi32, #tpu.memory_space<hbm>>
        %dma_wait3A_226 = tpu.memref_slice %arg3[%mul3A_216] : memref<320000xi32, #tpu.memory_space<hbm>> -> memref<4000xi32, #tpu.memory_space<hbm>>
        tpu.wait_dma2 semaphore(%run_scoped3A : memref<!tpu.dma_semaphore, #tpu.memory_space<semaphore_mem>>) src(%dma_wait3A_226 : memref<4000xi32, #tpu.memory_space<hbm>>) dst(%arg5 : memref<4000xi32, #tpu.memory_space<vmem>>)
        tpu.yield
      }) : () -> ()
      %scan3A_217 = arith.constant 0 : i32
      %scan3A_218 = arith.constant 250 : i32
      %scan3A_219 = arith.addi %scan3A_217, %scan3A_218 : i32
      %scan3A_220 = arith.constant 1 : i32
      %scan3A_221 = scf.for %scan3A_223 = %scan3A_217 to %scan3A_219 step %scan3A_220 iter_args(%scan3A_224 = %scan3A_214) -> (i32)  : i32 {
        %mul3A_225 = arith.constant 16 : i32
        %mul3A_226 = arith.muli %scan3A_223, %mul3A_225 : i32
        %get3A_227 = arith.index_cast %mul3A_226 : i32 to index
        %get3A_228 = tpu.vector_load %arg5[%get3A_227] {strides = array<i32>} : memref<4000xi32, #tpu.memory_space<vmem>>, vector<16xi32>,
        %ge3A = vector.broadcast %mul3A_2 : i32 to vector<16xi32>
        %ge3A_229 = arith.cmpi sge, %get3A_228, %ge3A : vector<16xi32>
        %lt3A_230 = vector.broadcast %add3A_4 : i32 to vector<16xi32>
        %lt3A_231 = arith.cmpi slt, %get3A_228, %lt3A_230 : vector<16xi32>
        %and3A = arith.andi %ge3A_229, %lt3A_231 : vector<16xi1>
        %mul3A_232 = arith.constant 4000 : i32
        %mul3A_233 = arith.muli %scan3A_213, %mul3A_232 : i32
        %mul3A_234 = arith.constant 16 : i32
        %mul3A_235 = arith.muli %scan3A_223, %mul3A_234 : i32
        %add3A_236 = arith.addi %mul3A_233, %mul3A_235 : i32
        %add3A_237 = vector.broadcast %add3A_236 : i32 to vector<16xi32>
        %add3A_238 = arith.addi %add3A_237, %iota3A : vector<16xi32>
        %convert_element_type3A = arith.extui %and3A : vector<16xi1> to vector<16xi32>
        %broadcast_in_dim3A_239 = arith.constant true
        %broadcast_in_dim3A_240 = vector.broadcast %broadcast_in_dim3A_239 : i1 to vector<16xi1>
        %masked_cumsum3A = tpu.scan <sum>, %convert_element_type3A masked %broadcast_in_dim3A_240 : vector<16xi32>, vector<16xi1> -> vector<16xi32>
        %add3A_241 = vector.broadcast %scan3A_224 : i32 to vector<16xi32>
        %add3A_242 = arith.addi %add3A_241, %masked_cumsum3A : vector<16xi32>
        %sub3A = arith.constant 1 : i32
        %sub3A_243 = vector.broadcast %sub3A : i32 to vector<16xi32>
        %sub3A_244 = arith.subi %add3A_242, %sub3A_243 : vector<16xi32>
        tpu.vector_store_idx %arg6[%sub3A_244], %add3A_238 masked %and3A : memref<160xi32, #tpu.memory_space<vmem>>[vector<16xi32>], vector<16xi32>, vector<16xi1>
        %sub3A_245 = vector.broadcast %mul3A_2 : i32 to vector<16xi32>
        %sub3A_246 = arith.subi %get3A_228, %sub3A_245 : vector<16xi32>
        tpu.vector_store_idx %arg7[%sub3A_244], %sub3A_246 masked %and3A : memref<160xi32, #tpu.memory_space<vmem>>[vector<16xi32>], vector<16xi32>, vector<16xi1>
        %all_reduce_population_count3A = tpu.all_reduce %and3A {dim = 0 : i64, kind = #tpu.reduction_kind<sum>} : vector<16xi1> -> vector<16xi32>
        %reduce_max3A = arith.constant true
        %reduce_max3A_247 = vector.broadcast %reduce_max3A : i1 to vector<16xi1>
        %reduce_max3A_248 = arith.constant -2147483648 : i32
        %reduce_max3A_249 = vector.broadcast %reduce_max3A_248 : i32 to vector<16xi32>
        %reduce_max3A_250 = arith.xori %all_reduce_population_count3A, %reduce_max3A_249 : vector<16xi32>
        %reduce_max3A_251 = tpu.scan <max>, %reduce_max3A_250 masked %reduce_max3A_247 : vector<16xi32>, vector<16xi1> -> vector<16xi32>
        %reduce_max3A_252 = arith.xori %reduce_max3A_251, %reduce_max3A_249 : vector<16xi32>
        %reduce_max3A_253 = vector.extract %reduce_max3A_252[15] : i32 from vector<16xi32>
        %add3A_254 = arith.addi %scan3A_224, %reduce_max3A_253 : i32
        %ge3A_255 = arith.constant 128 : i32
        %ge3A_256 = arith.cmpi sge, %add3A_254, %ge3A_255 : i32
        %convert_element_type3A_257 = arith.extui %ge3A_256 : i1 to i32
        %cond3A = arith.constant 0 : i32
        %cond3A_258 = arith.cmpi ne, %convert_element_type3A_257, %cond3A : i32
        scf.if %cond3A_258 {
          %get3A_264 = arith.constant 0 : index
          %get3A_265 = tpu.vector_load %arg6[%get3A_264] {strides = array<i32>} : memref<160xi32, #tpu.memory_space<vmem>>, vector<16xi32>,
          %swap3A_266 = arith.constant 0 : index
          %swap3A_267 = tpu.vector_load %arg8[%swap3A_266] {strides = array<i32>} : memref<128xi32, #tpu.memory_space<vmem>>, vector<16xi32>,
          tpu.vector_store %arg8[%swap3A_266], %get3A_265 {strides = array<i32>} : memref<128xi32, #tpu.memory_space<vmem>>, vector<16xi32>,
          %get3A_268 = arith.constant 16 : index
          %get3A_269 = tpu.vector_load %arg6[%get3A_268] {strides = array<i32>} : memref<160xi32, #tpu.memory_space<vmem>>, vector<16xi32>,
          %swap3A_270 = arith.constant 16 : index
          %swap3A_271 = tpu.vector_load %arg8[%swap3A_270] {strides = array<i32>} : memref<128xi32, #tpu.memory_space<vmem>>, vector<16xi32>,
          tpu.vector_store %arg8[%swap3A_270], %get3A_269 {strides = array<i32>} : memref<128xi32, #tpu.memory_space<vmem>>, vector<16xi32>,
          %get3A_272 = arith.constant 32 : index
          %get3A_273 = tpu.vector_load %arg6[%get3A_272] {strides = array<i32>} : memref<160xi32, #tpu.memory_space<vmem>>, vector<16xi32>,
          %swap3A_274 = arith.constant 32 : index
          %swap3A_275 = tpu.vector_load %arg8[%swap3A_274] {strides = array<i32>} : memref<128xi32, #tpu.memory_space<vmem>>, vector<16xi32>,
          tpu.vector_store %arg8[%swap3A_274], %get3A_273 {strides = array<i32>} : memref<128xi32, #tpu.memory_space<vmem>>, vector<16xi32>,
          %get3A_276 = arith.constant 48 : index
          %get3A_277 = tpu.vector_load %arg6[%get3A_276] {strides = array<i32>} : memref<160xi32, #tpu.memory_space<vmem>>, vector<16xi32>,
          %swap3A_278 = arith.constant 48 : index
          %swap3A_279 = tpu.vector_load %arg8[%swap3A_278] {strides = array<i32>} : memref<128xi32, #tpu.memory_space<vmem>>, vector<16xi32>,
          tpu.vector_store %arg8[%swap3A_278], %get3A_277 {strides = array<i32>} : memref<128xi32, #tpu.memory_space<vmem>>, vector<16xi32>,
          %get3A_280 = arith.constant 64 : index
          %get3A_281 = tpu.vector_load %arg6[%get3A_280] {strides = array<i32>} : memref<160xi32, #tpu.memory_space<vmem>>, vector<16xi32>,
          %swap3A_282 = arith.constant 64 : index
          %swap3A_283 = tpu.vector_load %arg8[%swap3A_282] {strides = array<i32>} : memref<128xi32, #tpu.memory_space<vmem>>, vector<16xi32>,
          tpu.vector_store %arg8[%swap3A_282], %get3A_281 {strides = array<i32>} : memref<128xi32, #tpu.memory_space<vmem>>, vector<16xi32>,
          %get3A_284 = arith.constant 80 : index
          %get3A_285 = tpu.vector_load %arg6[%get3A_284] {strides = array<i32>} : memref<160xi32, #tpu.memory_space<vmem>>, vector<16xi32>,
          %swap3A_286 = arith.constant 80 : index
          %swap3A_287 = tpu.vector_load %arg8[%swap3A_286] {strides = array<i32>} : memref<128xi32, #tpu.memory_space<vmem>>, vector<16xi32>,
          tpu.vector_store %arg8[%swap3A_286], %get3A_285 {strides = array<i32>} : memref<128xi32, #tpu.memory_space<vmem>>, vector<16xi32>,
          %get3A_288 = arith.constant 96 : index
          %get3A_289 = tpu.vector_load %arg6[%get3A_288] {strides = array<i32>} : memref<160xi32, #tpu.memory_space<vmem>>, vector<16xi32>,
          %swap3A_290 = arith.constant 96 : index
          %swap3A_291 = tpu.vector_load %arg8[%swap3A_290] {strides = array<i32>} : memref<128xi32, #tpu.memory_space<vmem>>, vector<16xi32>,
          tpu.vector_store %arg8[%swap3A_290], %get3A_289 {strides = array<i32>} : memref<128xi32, #tpu.memory_space<vmem>>, vector<16xi32>,
          %get3A_292 = arith.constant 112 : index
          %get3A_293 = tpu.vector_load %arg6[%get3A_292] {strides = array<i32>} : memref<160xi32, #tpu.memory_space<vmem>>, vector<16xi32>,
          %swap3A_294 = arith.constant 112 : index
          %swap3A_295 = tpu.vector_load %arg8[%swap3A_294] {strides = array<i32>} : memref<128xi32, #tpu.memory_space<vmem>>, vector<16xi32>,
          tpu.vector_store %arg8[%swap3A_294], %get3A_293 {strides = array<i32>} : memref<128xi32, #tpu.memory_space<vmem>>, vector<16xi32>,
          %dma_start3A_296 = arith.constant 0 : i32
          %dma_start3A_297 = arith.constant 0 : i32
          %dma_start3A_298 = tpu.memref_slice %arg2[%dma_start3A_296, %dma_start3A_297] : memref<320000x128xf32, #tpu.memory_space<hbm>> -> memref<320000x128xf32, #tpu.memory_space<hbm>>
          tpu.enqueue_indirect_dma source(%dma_start3A_298 : memref<320000x128xf32, #tpu.memory_space<hbm>>) target(%arg9 : memref<128x128xf32, #tpu.memory_space<vmem>>) offsets(%arg8 : memref<128xi32, #tpu.memory_space<vmem>>) semaphore(%arg11 : memref<!tpu.dma_semaphore, #tpu.memory_space<semaphore_mem>>)
          %dma_wait3A_299 = arith.constant 0 : i32
          %dma_wait3A_300 = arith.constant 0 : i32
          %dma_wait3A_301 = tpu.memref_slice %arg2[%dma_wait3A_299, %dma_wait3A_300] : memref<320000x128xf32, #tpu.memory_space<hbm>> -> memref<320000x128xf32, #tpu.memory_space<hbm>>
          tpu.wait_indirect_dma semaphore(%arg11 : memref<!tpu.dma_semaphore, #tpu.memory_space<semaphore_mem>>) src(%dma_wait3A_301 : memref<320000x128xf32, #tpu.memory_space<hbm>>) dst(%arg9 : memref<128x128xf32, #tpu.memory_space<vmem>>)
          %scan3A_302 = arith.constant 0 : i32
          %scan3A_303 = arith.constant 0 : i32
          %scan3A_304 = arith.constant 128 : i32
          %scan3A_305 = arith.addi %scan3A_303, %scan3A_304 : i32
          %scan3A_306 = arith.constant 1 : i32
          scf.for %scan3A_316 = %scan3A_303 to %scan3A_305 step %scan3A_306  : i32 {
            %get3A_317 = arith.index_cast %scan3A_316 : i32 to index
            %get3A_318 = tpu.vector_load %arg7[%get3A_317] {strides = array<i32>} : memref<160xi32, #tpu.memory_space<vmem>>, vector<16xi32>,
            %slice3A = vector.extract_strided_slice %get3A_318 {offsets = [0], sizes = [1], strides = [1]} : vector<16xi32> to vector<1xi32>
            %squeeze3A = vector.extract %slice3A[0] : i32 from vector<1xi32>
            %get3A_319 = arith.index_cast %squeeze3A : i32 to index
            %get3A_320 = arith.constant 0 : index
            %get3A_321 = tpu.vector_load %arg10[%get3A_319, %get3A_320] {strides = array<i32>} : memref<321x64xf32, #tpu.memory_space<vmem>>, vector<16xf32>,
            %get3A_322 = arith.index_cast %scan3A_316 : i32 to index
            %get3A_323 = arith.constant 0 : index
            %get3A_324 = tpu.vector_load %arg9[%get3A_322, %get3A_323] {strides = array<i32>} : memref<128x128xf32, #tpu.memory_space<vmem>>, vector<16xf32>,
            %max3A = arith.maximumf %get3A_321, %get3A_324 : vector<16xf32>
            %swap3A_325 = arith.index_cast %squeeze3A : i32 to index
            %swap3A_326 = arith.constant 0 : index
            %swap3A_327 = tpu.vector_load %arg10[%swap3A_325, %swap3A_326] {strides = array<i32>} : memref<321x64xf32, #tpu.memory_space<vmem>>, vector<16xf32>,
            tpu.vector_store %arg10[%swap3A_325, %swap3A_326], %max3A {strides = array<i32>} : memref<321x64xf32, #tpu.memory_space<vmem>>, vector<16xf32>,
            %get3A_328 = arith.index_cast %squeeze3A : i32 to index
            %get3A_329 = arith.constant 16 : index
            %get3A_330 = tpu.vector_load %arg10[%get3A_328, %get3A_329] {strides = array<i32>} : memref<321x64xf32, #tpu.memory_space<vmem>>, vector<16xf32>,
            %get3A_331 = arith.index_cast %scan3A_316 : i32 to index
            %get3A_332 = arith.constant 16 : index
            %get3A_333 = tpu.vector_load %arg9[%get3A_331, %get3A_332] {strides = array<i32>} : memref<128x128xf32, #tpu.memory_space<vmem>>, vector<16xf32>,
            %max3A_334 = arith.maximumf %get3A_330, %get3A_333 : vector<16xf32>
            %swap3A_335 = arith.index_cast %squeeze3A : i32 to index
            %swap3A_336 = arith.constant 16 : index
            %swap3A_337 = tpu.vector_load %arg10[%swap3A_335, %swap3A_336] {strides = array<i32>} : memref<321x64xf32, #tpu.memory_space<vmem>>, vector<16xf32>,
            tpu.vector_store %arg10[%swap3A_335, %swap3A_336], %max3A_334 {strides = array<i32>} : memref<321x64xf32, #tpu.memory_space<vmem>>, vector<16xf32>,
            %get3A_338 = arith.index_cast %squeeze3A : i32 to index
            %get3A_339 = arith.constant 32 : index
            %get3A_340 = tpu.vector_load %arg10[%get3A_338, %get3A_339] {strides = array<i32>} : memref<321x64xf32, #tpu.memory_space<vmem>>, vector<16xf32>,
            %get3A_341 = arith.index_cast %scan3A_316 : i32 to index
            %get3A_342 = arith.constant 32 : index
            %get3A_343 = tpu.vector_load %arg9[%get3A_341, %get3A_342] {strides = array<i32>} : memref<128x128xf32, #tpu.memory_space<vmem>>, vector<16xf32>,
            %max3A_344 = arith.maximumf %get3A_340, %get3A_343 : vector<16xf32>
            %swap3A_345 = arith.index_cast %squeeze3A : i32 to index
            %swap3A_346 = arith.constant 32 : index
            %swap3A_347 = tpu.vector_load %arg10[%swap3A_345, %swap3A_346] {strides = array<i32>} : memref<321x64xf32, #tpu.memory_space<vmem>>, vector<16xf32>,
            tpu.vector_store %arg10[%swap3A_345, %swap3A_346], %max3A_344 {strides = array<i32>} : memref<321x64xf32, #tpu.memory_space<vmem>>, vector<16xf32>,
            %get3A_348 = arith.index_cast %squeeze3A : i32 to index
            %get3A_349 = arith.constant 48 : index
            %get3A_350 = tpu.vector_load %arg10[%get3A_348, %get3A_349] {strides = array<i32>} : memref<321x64xf32, #tpu.memory_space<vmem>>, vector<16xf32>,
            %get3A_351 = arith.index_cast %scan3A_316 : i32 to index
            %get3A_352 = arith.constant 48 : index
            %get3A_353 = tpu.vector_load %arg9[%get3A_351, %get3A_352] {strides = array<i32>} : memref<128x128xf32, #tpu.memory_space<vmem>>, vector<16xf32>,
            %max3A_354 = arith.maximumf %get3A_350, %get3A_353 : vector<16xf32>
            %swap3A_355 = arith.index_cast %squeeze3A : i32 to index
            %swap3A_356 = arith.constant 48 : index
            %swap3A_357 = tpu.vector_load %arg10[%swap3A_355, %swap3A_356] {strides = array<i32>} : memref<321x64xf32, #tpu.memory_space<vmem>>, vector<16xf32>,
            tpu.vector_store %arg10[%swap3A_355, %swap3A_356], %max3A_354 {strides = array<i32>} : memref<321x64xf32, #tpu.memory_space<vmem>>, vector<16xf32>,
          }
          %scan3A_307 = arith.constant 128 : i32
          %get3A_308 = arith.constant 128 : index
          %get3A_309 = tpu.vector_load %arg6[%get3A_308] {strides = array<i32>} : memref<160xi32, #tpu.memory_space<vmem>>, vector<16xi32>,
          %get3A_310 = arith.constant 128 : index
          %get3A_311 = tpu.vector_load %arg7[%get3A_310] {strides = array<i32>} : memref<160xi32, #tpu.memory_space<vmem>>, vector<16xi32>,
          %swap3A_312 = arith.constant 0 : index
          %swap3A_313 = tpu.vector_load %arg6[%swap3A_312] {strides = array<i32>} : memref<160xi32, #tpu.memory_space<vmem>>, vector<16xi32>,
          tpu.vector_store %arg6[%swap3A_312], %get3A_309 {strides = array<i32>} : memref<160xi32, #tpu.memory_space<vmem>>, vector<16xi32>,
          %swap3A_314 = arith.constant 0 : index
          %swap3A_315 = tpu.vector_load %arg7[%swap3A_314] {strides = array<i32>} : memref<160xi32, #tpu.memory_space<vmem>>, vector<16xi32>,
          tpu.vector_store %arg7[%swap3A_314], %get3A_311 {strides = array<i32>} : memref<160xi32, #tpu.memory_space<vmem>>, vector<16xi32>,
        } else {
        }
        %ge3A_259 = arith.constant 128 : i32
        %ge3A_260 = arith.cmpi sge, %add3A_254, %ge3A_259 : i32
        %sub3A_261 = arith.constant 128 : i32
        %sub3A_262 = arith.subi %add3A_254, %sub3A_261 : i32
        %select_n3A_263 = arith.select %ge3A_260, %sub3A_262, %add3A_254 : i32
        scf.yield %select_n3A_263 : i32
      }
      %scan3A_222 = arith.constant 250 : i32
      scf.yield %scan3A_221 : i32
    }
    %scan3A_17 = arith.constant 80 : i32
    %add3A_18 = arith.constant 0 : i32
    %add3A_19 = vector.broadcast %add3A_18 : i32 to vector<16xi32>
    %add3A_20 = arith.addi %add3A_19, %iota3A : vector<16xi32>
    %lt3A = vector.broadcast %scan3A_16 : i32 to vector<16xi32>
    %lt3A_21 = arith.cmpi slt, %add3A_20, %lt3A : vector<16xi32>
    %get3A = arith.constant 0 : index
    %get3A_22 = tpu.vector_load %arg6[%get3A] {strides = array<i32>} : memref<160xi32, #tpu.memory_space<vmem>>, vector<16xi32>,
    %jit3A = arith.constant 0 : i32
    %broadcast_in_dim3A_23 = vector.broadcast %jit3A : i32 to vector<16xi32>
    %select_n3A = arith.select %lt3A_21, %get3A_22, %broadcast_in_dim3A_23 : vector<16xi1>, vector<16xi32>
    %swap3A = arith.constant 0 : index
    %swap3A_24 = tpu.vector_load %arg6[%swap3A] {strides = array<i32>} : memref<160xi32, #tpu.memory_space<vmem>>, vector<16xi32>,
    tpu.vector_store %arg6[%swap3A], %select_n3A {strides = array<i32>} : memref<160xi32, #tpu.memory_space<vmem>>, vector<16xi32>,
    %get3A_25 = arith.constant 0 : index
    %get3A_26 = tpu.vector_load %arg7[%get3A_25] {strides = array<i32>} : memref<160xi32, #tpu.memory_space<vmem>>, vector<16xi32>,
    %jit3A_27 = arith.constant 320 : i32
    %broadcast_in_dim3A_28 = vector.broadcast %jit3A_27 : i32 to vector<16xi32>
    %select_n3A_29 = arith.select %lt3A_21, %get3A_26, %broadcast_in_dim3A_28 : vector<16xi1>, vector<16xi32>
    %swap3A_30 = arith.constant 0 : index
    %swap3A_31 = tpu.vector_load %arg7[%swap3A_30] {strides = array<i32>} : memref<160xi32, #tpu.memory_space<vmem>>, vector<16xi32>,
    tpu.vector_store %arg7[%swap3A_30], %select_n3A_29 {strides = array<i32>} : memref<160xi32, #tpu.memory_space<vmem>>, vector<16xi32>,
    %add3A_32 = arith.constant 16 : i32
    %add3A_33 = vector.broadcast %add3A_32 : i32 to vector<16xi32>
    %add3A_34 = arith.addi %add3A_33, %iota3A : vector<16xi32>
    %lt3A_35 = vector.broadcast %scan3A_16 : i32 to vector<16xi32>
    %lt3A_36 = arith.cmpi slt, %add3A_34, %lt3A_35 : vector<16xi32>
    %get3A_37 = arith.constant 16 : index
    %get3A_38 = tpu.vector_load %arg6[%get3A_37] {strides = array<i32>} : memref<160xi32, #tpu.memory_space<vmem>>, vector<16xi32>,
    %jit3A_39 = arith.constant 0 : i32
    %broadcast_in_dim3A_40 = vector.broadcast %jit3A_39 : i32 to vector<16xi32>
    %select_n3A_41 = arith.select %lt3A_36, %get3A_38, %broadcast_in_dim3A_40 : vector<16xi1>, vector<16xi32>
    %swap3A_42 = arith.constant 16 : index
    %swap3A_43 = tpu.vector_load %arg6[%swap3A_42] {strides = array<i32>} : memref<160xi32, #tpu.memory_space<vmem>>, vector<16xi32>,
    tpu.vector_store %arg6[%swap3A_42], %select_n3A_41 {strides = array<i32>} : memref<160xi32, #tpu.memory_space<vmem>>, vector<16xi32>,
    %get3A_44 = arith.constant 16 : index
    %get3A_45 = tpu.vector_load %arg7[%get3A_44] {strides = array<i32>} : memref<160xi32, #tpu.memory_space<vmem>>, vector<16xi32>,
    %jit3A_46 = arith.constant 320 : i32
    %broadcast_in_dim3A_47 = vector.broadcast %jit3A_46 : i32 to vector<16xi32>
    %select_n3A_48 = arith.select %lt3A_36, %get3A_45, %broadcast_in_dim3A_47 : vector<16xi1>, vector<16xi32>
    %swap3A_49 = arith.constant 16 : index
    %swap3A_50 = tpu.vector_load %arg7[%swap3A_49] {strides = array<i32>} : memref<160xi32, #tpu.memory_space<vmem>>, vector<16xi32>,
    tpu.vector_store %arg7[%swap3A_49], %select_n3A_48 {strides = array<i32>} : memref<160xi32, #tpu.memory_space<vmem>>, vector<16xi32>,
    %add3A_51 = arith.constant 32 : i32
    %add3A_52 = vector.broadcast %add3A_51 : i32 to vector<16xi32>
    %add3A_53 = arith.addi %add3A_52, %iota3A : vector<16xi32>
    %lt3A_54 = vector.broadcast %scan3A_16 : i32 to vector<16xi32>
    %lt3A_55 = arith.cmpi slt, %add3A_53, %lt3A_54 : vector<16xi32>
    %get3A_56 = arith.constant 32 : index
    %get3A_57 = tpu.vector_load %arg6[%get3A_56] {strides = array<i32>} : memref<160xi32, #tpu.memory_space<vmem>>, vector<16xi32>,
    %jit3A_58 = arith.constant 0 : i32
    %broadcast_in_dim3A_59 = vector.broadcast %jit3A_58 : i32 to vector<16xi32>
    %select_n3A_60 = arith.select %lt3A_55, %get3A_57, %broadcast_in_dim3A_59 : vector<16xi1>, vector<16xi32>
    %swap3A_61 = arith.constant 32 : index
    %swap3A_62 = tpu.vector_load %arg6[%swap3A_61] {strides = array<i32>} : memref<160xi32, #tpu.memory_space<vmem>>, vector<16xi32>,
    tpu.vector_store %arg6[%swap3A_61], %select_n3A_60 {strides = array<i32>} : memref<160xi32, #tpu.memory_space<vmem>>, vector<16xi32>,
    %get3A_63 = arith.constant 32 : index
    %get3A_64 = tpu.vector_load %arg7[%get3A_63] {strides = array<i32>} : memref<160xi32, #tpu.memory_space<vmem>>, vector<16xi32>,
    %jit3A_65 = arith.constant 320 : i32
    %broadcast_in_dim3A_66 = vector.broadcast %jit3A_65 : i32 to vector<16xi32>
    %select_n3A_67 = arith.select %lt3A_55, %get3A_64, %broadcast_in_dim3A_66 : vector<16xi1>, vector<16xi32>
    %swap3A_68 = arith.constant 32 : index
    %swap3A_69 = tpu.vector_load %arg7[%swap3A_68] {strides = array<i32>} : memref<160xi32, #tpu.memory_space<vmem>>, vector<16xi32>,
    tpu.vector_store %arg7[%swap3A_68], %select_n3A_67 {strides = array<i32>} : memref<160xi32, #tpu.memory_space<vmem>>, vector<16xi32>,
    %add3A_70 = arith.constant 48 : i32
    %add3A_71 = vector.broadcast %add3A_70 : i32 to vector<16xi32>
    %add3A_72 = arith.addi %add3A_71, %iota3A : vector<16xi32>
    %lt3A_73 = vector.broadcast %scan3A_16 : i32 to vector<16xi32>
    %lt3A_74 = arith.cmpi slt, %add3A_72, %lt3A_73 : vector<16xi32>
    %get3A_75 = arith.constant 48 : index
    %get3A_76 = tpu.vector_load %arg6[%get3A_75] {strides = array<i32>} : memref<160xi32, #tpu.memory_space<vmem>>, vector<16xi32>,
    %jit3A_77 = arith.constant 0 : i32
    %broadcast_in_dim3A_78 = vector.broadcast %jit3A_77 : i32 to vector<16xi32>
    %select_n3A_79 = arith.select %lt3A_74, %get3A_76, %broadcast_in_dim3A_78 : vector<16xi1>, vector<16xi32>
    %swap3A_80 = arith.constant 48 : index
    %swap3A_81 = tpu.vector_load %arg6[%swap3A_80] {strides = array<i32>} : memref<160xi32, #tpu.memory_space<vmem>>, vector<16xi32>,
    tpu.vector_store %arg6[%swap3A_80], %select_n3A_79 {strides = array<i32>} : memref<160xi32, #tpu.memory_space<vmem>>, vector<16xi32>,
    %get3A_82 = arith.constant 48 : index
    %get3A_83 = tpu.vector_load %arg7[%get3A_82] {strides = array<i32>} : memref<160xi32, #tpu.memory_space<vmem>>, vector<16xi32>,
    %jit3A_84 = arith.constant 320 : i32
    %broadcast_in_dim3A_85 = vector.broadcast %jit3A_84 : i32 to vector<16xi32>
    %select_n3A_86 = arith.select %lt3A_74, %get3A_83, %broadcast_in_dim3A_85 : vector<16xi1>, vector<16xi32>
    %swap3A_87 = arith.constant 48 : index
    %swap3A_88 = tpu.vector_load %arg7[%swap3A_87] {strides = array<i32>} : memref<160xi32, #tpu.memory_space<vmem>>, vector<16xi32>,
    tpu.vector_store %arg7[%swap3A_87], %select_n3A_86 {strides = array<i32>} : memref<160xi32, #tpu.memory_space<vmem>>, vector<16xi32>,
    %add3A_89 = arith.constant 64 : i32
    %add3A_90 = vector.broadcast %add3A_89 : i32 to vector<16xi32>
    %add3A_91 = arith.addi %add3A_90, %iota3A : vector<16xi32>
    %lt3A_92 = vector.broadcast %scan3A_16 : i32 to vector<16xi32>
    %lt3A_93 = arith.cmpi slt, %add3A_91, %lt3A_92 : vector<16xi32>
    %get3A_94 = arith.constant 64 : index
    %get3A_95 = tpu.vector_load %arg6[%get3A_94] {strides = array<i32>} : memref<160xi32, #tpu.memory_space<vmem>>, vector<16xi32>,
    %jit3A_96 = arith.constant 0 : i32
    %broadcast_in_dim3A_97 = vector.broadcast %jit3A_96 : i32 to vector<16xi32>
    %select_n3A_98 = arith.select %lt3A_93, %get3A_95, %broadcast_in_dim3A_97 : vector<16xi1>, vector<16xi32>
    %swap3A_99 = arith.constant 64 : index
    %swap3A_100 = tpu.vector_load %arg6[%swap3A_99] {strides = array<i32>} : memref<160xi32, #tpu.memory_space<vmem>>, vector<16xi32>,
    tpu.vector_store %arg6[%swap3A_99], %select_n3A_98 {strides = array<i32>} : memref<160xi32, #tpu.memory_space<vmem>>, vector<16xi32>,
    %get3A_101 = arith.constant 64 : index
    %get3A_102 = tpu.vector_load %arg7[%get3A_101] {strides = array<i32>} : memref<160xi32, #tpu.memory_space<vmem>>, vector<16xi32>,
    %jit3A_103 = arith.constant 320 : i32
    %broadcast_in_dim3A_104 = vector.broadcast %jit3A_103 : i32 to vector<16xi32>
    %select_n3A_105 = arith.select %lt3A_93, %get3A_102, %broadcast_in_dim3A_104 : vector<16xi1>, vector<16xi32>
    %swap3A_106 = arith.constant 64 : index
    %swap3A_107 = tpu.vector_load %arg7[%swap3A_106] {strides = array<i32>} : memref<160xi32, #tpu.memory_space<vmem>>, vector<16xi32>,
    tpu.vector_store %arg7[%swap3A_106], %select_n3A_105 {strides = array<i32>} : memref<160xi32, #tpu.memory_space<vmem>>, vector<16xi32>,
    %add3A_108 = arith.constant 80 : i32
    %add3A_109 = vector.broadcast %add3A_108 : i32 to vector<16xi32>
    %add3A_110 = arith.addi %add3A_109, %iota3A : vector<16xi32>
    %lt3A_111 = vector.broadcast %scan3A_16 : i32 to vector<16xi32>
    %lt3A_112 = arith.cmpi slt, %add3A_110, %lt3A_111 : vector<16xi32>
    %get3A_113 = arith.constant 80 : index
    %get3A_114 = tpu.vector_load %arg6[%get3A_113] {strides = array<i32>} : memref<160xi32, #tpu.memory_space<vmem>>, vector<16xi32>,
    %jit3A_115 = arith.constant 0 : i32
    %broadcast_in_dim3A_116 = vector.broadcast %jit3A_115 : i32 to vector<16xi32>
    %select_n3A_117 = arith.select %lt3A_112, %get3A_114, %broadcast_in_dim3A_116 : vector<16xi1>, vector<16xi32>
    %swap3A_118 = arith.constant 80 : index
    %swap3A_119 = tpu.vector_load %arg6[%swap3A_118] {strides = array<i32>} : memref<160xi32, #tpu.memory_space<vmem>>, vector<16xi32>,
    tpu.vector_store %arg6[%swap3A_118], %select_n3A_117 {strides = array<i32>} : memref<160xi32, #tpu.memory_space<vmem>>, vector<16xi32>,
    %get3A_120 = arith.constant 80 : index
    %get3A_121 = tpu.vector_load %arg7[%get3A_120] {strides = array<i32>} : memref<160xi32, #tpu.memory_space<vmem>>, vector<16xi32>,
    %jit3A_122 = arith.constant 320 : i32
    %broadcast_in_dim3A_123 = vector.broadcast %jit3A_122 : i32 to vector<16xi32>
    %select_n3A_124 = arith.select %lt3A_112, %get3A_121, %broadcast_in_dim3A_123 : vector<16xi1>, vector<16xi32>
    %swap3A_125 = arith.constant 80 : index
    %swap3A_126 = tpu.vector_load %arg7[%swap3A_125] {strides = array<i32>} : memref<160xi32, #tpu.memory_space<vmem>>, vector<16xi32>,
    tpu.vector_store %arg7[%swap3A_125], %select_n3A_124 {strides = array<i32>} : memref<160xi32, #tpu.memory_space<vmem>>, vector<16xi32>,
    %add3A_127 = arith.constant 96 : i32
    %add3A_128 = vector.broadcast %add3A_127 : i32 to vector<16xi32>
    %add3A_129 = arith.addi %add3A_128, %iota3A : vector<16xi32>
    %lt3A_130 = vector.broadcast %scan3A_16 : i32 to vector<16xi32>
    %lt3A_131 = arith.cmpi slt, %add3A_129, %lt3A_130 : vector<16xi32>
    %get3A_132 = arith.constant 96 : index
    %get3A_133 = tpu.vector_load %arg6[%get3A_132] {strides = array<i32>} : memref<160xi32, #tpu.memory_space<vmem>>, vector<16xi32>,
    %jit3A_134 = arith.constant 0 : i32
    %broadcast_in_dim3A_135 = vector.broadcast %jit3A_134 : i32 to vector<16xi32>
    %select_n3A_136 = arith.select %lt3A_131, %get3A_133, %broadcast_in_dim3A_135 : vector<16xi1>, vector<16xi32>
    %swap3A_137 = arith.constant 96 : index
    %swap3A_138 = tpu.vector_load %arg6[%swap3A_137] {strides = array<i32>} : memref<160xi32, #tpu.memory_space<vmem>>, vector<16xi32>,
    tpu.vector_store %arg6[%swap3A_137], %select_n3A_136 {strides = array<i32>} : memref<160xi32, #tpu.memory_space<vmem>>, vector<16xi32>,
    %get3A_139 = arith.constant 96 : index
    %get3A_140 = tpu.vector_load %arg7[%get3A_139] {strides = array<i32>} : memref<160xi32, #tpu.memory_space<vmem>>, vector<16xi32>,
    %jit3A_141 = arith.constant 320 : i32
    %broadcast_in_dim3A_142 = vector.broadcast %jit3A_141 : i32 to vector<16xi32>
    %select_n3A_143 = arith.select %lt3A_131, %get3A_140, %broadcast_in_dim3A_142 : vector<16xi1>, vector<16xi32>
    %swap3A_144 = arith.constant 96 : index
    %swap3A_145 = tpu.vector_load %arg7[%swap3A_144] {strides = array<i32>} : memref<160xi32, #tpu.memory_space<vmem>>, vector<16xi32>,
    tpu.vector_store %arg7[%swap3A_144], %select_n3A_143 {strides = array<i32>} : memref<160xi32, #tpu.memory_space<vmem>>, vector<16xi32>,
    %add3A_146 = arith.constant 112 : i32
    %add3A_147 = vector.broadcast %add3A_146 : i32 to vector<16xi32>
    %add3A_148 = arith.addi %add3A_147, %iota3A : vector<16xi32>
    %lt3A_149 = vector.broadcast %scan3A_16 : i32 to vector<16xi32>
    %lt3A_150 = arith.cmpi slt, %add3A_148, %lt3A_149 : vector<16xi32>
    %get3A_151 = arith.constant 112 : index
    %get3A_152 = tpu.vector_load %arg6[%get3A_151] {strides = array<i32>} : memref<160xi32, #tpu.memory_space<vmem>>, vector<16xi32>,
    %jit3A_153 = arith.constant 0 : i32
    %broadcast_in_dim3A_154 = vector.broadcast %jit3A_153 : i32 to vector<16xi32>
    %select_n3A_155 = arith.select %lt3A_150, %get3A_152, %broadcast_in_dim3A_154 : vector<16xi1>, vector<16xi32>
    %swap3A_156 = arith.constant 112 : index
    %swap3A_157 = tpu.vector_load %arg6[%swap3A_156] {strides = array<i32>} : memref<160xi32, #tpu.memory_space<vmem>>, vector<16xi32>,
    tpu.vector_store %arg6[%swap3A_156], %select_n3A_155 {strides = array<i32>} : memref<160xi32, #tpu.memory_space<vmem>>, vector<16xi32>,
    %get3A_158 = arith.constant 112 : index
    %get3A_159 = tpu.vector_load %arg7[%get3A_158] {strides = array<i32>} : memref<160xi32, #tpu.memory_space<vmem>>, vector<16xi32>,
    %jit3A_160 = arith.constant 320 : i32
    %broadcast_in_dim3A_161 = vector.broadcast %jit3A_160 : i32 to vector<16xi32>
    %select_n3A_162 = arith.select %lt3A_150, %get3A_159, %broadcast_in_dim3A_161 : vector<16xi1>, vector<16xi32>
    %swap3A_163 = arith.constant 112 : index
    %swap3A_164 = tpu.vector_load %arg7[%swap3A_163] {strides = array<i32>} : memref<160xi32, #tpu.memory_space<vmem>>, vector<16xi32>,
    tpu.vector_store %arg7[%swap3A_163], %select_n3A_162 {strides = array<i32>} : memref<160xi32, #tpu.memory_space<vmem>>, vector<16xi32>,
    %get3A_165 = arith.constant 0 : index
    %get3A_166 = tpu.vector_load %arg6[%get3A_165] {strides = array<i32>} : memref<160xi32, #tpu.memory_space<vmem>>, vector<16xi32>,
    %swap3A_167 = arith.constant 0 : index
    %swap3A_168 = tpu.vector_load %arg8[%swap3A_167] {strides = array<i32>} : memref<128xi32, #tpu.memory_space<vmem>>, vector<16xi32>,
    tpu.vector_store %arg8[%swap3A_167], %get3A_166 {strides = array<i32>} : memref<128xi32, #tpu.memory_space<vmem>>, vector<16xi32>,
    %get3A_169 = arith.constant 16 : index
    %get3A_170 = tpu.vector_load %arg6[%get3A_169] {strides = array<i32>} : memref<160xi32, #tpu.memory_space<vmem>>, vector<16xi32>,
    %swap3A_171 = arith.constant 16 : index
    %swap3A_172 = tpu.vector_load %arg8[%swap3A_171] {strides = array<i32>} : memref<128xi32, #tpu.memory_space<vmem>>, vector<16xi32>,
    tpu.vector_store %arg8[%swap3A_171], %get3A_170 {strides = array<i32>} : memref<128xi32, #tpu.memory_space<vmem>>, vector<16xi32>,
    %get3A_173 = arith.constant 32 : index
    %get3A_174 = tpu.vector_load %arg6[%get3A_173] {strides = array<i32>} : memref<160xi32, #tpu.memory_space<vmem>>, vector<16xi32>,
    %swap3A_175 = arith.constant 32 : index
    %swap3A_176 = tpu.vector_load %arg8[%swap3A_175] {strides = array<i32>} : memref<128xi32, #tpu.memory_space<vmem>>, vector<16xi32>,
    tpu.vector_store %arg8[%swap3A_175], %get3A_174 {strides = array<i32>} : memref<128xi32, #tpu.memory_space<vmem>>, vector<16xi32>,
    %get3A_177 = arith.constant 48 : index
    %get3A_178 = tpu.vector_load %arg6[%get3A_177] {strides = array<i32>} : memref<160xi32, #tpu.memory_space<vmem>>, vector<16xi32>,
    %swap3A_179 = arith.constant 48 : index
    %swap3A_180 = tpu.vector_load %arg8[%swap3A_179] {strides = array<i32>} : memref<128xi32, #tpu.memory_space<vmem>>, vector<16xi32>,
    tpu.vector_store %arg8[%swap3A_179], %get3A_178 {strides = array<i32>} : memref<128xi32, #tpu.memory_space<vmem>>, vector<16xi32>,
    %get3A_181 = arith.constant 64 : index
    %get3A_182 = tpu.vector_load %arg6[%get3A_181] {strides = array<i32>} : memref<160xi32, #tpu.memory_space<vmem>>, vector<16xi32>,
    %swap3A_183 = arith.constant 64 : index
    %swap3A_184 = tpu.vector_load %arg8[%swap3A_183] {strides = array<i32>} : memref<128xi32, #tpu.memory_space<vmem>>, vector<16xi32>,
    tpu.vector_store %arg8[%swap3A_183], %get3A_182 {strides = array<i32>} : memref<128xi32, #tpu.memory_space<vmem>>, vector<16xi32>,
    %get3A_185 = arith.constant 80 : index
    %get3A_186 = tpu.vector_load %arg6[%get3A_185] {strides = array<i32>} : memref<160xi32, #tpu.memory_space<vmem>>, vector<16xi32>,
    %swap3A_187 = arith.constant 80 : index
    %swap3A_188 = tpu.vector_load %arg8[%swap3A_187] {strides = array<i32>} : memref<128xi32, #tpu.memory_space<vmem>>, vector<16xi32>,
    tpu.vector_store %arg8[%swap3A_187], %get3A_186 {strides = array<i32>} : memref<128xi32, #tpu.memory_space<vmem>>, vector<16xi32>,
    %get3A_189 = arith.constant 96 : index
    %get3A_190 = tpu.vector_load %arg6[%get3A_189] {strides = array<i32>} : memref<160xi32, #tpu.memory_space<vmem>>, vector<16xi32>,
    %swap3A_191 = arith.constant 96 : index
    %swap3A_192 = tpu.vector_load %arg8[%swap3A_191] {strides = array<i32>} : memref<128xi32, #tpu.memory_space<vmem>>, vector<16xi32>,
    tpu.vector_store %arg8[%swap3A_191], %get3A_190 {strides = array<i32>} : memref<128xi32, #tpu.memory_space<vmem>>, vector<16xi32>,
    %get3A_193 = arith.constant 112 : index
    %get3A_194 = tpu.vector_load %arg6[%get3A_193] {strides = array<i32>} : memref<160xi32, #tpu.memory_space<vmem>>, vector<16xi32>,
    %swap3A_195 = arith.constant 112 : index
    %swap3A_196 = tpu.vector_load %arg8[%swap3A_195] {strides = array<i32>} : memref<128xi32, #tpu.memory_space<vmem>>, vector<16xi32>,
    tpu.vector_store %arg8[%swap3A_195], %get3A_194 {strides = array<i32>} : memref<128xi32, #tpu.memory_space<vmem>>, vector<16xi32>,
    %dma_start3A = arith.constant 0 : i32
    %dma_start3A_197 = arith.constant 0 : i32
    %dma_start3A_198 = tpu.memref_slice %arg2[%dma_start3A, %dma_start3A_197] : memref<320000x128xf32, #tpu.memory_space<hbm>> -> memref<320000x128xf32, #tpu.memory_space<hbm>>
    tpu.enqueue_indirect_dma source(%dma_start3A_198 : memref<320000x128xf32, #tpu.memory_space<hbm>>) target(%arg9 : memref<128x128xf32, #tpu.memory_space<vmem>>) offsets(%arg8 : memref<128xi32, #tpu.memory_space<vmem>>) semaphore(%arg11 : memref<!tpu.dma_semaphore, #tpu.memory_space<semaphore_mem>>)
    %dma_wait3A = arith.constant 0 : i32
    %dma_wait3A_199 = arith.constant 0 : i32
    %dma_wait3A_200 = tpu.memref_slice %arg2[%dma_wait3A, %dma_wait3A_199] : memref<320000x128xf32, #tpu.memory_space<hbm>> -> memref<320000x128xf32, #tpu.memory_space<hbm>>
    tpu.wait_indirect_dma semaphore(%arg11 : memref<!tpu.dma_semaphore, #tpu.memory_space<semaphore_mem>>) src(%dma_wait3A_200 : memref<320000x128xf32, #tpu.memory_space<hbm>>) dst(%arg9 : memref<128x128xf32, #tpu.memory_space<vmem>>)
    %scan3A_201 = arith.constant 0 : i32
    %scan3A_202 = arith.constant 0 : i32
    %scan3A_203 = arith.constant 128 : i32
    %scan3A_204 = arith.addi %scan3A_202, %scan3A_203 : i32
    %scan3A_205 = arith.constant 1 : i32
    scf.for %scan3A_213 = %scan3A_202 to %scan3A_204 step %scan3A_205  : i32 {
      %get3A_214 = arith.index_cast %scan3A_213 : i32 to index
      %get3A_215 = tpu.vector_load %arg7[%get3A_214] {strides = array<i32>} : memref<160xi32, #tpu.memory_space<vmem>>, vector<16xi32>,
      %slice3A = vector.extract_strided_slice %get3A_215 {offsets = [0], sizes = [1], strides = [1]} : vector<16xi32> to vector<1xi32>
      %squeeze3A = vector.extract %slice3A[0] : i32 from vector<1xi32>
      %get3A_216 = arith.index_cast %squeeze3A : i32 to index
      %get3A_217 = arith.constant 0 : index
      %get3A_218 = tpu.vector_load %arg10[%get3A_216, %get3A_217] {strides = array<i32>} : memref<321x64xf32, #tpu.memory_space<vmem>>, vector<16xf32>,
      %get3A_219 = arith.index_cast %scan3A_213 : i32 to index
      %get3A_220 = arith.constant 0 : index
      %get3A_221 = tpu.vector_load %arg9[%get3A_219, %get3A_220] {strides = array<i32>} : memref<128x128xf32, #tpu.memory_space<vmem>>, vector<16xf32>,
      %max3A = arith.maximumf %get3A_218, %get3A_221 : vector<16xf32>
      %swap3A_222 = arith.index_cast %squeeze3A : i32 to index
      %swap3A_223 = arith.constant 0 : index
      %swap3A_224 = tpu.vector_load %arg10[%swap3A_222, %swap3A_223] {strides = array<i32>} : memref<321x64xf32, #tpu.memory_space<vmem>>, vector<16xf32>,
      tpu.vector_store %arg10[%swap3A_222, %swap3A_223], %max3A {strides = array<i32>} : memref<321x64xf32, #tpu.memory_space<vmem>>, vector<16xf32>,
      %get3A_225 = arith.index_cast %squeeze3A : i32 to index
      %get3A_226 = arith.constant 16 : index
      %get3A_227 = tpu.vector_load %arg10[%get3A_225, %get3A_226] {strides = array<i32>} : memref<321x64xf32, #tpu.memory_space<vmem>>, vector<16xf32>,
      %get3A_228 = arith.index_cast %scan3A_213 : i32 to index
      %get3A_229 = arith.constant 16 : index
      %get3A_230 = tpu.vector_load %arg9[%get3A_228, %get3A_229] {strides = array<i32>} : memref<128x128xf32, #tpu.memory_space<vmem>>, vector<16xf32>,
      %max3A_231 = arith.maximumf %get3A_227, %get3A_230 : vector<16xf32>
      %swap3A_232 = arith.index_cast %squeeze3A : i32 to index
      %swap3A_233 = arith.constant 16 : index
      %swap3A_234 = tpu.vector_load %arg10[%swap3A_232, %swap3A_233] {strides = array<i32>} : memref<321x64xf32, #tpu.memory_space<vmem>>, vector<16xf32>,
      tpu.vector_store %arg10[%swap3A_232, %swap3A_233], %max3A_231 {strides = array<i32>} : memref<321x64xf32, #tpu.memory_space<vmem>>, vector<16xf32>,
      %get3A_235 = arith.index_cast %squeeze3A : i32 to index
      %get3A_236 = arith.constant 32 : index
      %get3A_237 = tpu.vector_load %arg10[%get3A_235, %get3A_236] {strides = array<i32>} : memref<321x64xf32, #tpu.memory_space<vmem>>, vector<16xf32>,
      %get3A_238 = arith.index_cast %scan3A_213 : i32 to index
      %get3A_239 = arith.constant 32 : index
      %get3A_240 = tpu.vector_load %arg9[%get3A_238, %get3A_239] {strides = array<i32>} : memref<128x128xf32, #tpu.memory_space<vmem>>, vector<16xf32>,
      %max3A_241 = arith.maximumf %get3A_237, %get3A_240 : vector<16xf32>
      %swap3A_242 = arith.index_cast %squeeze3A : i32 to index
      %swap3A_243 = arith.constant 32 : index
      %swap3A_244 = tpu.vector_load %arg10[%swap3A_242, %swap3A_243] {strides = array<i32>} : memref<321x64xf32, #tpu.memory_space<vmem>>, vector<16xf32>,
      tpu.vector_store %arg10[%swap3A_242, %swap3A_243], %max3A_241 {strides = array<i32>} : memref<321x64xf32, #tpu.memory_space<vmem>>, vector<16xf32>,
      %get3A_245 = arith.index_cast %squeeze3A : i32 to index
      %get3A_246 = arith.constant 48 : index
      %get3A_247 = tpu.vector_load %arg10[%get3A_245, %get3A_246] {strides = array<i32>} : memref<321x64xf32, #tpu.memory_space<vmem>>, vector<16xf32>,
      %get3A_248 = arith.index_cast %scan3A_213 : i32 to index
      %get3A_249 = arith.constant 48 : index
      %get3A_250 = tpu.vector_load %arg9[%get3A_248, %get3A_249] {strides = array<i32>} : memref<128x128xf32, #tpu.memory_space<vmem>>, vector<16xf32>,
      %max3A_251 = arith.maximumf %get3A_247, %get3A_250 : vector<16xf32>
      %swap3A_252 = arith.index_cast %squeeze3A : i32 to index
      %swap3A_253 = arith.constant 48 : index
      %swap3A_254 = tpu.vector_load %arg10[%swap3A_252, %swap3A_253] {strides = array<i32>} : memref<321x64xf32, #tpu.memory_space<vmem>>, vector<16xf32>,
      tpu.vector_store %arg10[%swap3A_252, %swap3A_253], %max3A_251 {strides = array<i32>} : memref<321x64xf32, #tpu.memory_space<vmem>>, vector<16xf32>,
    }
    %scan3A_206 = arith.constant 128 : i32
    %scan3A_207 = arith.constant 0 : i32
    %scan3A_208 = arith.constant 0 : i32
    %scan3A_209 = arith.constant 320 : i32
    %scan3A_210 = arith.addi %scan3A_208, %scan3A_209 : i32
    %scan3A_211 = arith.constant 1 : i32
    scf.for %scan3A_213 = %scan3A_208 to %scan3A_210 step %scan3A_211  : i32 {
      %get3A_214 = arith.index_cast %scan3A_213 : i32 to index
      %get3A_215 = arith.constant 0 : index
      %get3A_216 = tpu.vector_load %arg10[%get3A_214, %get3A_215] {strides = array<i32>} : memref<321x64xf32, #tpu.memory_space<vmem>>, vector<16xf32>,
      %eq3A = arith.constant 0xFF800000 : f32
      %eq3A_217 = vector.broadcast %eq3A : f32 to vector<16xf32>
      %eq3A_218 = arith.cmpf oeq, %get3A_216, %eq3A_217 : vector<16xf32>
      %jit3A_219 = arith.constant 0.000000e+00 : f32
      %broadcast_in_dim3A_220 = vector.broadcast %jit3A_219 : f32 to vector<16xf32>
      %select_n3A_221 = arith.select %eq3A_218, %broadcast_in_dim3A_220, %get3A_216 : vector<16xi1>, vector<16xf32>
      %swap3A_222 = arith.index_cast %scan3A_213 : i32 to index
      %swap3A_223 = arith.constant 0 : index
      %swap3A_224 = tpu.vector_load %arg10[%swap3A_222, %swap3A_223] {strides = array<i32>} : memref<321x64xf32, #tpu.memory_space<vmem>>, vector<16xf32>,
      tpu.vector_store %arg10[%swap3A_222, %swap3A_223], %select_n3A_221 {strides = array<i32>} : memref<321x64xf32, #tpu.memory_space<vmem>>, vector<16xf32>,
      %get3A_225 = arith.index_cast %scan3A_213 : i32 to index
      %get3A_226 = arith.constant 16 : index
      %get3A_227 = tpu.vector_load %arg10[%get3A_225, %get3A_226] {strides = array<i32>} : memref<321x64xf32, #tpu.memory_space<vmem>>, vector<16xf32>,
      %eq3A_228 = arith.constant 0xFF800000 : f32
      %eq3A_229 = vector.broadcast %eq3A_228 : f32 to vector<16xf32>
      %eq3A_230 = arith.cmpf oeq, %get3A_227, %eq3A_229 : vector<16xf32>
      %jit3A_231 = arith.constant 0.000000e+00 : f32
      %broadcast_in_dim3A_232 = vector.broadcast %jit3A_231 : f32 to vector<16xf32>
      %select_n3A_233 = arith.select %eq3A_230, %broadcast_in_dim3A_232, %get3A_227 : vector<16xi1>, vector<16xf32>
      %swap3A_234 = arith.index_cast %scan3A_213 : i32 to index
      %swap3A_235 = arith.constant 16 : index
      %swap3A_236 = tpu.vector_load %arg10[%swap3A_234, %swap3A_235] {strides = array<i32>} : memref<321x64xf32, #tpu.memory_space<vmem>>, vector<16xf32>,
      tpu.vector_store %arg10[%swap3A_234, %swap3A_235], %select_n3A_233 {strides = array<i32>} : memref<321x64xf32, #tpu.memory_space<vmem>>, vector<16xf32>,
      %get3A_237 = arith.index_cast %scan3A_213 : i32 to index
      %get3A_238 = arith.constant 32 : index
      %get3A_239 = tpu.vector_load %arg10[%get3A_237, %get3A_238] {strides = array<i32>} : memref<321x64xf32, #tpu.memory_space<vmem>>, vector<16xf32>,
      %eq3A_240 = arith.constant 0xFF800000 : f32
      %eq3A_241 = vector.broadcast %eq3A_240 : f32 to vector<16xf32>
      %eq3A_242 = arith.cmpf oeq, %get3A_239, %eq3A_241 : vector<16xf32>
      %jit3A_243 = arith.constant 0.000000e+00 : f32
      %broadcast_in_dim3A_244 = vector.broadcast %jit3A_243 : f32 to vector<16xf32>
      %select_n3A_245 = arith.select %eq3A_242, %broadcast_in_dim3A_244, %get3A_239 : vector<16xi1>, vector<16xf32>
      %swap3A_246 = arith.index_cast %scan3A_213 : i32 to index
      %swap3A_247 = arith.constant 32 : index
      %swap3A_248 = tpu.vector_load %arg10[%swap3A_246, %swap3A_247] {strides = array<i32>} : memref<321x64xf32, #tpu.memory_space<vmem>>, vector<16xf32>,
      tpu.vector_store %arg10[%swap3A_246, %swap3A_247], %select_n3A_245 {strides = array<i32>} : memref<321x64xf32, #tpu.memory_space<vmem>>, vector<16xf32>,
      %get3A_249 = arith.index_cast %scan3A_213 : i32 to index
      %get3A_250 = arith.constant 48 : index
      %get3A_251 = tpu.vector_load %arg10[%get3A_249, %get3A_250] {strides = array<i32>} : memref<321x64xf32, #tpu.memory_space<vmem>>, vector<16xf32>,
      %eq3A_252 = arith.constant 0xFF800000 : f32
      %eq3A_253 = vector.broadcast %eq3A_252 : f32 to vector<16xf32>
      %eq3A_254 = arith.cmpf oeq, %get3A_251, %eq3A_253 : vector<16xf32>
      %jit3A_255 = arith.constant 0.000000e+00 : f32
      %broadcast_in_dim3A_256 = vector.broadcast %jit3A_255 : f32 to vector<16xf32>
      %select_n3A_257 = arith.select %eq3A_254, %broadcast_in_dim3A_256, %get3A_251 : vector<16xi1>, vector<16xf32>
      %swap3A_258 = arith.index_cast %scan3A_213 : i32 to index
      %swap3A_259 = arith.constant 48 : index
      %swap3A_260 = tpu.vector_load %arg10[%swap3A_258, %swap3A_259] {strides = array<i32>} : memref<321x64xf32, #tpu.memory_space<vmem>>, vector<16xf32>,
      tpu.vector_store %arg10[%swap3A_258, %swap3A_259], %select_n3A_257 {strides = array<i32>} : memref<321x64xf32, #tpu.memory_space<vmem>>, vector<16xf32>,
    }
    %scan3A_212 = arith.constant 320 : i32
    "tpu.region"() ({
      %run_scoped3A = tpu.sem_alloc : memref<!tpu.dma_semaphore, #tpu.memory_space<semaphore_mem>>
      %dma_start3A_213 = arith.constant 0 : i32
      %dma_start3A_214 = arith.constant 0 : i32
      %dma_start3A_215 = tpu.memref_slice %arg10[%dma_start3A_213, %dma_start3A_214] : memref<321x64xf32, #tpu.memory_space<vmem>> -> memref<320x64xf32, #tpu.memory_space<vmem>>
      %dma_start3A_216 = arith.constant 0 : i32
      %dma_start3A_217 = tpu.memref_slice %arg4[%mul3A_2, %dma_start3A_216] : memref<10240x64xf32, #tpu.memory_space<hbm>> -> memref<320x64xf32, #tpu.memory_space<hbm>>
      %dma_start3A_218 = arith.constant 0 : i32
      %dma_start3A_219 = tpu.memref_slice %arg4[%mul3A_2, %dma_start3A_218] : memref<10240x64xf32, #tpu.memory_space<hbm>> -> memref<320x64xf32, #tpu.memory_space<hbm>>
      %dma_start3A_220 = arith.constant 0 : i32
      %dma_start3A_221 = arith.constant 0 : i32
      %dma_start3A_222 = tpu.memref_slice %arg10[%dma_start3A_220, %dma_start3A_221] : memref<321x64xf32, #tpu.memory_space<vmem>> -> memref<320x64xf32, #tpu.memory_space<vmem>>
      tpu.enqueue_dma source(%dma_start3A_222 : memref<320x64xf32, #tpu.memory_space<vmem>>) target(%dma_start3A_219 : memref<320x64xf32, #tpu.memory_space<hbm>>) target_semaphore(%run_scoped3A : memref<!tpu.dma_semaphore, #tpu.memory_space<semaphore_mem>>)
      %dma_wait3A_223 = arith.constant 0 : i32
      %dma_wait3A_224 = arith.constant 0 : i32
      %dma_wait3A_225 = tpu.memref_slice %arg10[%dma_wait3A_223, %dma_wait3A_224] : memref<321x64xf32, #tpu.memory_space<vmem>> -> memref<320x64xf32, #tpu.memory_space<vmem>>
      %dma_wait3A_226 = arith.constant 0 : i32
      %dma_wait3A_227 = tpu.memref_slice %arg4[%mul3A_2, %dma_wait3A_226] : memref<10240x64xf32, #tpu.memory_space<hbm>> -> memref<320x64xf32, #tpu.memory_space<hbm>>
      %dma_wait3A_228 = arith.constant 0 : i32
      %dma_wait3A_229 = tpu.memref_slice %arg4[%mul3A_2, %dma_wait3A_228] : memref<10240x64xf32, #tpu.memory_space<hbm>> -> memref<320x64xf32, #tpu.memory_space<hbm>>
      %dma_wait3A_230 = arith.constant 0 : i32
      %dma_wait3A_231 = arith.constant 0 : i32
      %dma_wait3A_232 = tpu.memref_slice %arg10[%dma_wait3A_230, %dma_wait3A_231] : memref<321x64xf32, #tpu.memory_space<vmem>> -> memref<320x64xf32, #tpu.memory_space<vmem>>
      tpu.wait_dma2 semaphore(%run_scoped3A : memref<!tpu.dma_semaphore, #tpu.memory_space<semaphore_mem>>) src(%dma_wait3A_232 : memref<320x64xf32, #tpu.memory_space<vmem>>) dst(%dma_wait3A_229 : memref<320x64xf32, #tpu.memory_space<hbm>>)
      tpu.yield
    }) : () -> ()
    return
  }
}

#map = affine_map<(d0, d1) -> (0, 0)>
#map1 = affine_map<(d0, d1) -> (0)>
module attributes {stable_mosaic.version = 14 : i64} {
  func.func @_sc_segmax(%arg0: i32, %arg1: i32, %arg2: memref<320000x128xf32, #tpu.memory_space<hbm>>, %arg3: memref<320000xi32, #tpu.memory_space<hbm>>, %arg4: memref<10240x64xf32, #tpu.memory_space<hbm>>, %arg5: memref<4000xi32, #tpu.memory_space<vmem>>, %arg6: memref<160xi32, #tpu.memory_space<vmem>>, %arg7: memref<160xi32, #tpu.memory_space<vmem>>, %arg8: memref<128xi32, #tpu.memory_space<vmem>>, %arg9: memref<128x128xf32, #tpu.memory_space<vmem>>, %arg10: memref<321x64xf32, #tpu.memory_space<vmem>>, %arg11: memref<!tpu.dma_semaphore, #tpu.memory_space<semaphore_mem>>) attributes {dimension_semantics = [#tpu.dimension_semantics<core_parallel>, #tpu.dimension_semantics<subcore_parallel>], iteration_bounds = array<i64: 2, 16>, scalar_prefetch = 0 : i64, scratch_operands = 7 : i64, tpu.core_type = #tpu.core_type<sc_vector_subcore>, window_params = [{transform_indices = #map}, {transform_indices = #map1}, {transform_indices = #map}]} {
    %mul3A = arith.constant 2 : i32
    %mul3A_0 = arith.muli %arg1, %mul3A : i32
    %add3A = arith.addi %mul3A_0, %arg0 : i32
    %mul3A_1 = arith.constant 320 : i32
    %mul3A_2 = arith.muli %add3A, %mul3A_1 : i32
    %add3A_3 = arith.constant 320 : i32
    %add3A_4 = arith.addi %mul3A_2, %add3A_3 : i32
    %broadcast_in_dim3A = arith.constant 0xFF800000 : f32
    %broadcast_in_dim3A_5 = vector.broadcast %broadcast_in_dim3A : f32 to vector<16xf32>
    %iota3A = tpu.iota {dimensions = array<i32: 0>} : vector<16xi32>
    %scan3A = arith.constant 0 : i32
    %scan3A_6 = arith.constant 0 : i32
    %scan3A_7 = arith.constant 321 : i32
    %scan3A_8 = arith.addi %scan3A_6, %scan3A_7 : i32
    %scan3A_9 = arith.constant 1 : i32
    scf.for %scan3A_213 = %scan3A_6 to %scan3A_8 step %scan3A_9  : i32 {
      %swap3A_214 = arith.index_cast %scan3A_213 : i32 to index
      %swap3A_215 = arith.constant 0 : index
      %swap3A_216 = tpu.vector_load %arg10[%swap3A_214, %swap3A_215] {strides = array<i32>} : memref<321x64xf32, #tpu.memory_space<vmem>>, vector<16xf32>,
      tpu.vector_store %arg10[%swap3A_214, %swap3A_215], %broadcast_in_dim3A_5 {strides = array<i32>} : memref<321x64xf32, #tpu.memory_space<vmem>>, vector<16xf32>,
      %swap3A_217 = arith.index_cast %scan3A_213 : i32 to index
      %swap3A_218 = arith.constant 16 : index
      %swap3A_219 = tpu.vector_load %arg10[%swap3A_217, %swap3A_218] {strides = array<i32>} : memref<321x64xf32, #tpu.memory_space<vmem>>, vector<16xf32>,
      tpu.vector_store %arg10[%swap3A_217, %swap3A_218], %broadcast_in_dim3A_5 {strides = array<i32>} : memref<321x64xf32, #tpu.memory_space<vmem>>, vector<16xf32>,
      %swap3A_220 = arith.index_cast %scan3A_213 : i32 to index
      %swap3A_221 = arith.constant 32 : index
      %swap3A_222 = tpu.vector_load %arg10[%swap3A_220, %swap3A_221] {strides = array<i32>} : memref<321x64xf32, #tpu.memory_space<vmem>>, vector<16xf32>,
      tpu.vector_store %arg10[%swap3A_220, %swap3A_221], %broadcast_in_dim3A_5 {strides = array<i32>} : memref<321x64xf32, #tpu.memory_space<vmem>>, vector<16xf32>,
      %swap3A_223 = arith.index_cast %scan3A_213 : i32 to index
      %swap3A_224 = arith.constant 48 : index
      %swap3A_225 = tpu.vector_load %arg10[%swap3A_223, %swap3A_224] {strides = array<i32>} : memref<321x64xf32, #tpu.memory_space<vmem>>, vector<16xf32>,
      tpu.vector_store %arg10[%swap3A_223, %swap3A_224], %broadcast_in_dim3A_5 {strides = array<i32>} : memref<321x64xf32, #tpu.memory_space<vmem>>, vector<16xf32>,
    }
    %scan3A_10 = arith.constant 321 : i32
    %scan3A_11 = arith.constant 0 : i32
    %scan3A_12 = arith.constant 0 : i32
    %scan3A_13 = arith.constant 80 : i32
    %scan3A_14 = arith.addi %scan3A_12, %scan3A_13 : i32
    %scan3A_15 = arith.constant 1 : i32
    %scan3A_16 = scf.for %scan3A_213 = %scan3A_12 to %scan3A_14 step %scan3A_15 iter_args(%scan3A_214 = %scan3A_11) -> (i32)  : i32 {
      %mul3A_215 = arith.constant 4000 : i32
      %mul3A_216 = arith.muli %scan3A_213, %mul3A_215 : i32
      "tpu.region"() ({
        %run_scoped3A = tpu.sem_alloc : memref<!tpu.dma_semaphore, #tpu.memory_space<semaphore_mem>>
        %dma_start3A_223 = tpu.memref_slice %arg3[%mul3A_216] : memref<320000xi32, #tpu.memory_space<hbm>> -> memref<4000xi32, #tpu.memory_space<hbm>>
        %dma_start3A_224 = tpu.memref_slice %arg3[%mul3A_216] : memref<320000xi32, #tpu.memory_space<hbm>> -> memref<4000xi32, #tpu.memory_space<hbm>>
        tpu.enqueue_dma source(%dma_start3A_224 : memref<4000xi32, #tpu.memory_space<hbm>>) target(%arg5 : memref<4000xi32, #tpu.memory_space<vmem>>) target_semaphore(%run_scoped3A : memref<!tpu.dma_semaphore, #tpu.memory_space<semaphore_mem>>)
        %dma_wait3A_225 = tpu.memref_slice %arg3[%mul3A_216] : memref<320000xi32, #tpu.memory_space<hbm>> -> memref<4000xi32, #tpu.memory_space<hbm>>
        %dma_wait3A_226 = tpu.memref_slice %arg3[%mul3A_216] : memref<320000xi32, #tpu.memory_space<hbm>> -> memref<4000xi32, #tpu.memory_space<hbm>>
        tpu.wait_dma2 semaphore(%run_scoped3A : memref<!tpu.dma_semaphore, #tpu.memory_space<semaphore_mem>>) src(%dma_wait3A_226 : memref<4000xi32, #tpu.memory_space<hbm>>) dst(%arg5 : memref<4000xi32, #tpu.memory_space<vmem>>)
        tpu.yield
      }) : () -> ()
      %scan3A_217 = arith.constant 0 : i32
      %scan3A_218 = arith.constant 250 : i32
      %scan3A_219 = arith.addi %scan3A_217, %scan3A_218 : i32
      %scan3A_220 = arith.constant 1 : i32
      %scan3A_221 = scf.for %scan3A_223 = %scan3A_217 to %scan3A_219 step %scan3A_220 iter_args(%scan3A_224 = %scan3A_214) -> (i32)  : i32 {
        %mul3A_225 = arith.constant 16 : i32
        %mul3A_226 = arith.muli %scan3A_223, %mul3A_225 : i32
        %get3A_227 = arith.index_cast %mul3A_226 : i32 to index
        %get3A_228 = tpu.vector_load %arg5[%get3A_227] {strides = array<i32>} : memref<4000xi32, #tpu.memory_space<vmem>>, vector<16xi32>,
        %ge3A = vector.broadcast %mul3A_2 : i32 to vector<16xi32>
        %ge3A_229 = arith.cmpi sge, %get3A_228, %ge3A : vector<16xi32>
        %lt3A_230 = vector.broadcast %add3A_4 : i32 to vector<16xi32>
        %lt3A_231 = arith.cmpi slt, %get3A_228, %lt3A_230 : vector<16xi32>
        %and3A = arith.andi %ge3A_229, %lt3A_231 : vector<16xi1>
        %mul3A_232 = arith.constant 4000 : i32
        %mul3A_233 = arith.muli %scan3A_213, %mul3A_232 : i32
        %mul3A_234 = arith.constant 16 : i32
        %mul3A_235 = arith.muli %scan3A_223, %mul3A_234 : i32
        %add3A_236 = arith.addi %mul3A_233, %mul3A_235 : i32
        %add3A_237 = vector.broadcast %add3A_236 : i32 to vector<16xi32>
        %add3A_238 = arith.addi %add3A_237, %iota3A : vector<16xi32>
        %convert_element_type3A = arith.extui %and3A : vector<16xi1> to vector<16xi32>
        %broadcast_in_dim3A_239 = arith.constant true
        %broadcast_in_dim3A_240 = vector.broadcast %broadcast_in_dim3A_239 : i1 to vector<16xi1>
        %masked_cumsum3A = tpu.scan <sum>, %convert_element_type3A masked %broadcast_in_dim3A_240 : vector<16xi32>, vector<16xi1> -> vector<16xi32>
        %add3A_241 = vector.broadcast %scan3A_224 : i32 to vector<16xi32>
        %add3A_242 = arith.addi %add3A_241, %masked_cumsum3A : vector<16xi32>
        %sub3A = arith.constant 1 : i32
        %sub3A_243 = vector.broadcast %sub3A : i32 to vector<16xi32>
        %sub3A_244 = arith.subi %add3A_242, %sub3A_243 : vector<16xi32>
        tpu.vector_store_idx %arg6[%sub3A_244], %add3A_238 masked %and3A : memref<160xi32, #tpu.memory_space<vmem>>[vector<16xi32>], vector<16xi32>, vector<16xi1>
        %sub3A_245 = vector.broadcast %mul3A_2 : i32 to vector<16xi32>
        %sub3A_246 = arith.subi %get3A_228, %sub3A_245 : vector<16xi32>
        tpu.vector_store_idx %arg7[%sub3A_244], %sub3A_246 masked %and3A : memref<160xi32, #tpu.memory_space<vmem>>[vector<16xi32>], vector<16xi32>, vector<16xi1>
        %all_reduce_population_count3A = tpu.all_reduce %and3A {dim = 0 : i64, kind = #tpu.reduction_kind<sum>} : vector<16xi1> -> vector<16xi32>
        %reduce_max3A = arith.constant true
        %reduce_max3A_247 = vector.broadcast %reduce_max3A : i1 to vector<16xi1>
        %reduce_max3A_248 = arith.constant -2147483648 : i32
        %reduce_max3A_249 = vector.broadcast %reduce_max3A_248 : i32 to vector<16xi32>
        %reduce_max3A_250 = arith.xori %all_reduce_population_count3A, %reduce_max3A_249 : vector<16xi32>
        %reduce_max3A_251 = tpu.scan <max>, %reduce_max3A_250 masked %reduce_max3A_247 : vector<16xi32>, vector<16xi1> -> vector<16xi32>
        %reduce_max3A_252 = arith.xori %reduce_max3A_251, %reduce_max3A_249 : vector<16xi32>
        %reduce_max3A_253 = vector.extract %reduce_max3A_252[15] : i32 from vector<16xi32>
        %add3A_254 = arith.addi %scan3A_224, %reduce_max3A_253 : i32
        %ge3A_255 = arith.constant 128 : i32
        %ge3A_256 = arith.cmpi sge, %add3A_254, %ge3A_255 : i32
        %convert_element_type3A_257 = arith.extui %ge3A_256 : i1 to i32
        %cond3A = arith.constant 0 : i32
        %cond3A_258 = arith.cmpi ne, %convert_element_type3A_257, %cond3A : i32
        scf.if %cond3A_258 {
          %get3A_264 = arith.constant 0 : index
          %get3A_265 = tpu.vector_load %arg6[%get3A_264] {strides = array<i32>} : memref<160xi32, #tpu.memory_space<vmem>>, vector<16xi32>,
          %swap3A_266 = arith.constant 0 : index
          %swap3A_267 = tpu.vector_load %arg8[%swap3A_266] {strides = array<i32>} : memref<128xi32, #tpu.memory_space<vmem>>, vector<16xi32>,
          tpu.vector_store %arg8[%swap3A_266], %get3A_265 {strides = array<i32>} : memref<128xi32, #tpu.memory_space<vmem>>, vector<16xi32>,
          %get3A_268 = arith.constant 16 : index
          %get3A_269 = tpu.vector_load %arg6[%get3A_268] {strides = array<i32>} : memref<160xi32, #tpu.memory_space<vmem>>, vector<16xi32>,
          %swap3A_270 = arith.constant 16 : index
          %swap3A_271 = tpu.vector_load %arg8[%swap3A_270] {strides = array<i32>} : memref<128xi32, #tpu.memory_space<vmem>>, vector<16xi32>,
          tpu.vector_store %arg8[%swap3A_270], %get3A_269 {strides = array<i32>} : memref<128xi32, #tpu.memory_space<vmem>>, vector<16xi32>,
          %get3A_272 = arith.constant 32 : index
          %get3A_273 = tpu.vector_load %arg6[%get3A_272] {strides = array<i32>} : memref<160xi32, #tpu.memory_space<vmem>>, vector<16xi32>,
          %swap3A_274 = arith.constant 32 : index
          %swap3A_275 = tpu.vector_load %arg8[%swap3A_274] {strides = array<i32>} : memref<128xi32, #tpu.memory_space<vmem>>, vector<16xi32>,
          tpu.vector_store %arg8[%swap3A_274], %get3A_273 {strides = array<i32>} : memref<128xi32, #tpu.memory_space<vmem>>, vector<16xi32>,
          %get3A_276 = arith.constant 48 : index
          %get3A_277 = tpu.vector_load %arg6[%get3A_276] {strides = array<i32>} : memref<160xi32, #tpu.memory_space<vmem>>, vector<16xi32>,
          %swap3A_278 = arith.constant 48 : index
          %swap3A_279 = tpu.vector_load %arg8[%swap3A_278] {strides = array<i32>} : memref<128xi32, #tpu.memory_space<vmem>>, vector<16xi32>,
          tpu.vector_store %arg8[%swap3A_278], %get3A_277 {strides = array<i32>} : memref<128xi32, #tpu.memory_space<vmem>>, vector<16xi32>,
          %get3A_280 = arith.constant 64 : index
          %get3A_281 = tpu.vector_load %arg6[%get3A_280] {strides = array<i32>} : memref<160xi32, #tpu.memory_space<vmem>>, vector<16xi32>,
          %swap3A_282 = arith.constant 64 : index
          %swap3A_283 = tpu.vector_load %arg8[%swap3A_282] {strides = array<i32>} : memref<128xi32, #tpu.memory_space<vmem>>, vector<16xi32>,
          tpu.vector_store %arg8[%swap3A_282], %get3A_281 {strides = array<i32>} : memref<128xi32, #tpu.memory_space<vmem>>, vector<16xi32>,
          %get3A_284 = arith.constant 80 : index
          %get3A_285 = tpu.vector_load %arg6[%get3A_284] {strides = array<i32>} : memref<160xi32, #tpu.memory_space<vmem>>, vector<16xi32>,
          %swap3A_286 = arith.constant 80 : index
          %swap3A_287 = tpu.vector_load %arg8[%swap3A_286] {strides = array<i32>} : memref<128xi32, #tpu.memory_space<vmem>>, vector<16xi32>,
          tpu.vector_store %arg8[%swap3A_286], %get3A_285 {strides = array<i32>} : memref<128xi32, #tpu.memory_space<vmem>>, vector<16xi32>,
          %get3A_288 = arith.constant 96 : index
          %get3A_289 = tpu.vector_load %arg6[%get3A_288] {strides = array<i32>} : memref<160xi32, #tpu.memory_space<vmem>>, vector<16xi32>,
          %swap3A_290 = arith.constant 96 : index
          %swap3A_291 = tpu.vector_load %arg8[%swap3A_290] {strides = array<i32>} : memref<128xi32, #tpu.memory_space<vmem>>, vector<16xi32>,
          tpu.vector_store %arg8[%swap3A_290], %get3A_289 {strides = array<i32>} : memref<128xi32, #tpu.memory_space<vmem>>, vector<16xi32>,
          %get3A_292 = arith.constant 112 : index
          %get3A_293 = tpu.vector_load %arg6[%get3A_292] {strides = array<i32>} : memref<160xi32, #tpu.memory_space<vmem>>, vector<16xi32>,
          %swap3A_294 = arith.constant 112 : index
          %swap3A_295 = tpu.vector_load %arg8[%swap3A_294] {strides = array<i32>} : memref<128xi32, #tpu.memory_space<vmem>>, vector<16xi32>,
          tpu.vector_store %arg8[%swap3A_294], %get3A_293 {strides = array<i32>} : memref<128xi32, #tpu.memory_space<vmem>>, vector<16xi32>,
          %dma_start3A_296 = arith.constant 0 : i32
          %dma_start3A_297 = arith.constant 0 : i32
          %dma_start3A_298 = tpu.memref_slice %arg2[%dma_start3A_296, %dma_start3A_297] : memref<320000x128xf32, #tpu.memory_space<hbm>> -> memref<320000x128xf32, #tpu.memory_space<hbm>>
          tpu.enqueue_indirect_dma source(%dma_start3A_298 : memref<320000x128xf32, #tpu.memory_space<hbm>>) target(%arg9 : memref<128x128xf32, #tpu.memory_space<vmem>>) offsets(%arg8 : memref<128xi32, #tpu.memory_space<vmem>>) semaphore(%arg11 : memref<!tpu.dma_semaphore, #tpu.memory_space<semaphore_mem>>)
          %dma_wait3A_299 = arith.constant 0 : i32
          %dma_wait3A_300 = arith.constant 0 : i32
          %dma_wait3A_301 = tpu.memref_slice %arg2[%dma_wait3A_299, %dma_wait3A_300] : memref<320000x128xf32, #tpu.memory_space<hbm>> -> memref<320000x128xf32, #tpu.memory_space<hbm>>
          tpu.wait_indirect_dma semaphore(%arg11 : memref<!tpu.dma_semaphore, #tpu.memory_space<semaphore_mem>>) src(%dma_wait3A_301 : memref<320000x128xf32, #tpu.memory_space<hbm>>) dst(%arg9 : memref<128x128xf32, #tpu.memory_space<vmem>>)
          %scan3A_302 = arith.constant 0 : i32
          %scan3A_303 = arith.constant 0 : i32
          %scan3A_304 = arith.constant 128 : i32
          %scan3A_305 = arith.addi %scan3A_303, %scan3A_304 : i32
          %scan3A_306 = arith.constant 1 : i32
          scf.for %scan3A_316 = %scan3A_303 to %scan3A_305 step %scan3A_306  : i32 {
            %get3A_317 = arith.index_cast %scan3A_316 : i32 to index
            %get3A_318 = tpu.vector_load %arg7[%get3A_317] {strides = array<i32>} : memref<160xi32, #tpu.memory_space<vmem>>, vector<16xi32>,
            %slice3A = vector.extract_strided_slice %get3A_318 {offsets = [0], sizes = [1], strides = [1]} : vector<16xi32> to vector<1xi32>
            %squeeze3A = vector.extract %slice3A[0] : i32 from vector<1xi32>
            %get3A_319 = arith.index_cast %squeeze3A : i32 to index
            %get3A_320 = arith.constant 0 : index
            %get3A_321 = tpu.vector_load %arg10[%get3A_319, %get3A_320] {strides = array<i32>} : memref<321x64xf32, #tpu.memory_space<vmem>>, vector<16xf32>,
            %get3A_322 = arith.index_cast %scan3A_316 : i32 to index
            %get3A_323 = arith.constant 0 : index
            %get3A_324 = tpu.vector_load %arg9[%get3A_322, %get3A_323] {strides = array<i32>} : memref<128x128xf32, #tpu.memory_space<vmem>>, vector<16xf32>,
            %max3A = arith.maximumf %get3A_321, %get3A_324 : vector<16xf32>
            %swap3A_325 = arith.index_cast %squeeze3A : i32 to index
            %swap3A_326 = arith.constant 0 : index
            %swap3A_327 = tpu.vector_load %arg10[%swap3A_325, %swap3A_326] {strides = array<i32>} : memref<321x64xf32, #tpu.memory_space<vmem>>, vector<16xf32>,
            tpu.vector_store %arg10[%swap3A_325, %swap3A_326], %max3A {strides = array<i32>} : memref<321x64xf32, #tpu.memory_space<vmem>>, vector<16xf32>,
            %get3A_328 = arith.index_cast %squeeze3A : i32 to index
            %get3A_329 = arith.constant 16 : index
            %get3A_330 = tpu.vector_load %arg10[%get3A_328, %get3A_329] {strides = array<i32>} : memref<321x64xf32, #tpu.memory_space<vmem>>, vector<16xf32>,
            %get3A_331 = arith.index_cast %scan3A_316 : i32 to index
            %get3A_332 = arith.constant 16 : index
            %get3A_333 = tpu.vector_load %arg9[%get3A_331, %get3A_332] {strides = array<i32>} : memref<128x128xf32, #tpu.memory_space<vmem>>, vector<16xf32>,
            %max3A_334 = arith.maximumf %get3A_330, %get3A_333 : vector<16xf32>
            %swap3A_335 = arith.index_cast %squeeze3A : i32 to index
            %swap3A_336 = arith.constant 16 : index
            %swap3A_337 = tpu.vector_load %arg10[%swap3A_335, %swap3A_336] {strides = array<i32>} : memref<321x64xf32, #tpu.memory_space<vmem>>, vector<16xf32>,
            tpu.vector_store %arg10[%swap3A_335, %swap3A_336], %max3A_334 {strides = array<i32>} : memref<321x64xf32, #tpu.memory_space<vmem>>, vector<16xf32>,
            %get3A_338 = arith.index_cast %squeeze3A : i32 to index
            %get3A_339 = arith.constant 32 : index
            %get3A_340 = tpu.vector_load %arg10[%get3A_338, %get3A_339] {strides = array<i32>} : memref<321x64xf32, #tpu.memory_space<vmem>>, vector<16xf32>,
            %get3A_341 = arith.index_cast %scan3A_316 : i32 to index
            %get3A_342 = arith.constant 32 : index
            %get3A_343 = tpu.vector_load %arg9[%get3A_341, %get3A_342] {strides = array<i32>} : memref<128x128xf32, #tpu.memory_space<vmem>>, vector<16xf32>,
            %max3A_344 = arith.maximumf %get3A_340, %get3A_343 : vector<16xf32>
            %swap3A_345 = arith.index_cast %squeeze3A : i32 to index
            %swap3A_346 = arith.constant 32 : index
            %swap3A_347 = tpu.vector_load %arg10[%swap3A_345, %swap3A_346] {strides = array<i32>} : memref<321x64xf32, #tpu.memory_space<vmem>>, vector<16xf32>,
            tpu.vector_store %arg10[%swap3A_345, %swap3A_346], %max3A_344 {strides = array<i32>} : memref<321x64xf32, #tpu.memory_space<vmem>>, vector<16xf32>,
            %get3A_348 = arith.index_cast %squeeze3A : i32 to index
            %get3A_349 = arith.constant 48 : index
            %get3A_350 = tpu.vector_load %arg10[%get3A_348, %get3A_349] {strides = array<i32>} : memref<321x64xf32, #tpu.memory_space<vmem>>, vector<16xf32>,
            %get3A_351 = arith.index_cast %scan3A_316 : i32 to index
            %get3A_352 = arith.constant 48 : index
            %get3A_353 = tpu.vector_load %arg9[%get3A_351, %get3A_352] {strides = array<i32>} : memref<128x128xf32, #tpu.memory_space<vmem>>, vector<16xf32>,
            %max3A_354 = arith.maximumf %get3A_350, %get3A_353 : vector<16xf32>
            %swap3A_355 = arith.index_cast %squeeze3A : i32 to index
            %swap3A_356 = arith.constant 48 : index
            %swap3A_357 = tpu.vector_load %arg10[%swap3A_355, %swap3A_356] {strides = array<i32>} : memref<321x64xf32, #tpu.memory_space<vmem>>, vector<16xf32>,
            tpu.vector_store %arg10[%swap3A_355, %swap3A_356], %max3A_354 {strides = array<i32>} : memref<321x64xf32, #tpu.memory_space<vmem>>, vector<16xf32>,
          }
          %scan3A_307 = arith.constant 128 : i32
          %get3A_308 = arith.constant 128 : index
          %get3A_309 = tpu.vector_load %arg6[%get3A_308] {strides = array<i32>} : memref<160xi32, #tpu.memory_space<vmem>>, vector<16xi32>,
          %get3A_310 = arith.constant 128 : index
          %get3A_311 = tpu.vector_load %arg7[%get3A_310] {strides = array<i32>} : memref<160xi32, #tpu.memory_space<vmem>>, vector<16xi32>,
          %swap3A_312 = arith.constant 0 : index
          %swap3A_313 = tpu.vector_load %arg6[%swap3A_312] {strides = array<i32>} : memref<160xi32, #tpu.memory_space<vmem>>, vector<16xi32>,
          tpu.vector_store %arg6[%swap3A_312], %get3A_309 {strides = array<i32>} : memref<160xi32, #tpu.memory_space<vmem>>, vector<16xi32>,
          %swap3A_314 = arith.constant 0 : index
          %swap3A_315 = tpu.vector_load %arg7[%swap3A_314] {strides = array<i32>} : memref<160xi32, #tpu.memory_space<vmem>>, vector<16xi32>,
          tpu.vector_store %arg7[%swap3A_314], %get3A_311 {strides = array<i32>} : memref<160xi32, #tpu.memory_space<vmem>>, vector<16xi32>,
        } else {
        }
        %ge3A_259 = arith.constant 128 : i32
        %ge3A_260 = arith.cmpi sge, %add3A_254, %ge3A_259 : i32
        %sub3A_261 = arith.constant 128 : i32
        %sub3A_262 = arith.subi %add3A_254, %sub3A_261 : i32
        %select_n3A_263 = arith.select %ge3A_260, %sub3A_262, %add3A_254 : i32
        scf.yield %select_n3A_263 : i32
      }
      %scan3A_222 = arith.constant 250 : i32
      scf.yield %scan3A_221 : i32
    }
    %scan3A_17 = arith.constant 80 : i32
    %add3A_18 = arith.constant 0 : i32
    %add3A_19 = vector.broadcast %add3A_18 : i32 to vector<16xi32>
    %add3A_20 = arith.addi %add3A_19, %iota3A : vector<16xi32>
    %lt3A = vector.broadcast %scan3A_16 : i32 to vector<16xi32>
    %lt3A_21 = arith.cmpi slt, %add3A_20, %lt3A : vector<16xi32>
    %get3A = arith.constant 0 : index
    %get3A_22 = tpu.vector_load %arg6[%get3A] {strides = array<i32>} : memref<160xi32, #tpu.memory_space<vmem>>, vector<16xi32>,
    %jit3A = arith.constant 0 : i32
    %broadcast_in_dim3A_23 = vector.broadcast %jit3A : i32 to vector<16xi32>
    %select_n3A = arith.select %lt3A_21, %get3A_22, %broadcast_in_dim3A_23 : vector<16xi1>, vector<16xi32>
    %swap3A = arith.constant 0 : index
    %swap3A_24 = tpu.vector_load %arg6[%swap3A] {strides = array<i32>} : memref<160xi32, #tpu.memory_space<vmem>>, vector<16xi32>,
    tpu.vector_store %arg6[%swap3A], %select_n3A {strides = array<i32>} : memref<160xi32, #tpu.memory_space<vmem>>, vector<16xi32>,
    %get3A_25 = arith.constant 0 : index
    %get3A_26 = tpu.vector_load %arg7[%get3A_25] {strides = array<i32>} : memref<160xi32, #tpu.memory_space<vmem>>, vector<16xi32>,
    %jit3A_27 = arith.constant 320 : i32
    %broadcast_in_dim3A_28 = vector.broadcast %jit3A_27 : i32 to vector<16xi32>
    %select_n3A_29 = arith.select %lt3A_21, %get3A_26, %broadcast_in_dim3A_28 : vector<16xi1>, vector<16xi32>
    %swap3A_30 = arith.constant 0 : index
    %swap3A_31 = tpu.vector_load %arg7[%swap3A_30] {strides = array<i32>} : memref<160xi32, #tpu.memory_space<vmem>>, vector<16xi32>,
    tpu.vector_store %arg7[%swap3A_30], %select_n3A_29 {strides = array<i32>} : memref<160xi32, #tpu.memory_space<vmem>>, vector<16xi32>,
    %add3A_32 = arith.constant 16 : i32
    %add3A_33 = vector.broadcast %add3A_32 : i32 to vector<16xi32>
    %add3A_34 = arith.addi %add3A_33, %iota3A : vector<16xi32>
    %lt3A_35 = vector.broadcast %scan3A_16 : i32 to vector<16xi32>
    %lt3A_36 = arith.cmpi slt, %add3A_34, %lt3A_35 : vector<16xi32>
    %get3A_37 = arith.constant 16 : index
    %get3A_38 = tpu.vector_load %arg6[%get3A_37] {strides = array<i32>} : memref<160xi32, #tpu.memory_space<vmem>>, vector<16xi32>,
    %jit3A_39 = arith.constant 0 : i32
    %broadcast_in_dim3A_40 = vector.broadcast %jit3A_39 : i32 to vector<16xi32>
    %select_n3A_41 = arith.select %lt3A_36, %get3A_38, %broadcast_in_dim3A_40 : vector<16xi1>, vector<16xi32>
    %swap3A_42 = arith.constant 16 : index
    %swap3A_43 = tpu.vector_load %arg6[%swap3A_42] {strides = array<i32>} : memref<160xi32, #tpu.memory_space<vmem>>, vector<16xi32>,
    tpu.vector_store %arg6[%swap3A_42], %select_n3A_41 {strides = array<i32>} : memref<160xi32, #tpu.memory_space<vmem>>, vector<16xi32>,
    %get3A_44 = arith.constant 16 : index
    %get3A_45 = tpu.vector_load %arg7[%get3A_44] {strides = array<i32>} : memref<160xi32, #tpu.memory_space<vmem>>, vector<16xi32>,
    %jit3A_46 = arith.constant 320 : i32
    %broadcast_in_dim3A_47 = vector.broadcast %jit3A_46 : i32 to vector<16xi32>
    %select_n3A_48 = arith.select %lt3A_36, %get3A_45, %broadcast_in_dim3A_47 : vector<16xi1>, vector<16xi32>
    %swap3A_49 = arith.constant 16 : index
    %swap3A_50 = tpu.vector_load %arg7[%swap3A_49] {strides = array<i32>} : memref<160xi32, #tpu.memory_space<vmem>>, vector<16xi32>,
    tpu.vector_store %arg7[%swap3A_49], %select_n3A_48 {strides = array<i32>} : memref<160xi32, #tpu.memory_space<vmem>>, vector<16xi32>,
    %add3A_51 = arith.constant 32 : i32
    %add3A_52 = vector.broadcast %add3A_51 : i32 to vector<16xi32>
    %add3A_53 = arith.addi %add3A_52, %iota3A : vector<16xi32>
    %lt3A_54 = vector.broadcast %scan3A_16 : i32 to vector<16xi32>
    %lt3A_55 = arith.cmpi slt, %add3A_53, %lt3A_54 : vector<16xi32>
    %get3A_56 = arith.constant 32 : index
    %get3A_57 = tpu.vector_load %arg6[%get3A_56] {strides = array<i32>} : memref<160xi32, #tpu.memory_space<vmem>>, vector<16xi32>,
    %jit3A_58 = arith.constant 0 : i32
    %broadcast_in_dim3A_59 = vector.broadcast %jit3A_58 : i32 to vector<16xi32>
    %select_n3A_60 = arith.select %lt3A_55, %get3A_57, %broadcast_in_dim3A_59 : vector<16xi1>, vector<16xi32>
    %swap3A_61 = arith.constant 32 : index
    %swap3A_62 = tpu.vector_load %arg6[%swap3A_61] {strides = array<i32>} : memref<160xi32, #tpu.memory_space<vmem>>, vector<16xi32>,
    tpu.vector_store %arg6[%swap3A_61], %select_n3A_60 {strides = array<i32>} : memref<160xi32, #tpu.memory_space<vmem>>, vector<16xi32>,
    %get3A_63 = arith.constant 32 : index
    %get3A_64 = tpu.vector_load %arg7[%get3A_63] {strides = array<i32>} : memref<160xi32, #tpu.memory_space<vmem>>, vector<16xi32>,
    %jit3A_65 = arith.constant 320 : i32
    %broadcast_in_dim3A_66 = vector.broadcast %jit3A_65 : i32 to vector<16xi32>
    %select_n3A_67 = arith.select %lt3A_55, %get3A_64, %broadcast_in_dim3A_66 : vector<16xi1>, vector<16xi32>
    %swap3A_68 = arith.constant 32 : index
    %swap3A_69 = tpu.vector_load %arg7[%swap3A_68] {strides = array<i32>} : memref<160xi32, #tpu.memory_space<vmem>>, vector<16xi32>,
    tpu.vector_store %arg7[%swap3A_68], %select_n3A_67 {strides = array<i32>} : memref<160xi32, #tpu.memory_space<vmem>>, vector<16xi32>,
    %add3A_70 = arith.constant 48 : i32
    %add3A_71 = vector.broadcast %add3A_70 : i32 to vector<16xi32>
    %add3A_72 = arith.addi %add3A_71, %iota3A : vector<16xi32>
    %lt3A_73 = vector.broadcast %scan3A_16 : i32 to vector<16xi32>
    %lt3A_74 = arith.cmpi slt, %add3A_72, %lt3A_73 : vector<16xi32>
    %get3A_75 = arith.constant 48 : index
    %get3A_76 = tpu.vector_load %arg6[%get3A_75] {strides = array<i32>} : memref<160xi32, #tpu.memory_space<vmem>>, vector<16xi32>,
    %jit3A_77 = arith.constant 0 : i32
    %broadcast_in_dim3A_78 = vector.broadcast %jit3A_77 : i32 to vector<16xi32>
    %select_n3A_79 = arith.select %lt3A_74, %get3A_76, %broadcast_in_dim3A_78 : vector<16xi1>, vector<16xi32>
    %swap3A_80 = arith.constant 48 : index
    %swap3A_81 = tpu.vector_load %arg6[%swap3A_80] {strides = array<i32>} : memref<160xi32, #tpu.memory_space<vmem>>, vector<16xi32>,
    tpu.vector_store %arg6[%swap3A_80], %select_n3A_79 {strides = array<i32>} : memref<160xi32, #tpu.memory_space<vmem>>, vector<16xi32>,
    %get3A_82 = arith.constant 48 : index
    %get3A_83 = tpu.vector_load %arg7[%get3A_82] {strides = array<i32>} : memref<160xi32, #tpu.memory_space<vmem>>, vector<16xi32>,
    %jit3A_84 = arith.constant 320 : i32
    %broadcast_in_dim3A_85 = vector.broadcast %jit3A_84 : i32 to vector<16xi32>
    %select_n3A_86 = arith.select %lt3A_74, %get3A_83, %broadcast_in_dim3A_85 : vector<16xi1>, vector<16xi32>
    %swap3A_87 = arith.constant 48 : index
    %swap3A_88 = tpu.vector_load %arg7[%swap3A_87] {strides = array<i32>} : memref<160xi32, #tpu.memory_space<vmem>>, vector<16xi32>,
    tpu.vector_store %arg7[%swap3A_87], %select_n3A_86 {strides = array<i32>} : memref<160xi32, #tpu.memory_space<vmem>>, vector<16xi32>,
    %add3A_89 = arith.constant 64 : i32
    %add3A_90 = vector.broadcast %add3A_89 : i32 to vector<16xi32>
    %add3A_91 = arith.addi %add3A_90, %iota3A : vector<16xi32>
    %lt3A_92 = vector.broadcast %scan3A_16 : i32 to vector<16xi32>
    %lt3A_93 = arith.cmpi slt, %add3A_91, %lt3A_92 : vector<16xi32>
    %get3A_94 = arith.constant 64 : index
    %get3A_95 = tpu.vector_load %arg6[%get3A_94] {strides = array<i32>} : memref<160xi32, #tpu.memory_space<vmem>>, vector<16xi32>,
    %jit3A_96 = arith.constant 0 : i32
    %broadcast_in_dim3A_97 = vector.broadcast %jit3A_96 : i32 to vector<16xi32>
    %select_n3A_98 = arith.select %lt3A_93, %get3A_95, %broadcast_in_dim3A_97 : vector<16xi1>, vector<16xi32>
    %swap3A_99 = arith.constant 64 : index
    %swap3A_100 = tpu.vector_load %arg6[%swap3A_99] {strides = array<i32>} : memref<160xi32, #tpu.memory_space<vmem>>, vector<16xi32>,
    tpu.vector_store %arg6[%swap3A_99], %select_n3A_98 {strides = array<i32>} : memref<160xi32, #tpu.memory_space<vmem>>, vector<16xi32>,
    %get3A_101 = arith.constant 64 : index
    %get3A_102 = tpu.vector_load %arg7[%get3A_101] {strides = array<i32>} : memref<160xi32, #tpu.memory_space<vmem>>, vector<16xi32>,
    %jit3A_103 = arith.constant 320 : i32
    %broadcast_in_dim3A_104 = vector.broadcast %jit3A_103 : i32 to vector<16xi32>
    %select_n3A_105 = arith.select %lt3A_93, %get3A_102, %broadcast_in_dim3A_104 : vector<16xi1>, vector<16xi32>
    %swap3A_106 = arith.constant 64 : index
    %swap3A_107 = tpu.vector_load %arg7[%swap3A_106] {strides = array<i32>} : memref<160xi32, #tpu.memory_space<vmem>>, vector<16xi32>,
    tpu.vector_store %arg7[%swap3A_106], %select_n3A_105 {strides = array<i32>} : memref<160xi32, #tpu.memory_space<vmem>>, vector<16xi32>,
    %add3A_108 = arith.constant 80 : i32
    %add3A_109 = vector.broadcast %add3A_108 : i32 to vector<16xi32>
    %add3A_110 = arith.addi %add3A_109, %iota3A : vector<16xi32>
    %lt3A_111 = vector.broadcast %scan3A_16 : i32 to vector<16xi32>
    %lt3A_112 = arith.cmpi slt, %add3A_110, %lt3A_111 : vector<16xi32>
    %get3A_113 = arith.constant 80 : index
    %get3A_114 = tpu.vector_load %arg6[%get3A_113] {strides = array<i32>} : memref<160xi32, #tpu.memory_space<vmem>>, vector<16xi32>,
    %jit3A_115 = arith.constant 0 : i32
    %broadcast_in_dim3A_116 = vector.broadcast %jit3A_115 : i32 to vector<16xi32>
    %select_n3A_117 = arith.select %lt3A_112, %get3A_114, %broadcast_in_dim3A_116 : vector<16xi1>, vector<16xi32>
    %swap3A_118 = arith.constant 80 : index
    %swap3A_119 = tpu.vector_load %arg6[%swap3A_118] {strides = array<i32>} : memref<160xi32, #tpu.memory_space<vmem>>, vector<16xi32>,
    tpu.vector_store %arg6[%swap3A_118], %select_n3A_117 {strides = array<i32>} : memref<160xi32, #tpu.memory_space<vmem>>, vector<16xi32>,
    %get3A_120 = arith.constant 80 : index
    %get3A_121 = tpu.vector_load %arg7[%get3A_120] {strides = array<i32>} : memref<160xi32, #tpu.memory_space<vmem>>, vector<16xi32>,
    %jit3A_122 = arith.constant 320 : i32
    %broadcast_in_dim3A_123 = vector.broadcast %jit3A_122 : i32 to vector<16xi32>
    %select_n3A_124 = arith.select %lt3A_112, %get3A_121, %broadcast_in_dim3A_123 : vector<16xi1>, vector<16xi32>
    %swap3A_125 = arith.constant 80 : index
    %swap3A_126 = tpu.vector_load %arg7[%swap3A_125] {strides = array<i32>} : memref<160xi32, #tpu.memory_space<vmem>>, vector<16xi32>,
    tpu.vector_store %arg7[%swap3A_125], %select_n3A_124 {strides = array<i32>} : memref<160xi32, #tpu.memory_space<vmem>>, vector<16xi32>,
    %add3A_127 = arith.constant 96 : i32
    %add3A_128 = vector.broadcast %add3A_127 : i32 to vector<16xi32>
    %add3A_129 = arith.addi %add3A_128, %iota3A : vector<16xi32>
    %lt3A_130 = vector.broadcast %scan3A_16 : i32 to vector<16xi32>
    %lt3A_131 = arith.cmpi slt, %add3A_129, %lt3A_130 : vector<16xi32>
    %get3A_132 = arith.constant 96 : index
    %get3A_133 = tpu.vector_load %arg6[%get3A_132] {strides = array<i32>} : memref<160xi32, #tpu.memory_space<vmem>>, vector<16xi32>,
    %jit3A_134 = arith.constant 0 : i32
    %broadcast_in_dim3A_135 = vector.broadcast %jit3A_134 : i32 to vector<16xi32>
    %select_n3A_136 = arith.select %lt3A_131, %get3A_133, %broadcast_in_dim3A_135 : vector<16xi1>, vector<16xi32>
    %swap3A_137 = arith.constant 96 : index
    %swap3A_138 = tpu.vector_load %arg6[%swap3A_137] {strides = array<i32>} : memref<160xi32, #tpu.memory_space<vmem>>, vector<16xi32>,
    tpu.vector_store %arg6[%swap3A_137], %select_n3A_136 {strides = array<i32>} : memref<160xi32, #tpu.memory_space<vmem>>, vector<16xi32>,
    %get3A_139 = arith.constant 96 : index
    %get3A_140 = tpu.vector_load %arg7[%get3A_139] {strides = array<i32>} : memref<160xi32, #tpu.memory_space<vmem>>, vector<16xi32>,
    %jit3A_141 = arith.constant 320 : i32
    %broadcast_in_dim3A_142 = vector.broadcast %jit3A_141 : i32 to vector<16xi32>
    %select_n3A_143 = arith.select %lt3A_131, %get3A_140, %broadcast_in_dim3A_142 : vector<16xi1>, vector<16xi32>
    %swap3A_144 = arith.constant 96 : index
    %swap3A_145 = tpu.vector_load %arg7[%swap3A_144] {strides = array<i32>} : memref<160xi32, #tpu.memory_space<vmem>>, vector<16xi32>,
    tpu.vector_store %arg7[%swap3A_144], %select_n3A_143 {strides = array<i32>} : memref<160xi32, #tpu.memory_space<vmem>>, vector<16xi32>,
    %add3A_146 = arith.constant 112 : i32
    %add3A_147 = vector.broadcast %add3A_146 : i32 to vector<16xi32>
    %add3A_148 = arith.addi %add3A_147, %iota3A : vector<16xi32>
    %lt3A_149 = vector.broadcast %scan3A_16 : i32 to vector<16xi32>
    %lt3A_150 = arith.cmpi slt, %add3A_148, %lt3A_149 : vector<16xi32>
    %get3A_151 = arith.constant 112 : index
    %get3A_152 = tpu.vector_load %arg6[%get3A_151] {strides = array<i32>} : memref<160xi32, #tpu.memory_space<vmem>>, vector<16xi32>,
    %jit3A_153 = arith.constant 0 : i32
    %broadcast_in_dim3A_154 = vector.broadcast %jit3A_153 : i32 to vector<16xi32>
    %select_n3A_155 = arith.select %lt3A_150, %get3A_152, %broadcast_in_dim3A_154 : vector<16xi1>, vector<16xi32>
    %swap3A_156 = arith.constant 112 : index
    %swap3A_157 = tpu.vector_load %arg6[%swap3A_156] {strides = array<i32>} : memref<160xi32, #tpu.memory_space<vmem>>, vector<16xi32>,
    tpu.vector_store %arg6[%swap3A_156], %select_n3A_155 {strides = array<i32>} : memref<160xi32, #tpu.memory_space<vmem>>, vector<16xi32>,
    %get3A_158 = arith.constant 112 : index
    %get3A_159 = tpu.vector_load %arg7[%get3A_158] {strides = array<i32>} : memref<160xi32, #tpu.memory_space<vmem>>, vector<16xi32>,
    %jit3A_160 = arith.constant 320 : i32
    %broadcast_in_dim3A_161 = vector.broadcast %jit3A_160 : i32 to vector<16xi32>
    %select_n3A_162 = arith.select %lt3A_150, %get3A_159, %broadcast_in_dim3A_161 : vector<16xi1>, vector<16xi32>
    %swap3A_163 = arith.constant 112 : index
    %swap3A_164 = tpu.vector_load %arg7[%swap3A_163] {strides = array<i32>} : memref<160xi32, #tpu.memory_space<vmem>>, vector<16xi32>,
    tpu.vector_store %arg7[%swap3A_163], %select_n3A_162 {strides = array<i32>} : memref<160xi32, #tpu.memory_space<vmem>>, vector<16xi32>,
    %get3A_165 = arith.constant 0 : index
    %get3A_166 = tpu.vector_load %arg6[%get3A_165] {strides = array<i32>} : memref<160xi32, #tpu.memory_space<vmem>>, vector<16xi32>,
    %swap3A_167 = arith.constant 0 : index
    %swap3A_168 = tpu.vector_load %arg8[%swap3A_167] {strides = array<i32>} : memref<128xi32, #tpu.memory_space<vmem>>, vector<16xi32>,
    tpu.vector_store %arg8[%swap3A_167], %get3A_166 {strides = array<i32>} : memref<128xi32, #tpu.memory_space<vmem>>, vector<16xi32>,
    %get3A_169 = arith.constant 16 : index
    %get3A_170 = tpu.vector_load %arg6[%get3A_169] {strides = array<i32>} : memref<160xi32, #tpu.memory_space<vmem>>, vector<16xi32>,
    %swap3A_171 = arith.constant 16 : index
    %swap3A_172 = tpu.vector_load %arg8[%swap3A_171] {strides = array<i32>} : memref<128xi32, #tpu.memory_space<vmem>>, vector<16xi32>,
    tpu.vector_store %arg8[%swap3A_171], %get3A_170 {strides = array<i32>} : memref<128xi32, #tpu.memory_space<vmem>>, vector<16xi32>,
    %get3A_173 = arith.constant 32 : index
    %get3A_174 = tpu.vector_load %arg6[%get3A_173] {strides = array<i32>} : memref<160xi32, #tpu.memory_space<vmem>>, vector<16xi32>,
    %swap3A_175 = arith.constant 32 : index
    %swap3A_176 = tpu.vector_load %arg8[%swap3A_175] {strides = array<i32>} : memref<128xi32, #tpu.memory_space<vmem>>, vector<16xi32>,
    tpu.vector_store %arg8[%swap3A_175], %get3A_174 {strides = array<i32>} : memref<128xi32, #tpu.memory_space<vmem>>, vector<16xi32>,
    %get3A_177 = arith.constant 48 : index
    %get3A_178 = tpu.vector_load %arg6[%get3A_177] {strides = array<i32>} : memref<160xi32, #tpu.memory_space<vmem>>, vector<16xi32>,
    %swap3A_179 = arith.constant 48 : index
    %swap3A_180 = tpu.vector_load %arg8[%swap3A_179] {strides = array<i32>} : memref<128xi32, #tpu.memory_space<vmem>>, vector<16xi32>,
    tpu.vector_store %arg8[%swap3A_179], %get3A_178 {strides = array<i32>} : memref<128xi32, #tpu.memory_space<vmem>>, vector<16xi32>,
    %get3A_181 = arith.constant 64 : index
    %get3A_182 = tpu.vector_load %arg6[%get3A_181] {strides = array<i32>} : memref<160xi32, #tpu.memory_space<vmem>>, vector<16xi32>,
    %swap3A_183 = arith.constant 64 : index
    %swap3A_184 = tpu.vector_load %arg8[%swap3A_183] {strides = array<i32>} : memref<128xi32, #tpu.memory_space<vmem>>, vector<16xi32>,
    tpu.vector_store %arg8[%swap3A_183], %get3A_182 {strides = array<i32>} : memref<128xi32, #tpu.memory_space<vmem>>, vector<16xi32>,
    %get3A_185 = arith.constant 80 : index
    %get3A_186 = tpu.vector_load %arg6[%get3A_185] {strides = array<i32>} : memref<160xi32, #tpu.memory_space<vmem>>, vector<16xi32>,
    %swap3A_187 = arith.constant 80 : index
    %swap3A_188 = tpu.vector_load %arg8[%swap3A_187] {strides = array<i32>} : memref<128xi32, #tpu.memory_space<vmem>>, vector<16xi32>,
    tpu.vector_store %arg8[%swap3A_187], %get3A_186 {strides = array<i32>} : memref<128xi32, #tpu.memory_space<vmem>>, vector<16xi32>,
    %get3A_189 = arith.constant 96 : index
    %get3A_190 = tpu.vector_load %arg6[%get3A_189] {strides = array<i32>} : memref<160xi32, #tpu.memory_space<vmem>>, vector<16xi32>,
    %swap3A_191 = arith.constant 96 : index
    %swap3A_192 = tpu.vector_load %arg8[%swap3A_191] {strides = array<i32>} : memref<128xi32, #tpu.memory_space<vmem>>, vector<16xi32>,
    tpu.vector_store %arg8[%swap3A_191], %get3A_190 {strides = array<i32>} : memref<128xi32, #tpu.memory_space<vmem>>, vector<16xi32>,
    %get3A_193 = arith.constant 112 : index
    %get3A_194 = tpu.vector_load %arg6[%get3A_193] {strides = array<i32>} : memref<160xi32, #tpu.memory_space<vmem>>, vector<16xi32>,
    %swap3A_195 = arith.constant 112 : index
    %swap3A_196 = tpu.vector_load %arg8[%swap3A_195] {strides = array<i32>} : memref<128xi32, #tpu.memory_space<vmem>>, vector<16xi32>,
    tpu.vector_store %arg8[%swap3A_195], %get3A_194 {strides = array<i32>} : memref<128xi32, #tpu.memory_space<vmem>>, vector<16xi32>,
    %dma_start3A = arith.constant 0 : i32
    %dma_start3A_197 = arith.constant 0 : i32
    %dma_start3A_198 = tpu.memref_slice %arg2[%dma_start3A, %dma_start3A_197] : memref<320000x128xf32, #tpu.memory_space<hbm>> -> memref<320000x128xf32, #tpu.memory_space<hbm>>
    tpu.enqueue_indirect_dma source(%dma_start3A_198 : memref<320000x128xf32, #tpu.memory_space<hbm>>) target(%arg9 : memref<128x128xf32, #tpu.memory_space<vmem>>) offsets(%arg8 : memref<128xi32, #tpu.memory_space<vmem>>) semaphore(%arg11 : memref<!tpu.dma_semaphore, #tpu.memory_space<semaphore_mem>>)
    %dma_wait3A = arith.constant 0 : i32
    %dma_wait3A_199 = arith.constant 0 : i32
    %dma_wait3A_200 = tpu.memref_slice %arg2[%dma_wait3A, %dma_wait3A_199] : memref<320000x128xf32, #tpu.memory_space<hbm>> -> memref<320000x128xf32, #tpu.memory_space<hbm>>
    tpu.wait_indirect_dma semaphore(%arg11 : memref<!tpu.dma_semaphore, #tpu.memory_space<semaphore_mem>>) src(%dma_wait3A_200 : memref<320000x128xf32, #tpu.memory_space<hbm>>) dst(%arg9 : memref<128x128xf32, #tpu.memory_space<vmem>>)
    %scan3A_201 = arith.constant 0 : i32
    %scan3A_202 = arith.constant 0 : i32
    %scan3A_203 = arith.constant 128 : i32
    %scan3A_204 = arith.addi %scan3A_202, %scan3A_203 : i32
    %scan3A_205 = arith.constant 1 : i32
    scf.for %scan3A_213 = %scan3A_202 to %scan3A_204 step %scan3A_205  : i32 {
      %get3A_214 = arith.index_cast %scan3A_213 : i32 to index
      %get3A_215 = tpu.vector_load %arg7[%get3A_214] {strides = array<i32>} : memref<160xi32, #tpu.memory_space<vmem>>, vector<16xi32>,
      %slice3A = vector.extract_strided_slice %get3A_215 {offsets = [0], sizes = [1], strides = [1]} : vector<16xi32> to vector<1xi32>
      %squeeze3A = vector.extract %slice3A[0] : i32 from vector<1xi32>
      %get3A_216 = arith.index_cast %squeeze3A : i32 to index
      %get3A_217 = arith.constant 0 : index
      %get3A_218 = tpu.vector_load %arg10[%get3A_216, %get3A_217] {strides = array<i32>} : memref<321x64xf32, #tpu.memory_space<vmem>>, vector<16xf32>,
      %get3A_219 = arith.index_cast %scan3A_213 : i32 to index
      %get3A_220 = arith.constant 0 : index
      %get3A_221 = tpu.vector_load %arg9[%get3A_219, %get3A_220] {strides = array<i32>} : memref<128x128xf32, #tpu.memory_space<vmem>>, vector<16xf32>,
      %max3A = arith.maximumf %get3A_218, %get3A_221 : vector<16xf32>
      %swap3A_222 = arith.index_cast %squeeze3A : i32 to index
      %swap3A_223 = arith.constant 0 : index
      %swap3A_224 = tpu.vector_load %arg10[%swap3A_222, %swap3A_223] {strides = array<i32>} : memref<321x64xf32, #tpu.memory_space<vmem>>, vector<16xf32>,
      tpu.vector_store %arg10[%swap3A_222, %swap3A_223], %max3A {strides = array<i32>} : memref<321x64xf32, #tpu.memory_space<vmem>>, vector<16xf32>,
      %get3A_225 = arith.index_cast %squeeze3A : i32 to index
      %get3A_226 = arith.constant 16 : index
      %get3A_227 = tpu.vector_load %arg10[%get3A_225, %get3A_226] {strides = array<i32>} : memref<321x64xf32, #tpu.memory_space<vmem>>, vector<16xf32>,
      %get3A_228 = arith.index_cast %scan3A_213 : i32 to index
      %get3A_229 = arith.constant 16 : index
      %get3A_230 = tpu.vector_load %arg9[%get3A_228, %get3A_229] {strides = array<i32>} : memref<128x128xf32, #tpu.memory_space<vmem>>, vector<16xf32>,
      %max3A_231 = arith.maximumf %get3A_227, %get3A_230 : vector<16xf32>
      %swap3A_232 = arith.index_cast %squeeze3A : i32 to index
      %swap3A_233 = arith.constant 16 : index
      %swap3A_234 = tpu.vector_load %arg10[%swap3A_232, %swap3A_233] {strides = array<i32>} : memref<321x64xf32, #tpu.memory_space<vmem>>, vector<16xf32>,
      tpu.vector_store %arg10[%swap3A_232, %swap3A_233], %max3A_231 {strides = array<i32>} : memref<321x64xf32, #tpu.memory_space<vmem>>, vector<16xf32>,
      %get3A_235 = arith.index_cast %squeeze3A : i32 to index
      %get3A_236 = arith.constant 32 : index
      %get3A_237 = tpu.vector_load %arg10[%get3A_235, %get3A_236] {strides = array<i32>} : memref<321x64xf32, #tpu.memory_space<vmem>>, vector<16xf32>,
      %get3A_238 = arith.index_cast %scan3A_213 : i32 to index
      %get3A_239 = arith.constant 32 : index
      %get3A_240 = tpu.vector_load %arg9[%get3A_238, %get3A_239] {strides = array<i32>} : memref<128x128xf32, #tpu.memory_space<vmem>>, vector<16xf32>,
      %max3A_241 = arith.maximumf %get3A_237, %get3A_240 : vector<16xf32>
      %swap3A_242 = arith.index_cast %squeeze3A : i32 to index
      %swap3A_243 = arith.constant 32 : index
      %swap3A_244 = tpu.vector_load %arg10[%swap3A_242, %swap3A_243] {strides = array<i32>} : memref<321x64xf32, #tpu.memory_space<vmem>>, vector<16xf32>,
      tpu.vector_store %arg10[%swap3A_242, %swap3A_243], %max3A_241 {strides = array<i32>} : memref<321x64xf32, #tpu.memory_space<vmem>>, vector<16xf32>,
      %get3A_245 = arith.index_cast %squeeze3A : i32 to index
      %get3A_246 = arith.constant 48 : index
      %get3A_247 = tpu.vector_load %arg10[%get3A_245, %get3A_246] {strides = array<i32>} : memref<321x64xf32, #tpu.memory_space<vmem>>, vector<16xf32>,
      %get3A_248 = arith.index_cast %scan3A_213 : i32 to index
      %get3A_249 = arith.constant 48 : index
      %get3A_250 = tpu.vector_load %arg9[%get3A_248, %get3A_249] {strides = array<i32>} : memref<128x128xf32, #tpu.memory_space<vmem>>, vector<16xf32>,
      %max3A_251 = arith.maximumf %get3A_247, %get3A_250 : vector<16xf32>
      %swap3A_252 = arith.index_cast %squeeze3A : i32 to index
      %swap3A_253 = arith.constant 48 : index
      %swap3A_254 = tpu.vector_load %arg10[%swap3A_252, %swap3A_253] {strides = array<i32>} : memref<321x64xf32, #tpu.memory_space<vmem>>, vector<16xf32>,
      tpu.vector_store %arg10[%swap3A_252, %swap3A_253], %max3A_251 {strides = array<i32>} : memref<321x64xf32, #tpu.memory_space<vmem>>, vector<16xf32>,
    }
    %scan3A_206 = arith.constant 128 : i32
    %scan3A_207 = arith.constant 0 : i32
    %scan3A_208 = arith.constant 0 : i32
    %scan3A_209 = arith.constant 320 : i32
    %scan3A_210 = arith.addi %scan3A_208, %scan3A_209 : i32
    %scan3A_211 = arith.constant 1 : i32
    scf.for %scan3A_213 = %scan3A_208 to %scan3A_210 step %scan3A_211  : i32 {
      %get3A_214 = arith.index_cast %scan3A_213 : i32 to index
      %get3A_215 = arith.constant 0 : index
      %get3A_216 = tpu.vector_load %arg10[%get3A_214, %get3A_215] {strides = array<i32>} : memref<321x64xf32, #tpu.memory_space<vmem>>, vector<16xf32>,
      %eq3A = arith.constant 0xFF800000 : f32
      %eq3A_217 = vector.broadcast %eq3A : f32 to vector<16xf32>
      %eq3A_218 = arith.cmpf oeq, %get3A_216, %eq3A_217 : vector<16xf32>
      %jit3A_219 = arith.constant 0.000000e+00 : f32
      %broadcast_in_dim3A_220 = vector.broadcast %jit3A_219 : f32 to vector<16xf32>
      %select_n3A_221 = arith.select %eq3A_218, %broadcast_in_dim3A_220, %get3A_216 : vector<16xi1>, vector<16xf32>
      %swap3A_222 = arith.index_cast %scan3A_213 : i32 to index
      %swap3A_223 = arith.constant 0 : index
      %swap3A_224 = tpu.vector_load %arg10[%swap3A_222, %swap3A_223] {strides = array<i32>} : memref<321x64xf32, #tpu.memory_space<vmem>>, vector<16xf32>,
      tpu.vector_store %arg10[%swap3A_222, %swap3A_223], %select_n3A_221 {strides = array<i32>} : memref<321x64xf32, #tpu.memory_space<vmem>>, vector<16xf32>,
      %get3A_225 = arith.index_cast %scan3A_213 : i32 to index
      %get3A_226 = arith.constant 16 : index
      %get3A_227 = tpu.vector_load %arg10[%get3A_225, %get3A_226] {strides = array<i32>} : memref<321x64xf32, #tpu.memory_space<vmem>>, vector<16xf32>,
      %eq3A_228 = arith.constant 0xFF800000 : f32
      %eq3A_229 = vector.broadcast %eq3A_228 : f32 to vector<16xf32>
      %eq3A_230 = arith.cmpf oeq, %get3A_227, %eq3A_229 : vector<16xf32>
      %jit3A_231 = arith.constant 0.000000e+00 : f32
      %broadcast_in_dim3A_232 = vector.broadcast %jit3A_231 : f32 to vector<16xf32>
      %select_n3A_233 = arith.select %eq3A_230, %broadcast_in_dim3A_232, %get3A_227 : vector<16xi1>, vector<16xf32>
      %swap3A_234 = arith.index_cast %scan3A_213 : i32 to index
      %swap3A_235 = arith.constant 16 : index
      %swap3A_236 = tpu.vector_load %arg10[%swap3A_234, %swap3A_235] {strides = array<i32>} : memref<321x64xf32, #tpu.memory_space<vmem>>, vector<16xf32>,
      tpu.vector_store %arg10[%swap3A_234, %swap3A_235], %select_n3A_233 {strides = array<i32>} : memref<321x64xf32, #tpu.memory_space<vmem>>, vector<16xf32>,
      %get3A_237 = arith.index_cast %scan3A_213 : i32 to index
      %get3A_238 = arith.constant 32 : index
      %get3A_239 = tpu.vector_load %arg10[%get3A_237, %get3A_238] {strides = array<i32>} : memref<321x64xf32, #tpu.memory_space<vmem>>, vector<16xf32>,
      %eq3A_240 = arith.constant 0xFF800000 : f32
      %eq3A_241 = vector.broadcast %eq3A_240 : f32 to vector<16xf32>
      %eq3A_242 = arith.cmpf oeq, %get3A_239, %eq3A_241 : vector<16xf32>
      %jit3A_243 = arith.constant 0.000000e+00 : f32
      %broadcast_in_dim3A_244 = vector.broadcast %jit3A_243 : f32 to vector<16xf32>
      %select_n3A_245 = arith.select %eq3A_242, %broadcast_in_dim3A_244, %get3A_239 : vector<16xi1>, vector<16xf32>
      %swap3A_246 = arith.index_cast %scan3A_213 : i32 to index
      %swap3A_247 = arith.constant 32 : index
      %swap3A_248 = tpu.vector_load %arg10[%swap3A_246, %swap3A_247] {strides = array<i32>} : memref<321x64xf32, #tpu.memory_space<vmem>>, vector<16xf32>,
      tpu.vector_store %arg10[%swap3A_246, %swap3A_247], %select_n3A_245 {strides = array<i32>} : memref<321x64xf32, #tpu.memory_space<vmem>>, vector<16xf32>,
      %get3A_249 = arith.index_cast %scan3A_213 : i32 to index
      %get3A_250 = arith.constant 48 : index
      %get3A_251 = tpu.vector_load %arg10[%get3A_249, %get3A_250] {strides = array<i32>} : memref<321x64xf32, #tpu.memory_space<vmem>>, vector<16xf32>,
      %eq3A_252 = arith.constant 0xFF800000 : f32
      %eq3A_253 = vector.broadcast %eq3A_252 : f32 to vector<16xf32>
      %eq3A_254 = arith.cmpf oeq, %get3A_251, %eq3A_253 : vector<16xf32>
      %jit3A_255 = arith.constant 0.000000e+00 : f32
      %broadcast_in_dim3A_256 = vector.broadcast %jit3A_255 : f32 to vector<16xf32>
      %select_n3A_257 = arith.select %eq3A_254, %broadcast_in_dim3A_256, %get3A_251 : vector<16xi1>, vector<16xf32>
      %swap3A_258 = arith.index_cast %scan3A_213 : i32 to index
      %swap3A_259 = arith.constant 48 : index
      %swap3A_260 = tpu.vector_load %arg10[%swap3A_258, %swap3A_259] {strides = array<i32>} : memref<321x64xf32, #tpu.memory_space<vmem>>, vector<16xf32>,
      tpu.vector_store %arg10[%swap3A_258, %swap3A_259], %select_n3A_257 {strides = array<i32>} : memref<321x64xf32, #tpu.memory_space<vmem>>, vector<16xf32>,
    }
    %scan3A_212 = arith.constant 320 : i32
    "tpu.region"() ({
      %run_scoped3A = tpu.sem_alloc : memref<!tpu.dma_semaphore, #tpu.memory_space<semaphore_mem>>
      %dma_start3A_213 = arith.constant 0 : i32
      %dma_start3A_214 = arith.constant 0 : i32
      %dma_start3A_215 = tpu.memref_slice %arg10[%dma_start3A_213, %dma_start3A_214] : memref<321x64xf32, #tpu.memory_space<vmem>> -> memref<320x64xf32, #tpu.memory_space<vmem>>
      %dma_start3A_216 = arith.constant 0 : i32
      %dma_start3A_217 = tpu.memref_slice %arg4[%mul3A_2, %dma_start3A_216] : memref<10240x64xf32, #tpu.memory_space<hbm>> -> memref<320x64xf32, #tpu.memory_space<hbm>>
      %dma_start3A_218 = arith.constant 0 : i32
      %dma_start3A_219 = tpu.memref_slice %arg4[%mul3A_2, %dma_start3A_218] : memref<10240x64xf32, #tpu.memory_space<hbm>> -> memref<320x64xf32, #tpu.memory_space<hbm>>
      %dma_start3A_220 = arith.constant 0 : i32
      %dma_start3A_221 = arith.constant 0 : i32
      %dma_start3A_222 = tpu.memref_slice %arg10[%dma_start3A_220, %dma_start3A_221] : memref<321x64xf32, #tpu.memory_space<vmem>> -> memref<320x64xf32, #tpu.memory_space<vmem>>
      tpu.enqueue_dma source(%dma_start3A_222 : memref<320x64xf32, #tpu.memory_space<vmem>>) target(%dma_start3A_219 : memref<320x64xf32, #tpu.memory_space<hbm>>) target_semaphore(%run_scoped3A : memref<!tpu.dma_semaphore, #tpu.memory_space<semaphore_mem>>)
      %dma_wait3A_223 = arith.constant 0 : i32
      %dma_wait3A_224 = arith.constant 0 : i32
      %dma_wait3A_225 = tpu.memref_slice %arg10[%dma_wait3A_223, %dma_wait3A_224] : memref<321x64xf32, #tpu.memory_space<vmem>> -> memref<320x64xf32, #tpu.memory_space<vmem>>
      %dma_wait3A_226 = arith.constant 0 : i32
      %dma_wait3A_227 = tpu.memref_slice %arg4[%mul3A_2, %dma_wait3A_226] : memref<10240x64xf32, #tpu.memory_space<hbm>> -> memref<320x64xf32, #tpu.memory_space<hbm>>
      %dma_wait3A_228 = arith.constant 0 : i32
      %dma_wait3A_229 = tpu.memref_slice %arg4[%mul3A_2, %dma_wait3A_228] : memref<10240x64xf32, #tpu.memory_space<hbm>> -> memref<320x64xf32, #tpu.memory_space<hbm>>
      %dma_wait3A_230 = arith.constant 0 : i32
      %dma_wait3A_231 = arith.constant 0 : i32
      %dma_wait3A_232 = tpu.memref_slice %arg10[%dma_wait3A_230, %dma_wait3A_231] : memref<321x64xf32, #tpu.memory_space<vmem>> -> memref<320x64xf32, #tpu.memory_space<vmem>>
      tpu.wait_dma2 semaphore(%run_scoped3A : memref<!tpu.dma_semaphore, #tpu.memory_space<semaphore_mem>>) src(%dma_wait3A_232 : memref<320x64xf32, #tpu.memory_space<vmem>>) dst(%dma_wait3A_229 : memref<320x64xf32, #tpu.memory_space<hbm>>)
      tpu.yield
    }) : () -> ()
    return
  }
}

#map = affine_map<(d0, d1) -> (0, 0)>
#map1 = affine_map<(d0, d1) -> (0)>
module attributes {stable_mosaic.version = 14 : i64} {
  func.func @_sc_gather(%arg0: i32, %arg1: i32, %arg2: memref<10000x128xf32, #tpu.memory_space<hbm>>, %arg3: memref<320000xi32, #tpu.memory_space<hbm>>, %arg4: memref<320000xi32, #tpu.memory_space<hbm>>, %arg5: memref<320000x128xf32, #tpu.memory_space<hbm>>, %arg6: memref<320000x128xf32, #tpu.memory_space<hbm>>, %arg7: memref<10000xi32, #tpu.memory_space<vmem>>, %arg8: memref<10000xi32, #tpu.memory_space<vmem>>, %arg9: memref<80x128xf32, #tpu.memory_space<vmem>>, %arg10: memref<80x128xf32, #tpu.memory_space<vmem>>, %arg11: memref<!tpu.dma_semaphore, #tpu.memory_space<semaphore_mem>>, %arg12: memref<!tpu.dma_semaphore, #tpu.memory_space<semaphore_mem>>) attributes {dimension_semantics = [#tpu.dimension_semantics<core_parallel>, #tpu.dimension_semantics<subcore_parallel>], iteration_bounds = array<i64: 2, 16>, scalar_prefetch = 0 : i64, scratch_operands = 6 : i64, tpu.core_type = #tpu.core_type<sc_vector_subcore>, window_params = [{transform_indices = #map}, {transform_indices = #map1}, {transform_indices = #map1}, {transform_indices = #map}, {transform_indices = #map}]} {
    %mul3A = arith.constant 2 : i32
    %mul3A_0 = arith.muli %arg1, %mul3A : i32
    %add3A = arith.addi %mul3A_0, %arg0 : i32
    %mul3A_1 = arith.constant 10000 : i32
    %mul3A_2 = arith.muli %add3A, %mul3A_1 : i32
    "tpu.region"() ({
      %run_scoped3A = tpu.sem_alloc : memref<!tpu.dma_semaphore, #tpu.memory_space<semaphore_mem>>
      %dma_start3A = tpu.memref_slice %arg3[%mul3A_2] : memref<320000xi32, #tpu.memory_space<hbm>> -> memref<10000xi32, #tpu.memory_space<hbm>>
      %dma_start3A_8 = tpu.memref_slice %arg3[%mul3A_2] : memref<320000xi32, #tpu.memory_space<hbm>> -> memref<10000xi32, #tpu.memory_space<hbm>>
      tpu.enqueue_dma source(%dma_start3A_8 : memref<10000xi32, #tpu.memory_space<hbm>>) target(%arg7 : memref<10000xi32, #tpu.memory_space<vmem>>) target_semaphore(%run_scoped3A : memref<!tpu.dma_semaphore, #tpu.memory_space<semaphore_mem>>)
      %dma_wait3A = tpu.memref_slice %arg3[%mul3A_2] : memref<320000xi32, #tpu.memory_space<hbm>> -> memref<10000xi32, #tpu.memory_space<hbm>>
      %dma_wait3A_9 = tpu.memref_slice %arg3[%mul3A_2] : memref<320000xi32, #tpu.memory_space<hbm>> -> memref<10000xi32, #tpu.memory_space<hbm>>
      tpu.wait_dma2 semaphore(%run_scoped3A : memref<!tpu.dma_semaphore, #tpu.memory_space<semaphore_mem>>) src(%dma_wait3A_9 : memref<10000xi32, #tpu.memory_space<hbm>>) dst(%arg7 : memref<10000xi32, #tpu.memory_space<vmem>>)
      tpu.yield
    }) : () -> ()
    "tpu.region"() ({
      %run_scoped3A = tpu.sem_alloc : memref<!tpu.dma_semaphore, #tpu.memory_space<semaphore_mem>>
      %dma_start3A = tpu.memref_slice %arg4[%mul3A_2] : memref<320000xi32, #tpu.memory_space<hbm>> -> memref<10000xi32, #tpu.memory_space<hbm>>
      %dma_start3A_8 = tpu.memref_slice %arg4[%mul3A_2] : memref<320000xi32, #tpu.memory_space<hbm>> -> memref<10000xi32, #tpu.memory_space<hbm>>
      tpu.enqueue_dma source(%dma_start3A_8 : memref<10000xi32, #tpu.memory_space<hbm>>) target(%arg8 : memref<10000xi32, #tpu.memory_space<vmem>>) target_semaphore(%run_scoped3A : memref<!tpu.dma_semaphore, #tpu.memory_space<semaphore_mem>>)
      %dma_wait3A = tpu.memref_slice %arg4[%mul3A_2] : memref<320000xi32, #tpu.memory_space<hbm>> -> memref<10000xi32, #tpu.memory_space<hbm>>
      %dma_wait3A_9 = tpu.memref_slice %arg4[%mul3A_2] : memref<320000xi32, #tpu.memory_space<hbm>> -> memref<10000xi32, #tpu.memory_space<hbm>>
      tpu.wait_dma2 semaphore(%run_scoped3A : memref<!tpu.dma_semaphore, #tpu.memory_space<semaphore_mem>>) src(%dma_wait3A_9 : memref<10000xi32, #tpu.memory_space<hbm>>) dst(%arg8 : memref<10000xi32, #tpu.memory_space<vmem>>)
      tpu.yield
    }) : () -> ()
    %scan3A = arith.constant 0 : i32
    %scan3A_3 = arith.constant 0 : i32
    %scan3A_4 = arith.constant 125 : i32
    %scan3A_5 = arith.addi %scan3A_3, %scan3A_4 : i32
    %scan3A_6 = arith.constant 1 : i32
    scf.for %scan3A_8 = %scan3A_3 to %scan3A_5 step %scan3A_6  : i32 {
      %mul3A_9 = arith.constant 80 : i32
      %mul3A_10 = arith.muli %scan3A_8, %mul3A_9 : i32
      %dma_start3A = tpu.memref_slice %arg7[%mul3A_10] : memref<10000xi32, #tpu.memory_space<vmem>> -> memref<80xi32, #tpu.memory_space<vmem>>
      %dma_start3A_11 = arith.constant 0 : i32
      %dma_start3A_12 = arith.constant 0 : i32
      %dma_start3A_13 = tpu.memref_slice %arg2[%dma_start3A_11, %dma_start3A_12] : memref<10000x128xf32, #tpu.memory_space<hbm>> -> memref<10000x128xf32, #tpu.memory_space<hbm>>
      tpu.enqueue_indirect_dma source(%dma_start3A_13 : memref<10000x128xf32, #tpu.memory_space<hbm>>) target(%arg9 : memref<80x128xf32, #tpu.memory_space<vmem>>) offsets(%dma_start3A : memref<80xi32, #tpu.memory_space<vmem>>) semaphore(%arg11 : memref<!tpu.dma_semaphore, #tpu.memory_space<semaphore_mem>>)
      %dma_start3A_14 = tpu.memref_slice %arg8[%mul3A_10] : memref<10000xi32, #tpu.memory_space<vmem>> -> memref<80xi32, #tpu.memory_space<vmem>>
      %dma_start3A_15 = arith.constant 0 : i32
      %dma_start3A_16 = arith.constant 0 : i32
      %dma_start3A_17 = tpu.memref_slice %arg2[%dma_start3A_15, %dma_start3A_16] : memref<10000x128xf32, #tpu.memory_space<hbm>> -> memref<10000x128xf32, #tpu.memory_space<hbm>>
      tpu.enqueue_indirect_dma source(%dma_start3A_17 : memref<10000x128xf32, #tpu.memory_space<hbm>>) target(%arg10 : memref<80x128xf32, #tpu.memory_space<vmem>>) offsets(%dma_start3A_14 : memref<80xi32, #tpu.memory_space<vmem>>) semaphore(%arg12 : memref<!tpu.dma_semaphore, #tpu.memory_space<semaphore_mem>>)
      %dma_wait3A = tpu.memref_slice %arg7[%mul3A_10] : memref<10000xi32, #tpu.memory_space<vmem>> -> memref<80xi32, #tpu.memory_space<vmem>>
      %dma_wait3A_18 = arith.constant 0 : i32
      %dma_wait3A_19 = arith.constant 0 : i32
      %dma_wait3A_20 = tpu.memref_slice %arg2[%dma_wait3A_18, %dma_wait3A_19] : memref<10000x128xf32, #tpu.memory_space<hbm>> -> memref<10000x128xf32, #tpu.memory_space<hbm>>
      tpu.wait_indirect_dma semaphore(%arg11 : memref<!tpu.dma_semaphore, #tpu.memory_space<semaphore_mem>>) src(%dma_wait3A_20 : memref<10000x128xf32, #tpu.memory_space<hbm>>) dst(%arg9 : memref<80x128xf32, #tpu.memory_space<vmem>>)
      %dma_wait3A_21 = tpu.memref_slice %arg8[%mul3A_10] : memref<10000xi32, #tpu.memory_space<vmem>> -> memref<80xi32, #tpu.memory_space<vmem>>
      %dma_wait3A_22 = arith.constant 0 : i32
      %dma_wait3A_23 = arith.constant 0 : i32
      %dma_wait3A_24 = tpu.memref_slice %arg2[%dma_wait3A_22, %dma_wait3A_23] : memref<10000x128xf32, #tpu.memory_space<hbm>> -> memref<10000x128xf32, #tpu.memory_space<hbm>>
      tpu.wait_indirect_dma semaphore(%arg12 : memref<!tpu.dma_semaphore, #tpu.memory_space<semaphore_mem>>) src(%dma_wait3A_24 : memref<10000x128xf32, #tpu.memory_space<hbm>>) dst(%arg10 : memref<80x128xf32, #tpu.memory_space<vmem>>)
      %add3A_25 = arith.addi %mul3A_2, %mul3A_10 : i32
      "tpu.region"() ({
        %run_scoped3A = tpu.sem_alloc : memref<!tpu.dma_semaphore, #tpu.memory_space<semaphore_mem>>
        %dma_start3A_27 = arith.constant 0 : i32
        %dma_start3A_28 = tpu.memref_slice %arg5[%add3A_25, %dma_start3A_27] : memref<320000x128xf32, #tpu.memory_space<hbm>> -> memref<80x128xf32, #tpu.memory_space<hbm>>
        %dma_start3A_29 = arith.constant 0 : i32
        %dma_start3A_30 = tpu.memref_slice %arg5[%add3A_25, %dma_start3A_29] : memref<320000x128xf32, #tpu.memory_space<hbm>> -> memref<80x128xf32, #tpu.memory_space<hbm>>
        tpu.enqueue_dma source(%arg9 : memref<80x128xf32, #tpu.memory_space<vmem>>) target(%dma_start3A_30 : memref<80x128xf32, #tpu.memory_space<hbm>>) target_semaphore(%run_scoped3A : memref<!tpu.dma_semaphore, #tpu.memory_space<semaphore_mem>>)
        %dma_wait3A_31 = arith.constant 0 : i32
        %dma_wait3A_32 = tpu.memref_slice %arg5[%add3A_25, %dma_wait3A_31] : memref<320000x128xf32, #tpu.memory_space<hbm>> -> memref<80x128xf32, #tpu.memory_space<hbm>>
        %dma_wait3A_33 = arith.constant 0 : i32
        %dma_wait3A_34 = tpu.memref_slice %arg5[%add3A_25, %dma_wait3A_33] : memref<320000x128xf32, #tpu.memory_space<hbm>> -> memref<80x128xf32, #tpu.memory_space<hbm>>
        tpu.wait_dma2 semaphore(%run_scoped3A : memref<!tpu.dma_semaphore, #tpu.memory_space<semaphore_mem>>) src(%arg9 : memref<80x128xf32, #tpu.memory_space<vmem>>) dst(%dma_wait3A_34 : memref<80x128xf32, #tpu.memory_space<hbm>>)
        tpu.yield
      }) : () -> ()
      %add3A_26 = arith.addi %mul3A_2, %mul3A_10 : i32
      "tpu.region"() ({
        %run_scoped3A = tpu.sem_alloc : memref<!tpu.dma_semaphore, #tpu.memory_space<semaphore_mem>>
        %dma_start3A_27 = arith.constant 0 : i32
        %dma_start3A_28 = tpu.memref_slice %arg6[%add3A_26, %dma_start3A_27] : memref<320000x128xf32, #tpu.memory_space<hbm>> -> memref<80x128xf32, #tpu.memory_space<hbm>>
        %dma_start3A_29 = arith.constant 0 : i32
        %dma_start3A_30 = tpu.memref_slice %arg6[%add3A_26, %dma_start3A_29] : memref<320000x128xf32, #tpu.memory_space<hbm>> -> memref<80x128xf32, #tpu.memory_space<hbm>>
        tpu.enqueue_dma source(%arg10 : memref<80x128xf32, #tpu.memory_space<vmem>>) target(%dma_start3A_30 : memref<80x128xf32, #tpu.memory_space<hbm>>) target_semaphore(%run_scoped3A : memref<!tpu.dma_semaphore, #tpu.memory_space<semaphore_mem>>)
        %dma_wait3A_31 = arith.constant 0 : i32
        %dma_wait3A_32 = tpu.memref_slice %arg6[%add3A_26, %dma_wait3A_31] : memref<320000x128xf32, #tpu.memory_space<hbm>> -> memref<80x128xf32, #tpu.memory_space<hbm>>
        %dma_wait3A_33 = arith.constant 0 : i32
        %dma_wait3A_34 = tpu.memref_slice %arg6[%add3A_26, %dma_wait3A_33] : memref<320000x128xf32, #tpu.memory_space<hbm>> -> memref<80x128xf32, #tpu.memory_space<hbm>>
        tpu.wait_dma2 semaphore(%run_scoped3A : memref<!tpu.dma_semaphore, #tpu.memory_space<semaphore_mem>>) src(%arg10 : memref<80x128xf32, #tpu.memory_space<vmem>>) dst(%dma_wait3A_34 : memref<80x128xf32, #tpu.memory_space<hbm>>)
        tpu.yield
      }) : () -> ()
    }
    %scan3A_7 = arith.constant 125 : i32
    return
  }
}

#map = affine_map<(d0, d1) -> (0, 0)>
#map1 = affine_map<(d0, d1) -> (0)>
module attributes {stable_mosaic.version = 14 : i64} {
  func.func @_sc_gather(%arg0: i32, %arg1: i32, %arg2: memref<10000x128xf32, #tpu.memory_space<hbm>>, %arg3: memref<320000xi32, #tpu.memory_space<hbm>>, %arg4: memref<320000xi32, #tpu.memory_space<hbm>>, %arg5: memref<320000x128xf32, #tpu.memory_space<hbm>>, %arg6: memref<320000x128xf32, #tpu.memory_space<hbm>>, %arg7: memref<10000xi32, #tpu.memory_space<vmem>>, %arg8: memref<10000xi32, #tpu.memory_space<vmem>>, %arg9: memref<80x128xf32, #tpu.memory_space<vmem>>, %arg10: memref<80x128xf32, #tpu.memory_space<vmem>>, %arg11: memref<!tpu.dma_semaphore, #tpu.memory_space<semaphore_mem>>, %arg12: memref<!tpu.dma_semaphore, #tpu.memory_space<semaphore_mem>>) attributes {dimension_semantics = [#tpu.dimension_semantics<core_parallel>, #tpu.dimension_semantics<subcore_parallel>], iteration_bounds = array<i64: 2, 16>, scalar_prefetch = 0 : i64, scratch_operands = 6 : i64, tpu.core_type = #tpu.core_type<sc_vector_subcore>, window_params = [{transform_indices = #map}, {transform_indices = #map1}, {transform_indices = #map1}, {transform_indices = #map}, {transform_indices = #map}]} {
    %mul3A = arith.constant 2 : i32
    %mul3A_0 = arith.muli %arg1, %mul3A : i32
    %add3A = arith.addi %mul3A_0, %arg0 : i32
    %mul3A_1 = arith.constant 10000 : i32
    %mul3A_2 = arith.muli %add3A, %mul3A_1 : i32
    "tpu.region"() ({
      %run_scoped3A = tpu.sem_alloc : memref<!tpu.dma_semaphore, #tpu.memory_space<semaphore_mem>>
      %dma_start3A = tpu.memref_slice %arg3[%mul3A_2] : memref<320000xi32, #tpu.memory_space<hbm>> -> memref<10000xi32, #tpu.memory_space<hbm>>
      %dma_start3A_8 = tpu.memref_slice %arg3[%mul3A_2] : memref<320000xi32, #tpu.memory_space<hbm>> -> memref<10000xi32, #tpu.memory_space<hbm>>
      tpu.enqueue_dma source(%dma_start3A_8 : memref<10000xi32, #tpu.memory_space<hbm>>) target(%arg7 : memref<10000xi32, #tpu.memory_space<vmem>>) target_semaphore(%run_scoped3A : memref<!tpu.dma_semaphore, #tpu.memory_space<semaphore_mem>>)
      %dma_wait3A = tpu.memref_slice %arg3[%mul3A_2] : memref<320000xi32, #tpu.memory_space<hbm>> -> memref<10000xi32, #tpu.memory_space<hbm>>
      %dma_wait3A_9 = tpu.memref_slice %arg3[%mul3A_2] : memref<320000xi32, #tpu.memory_space<hbm>> -> memref<10000xi32, #tpu.memory_space<hbm>>
      tpu.wait_dma2 semaphore(%run_scoped3A : memref<!tpu.dma_semaphore, #tpu.memory_space<semaphore_mem>>) src(%dma_wait3A_9 : memref<10000xi32, #tpu.memory_space<hbm>>) dst(%arg7 : memref<10000xi32, #tpu.memory_space<vmem>>)
      tpu.yield
    }) : () -> ()
    "tpu.region"() ({
      %run_scoped3A = tpu.sem_alloc : memref<!tpu.dma_semaphore, #tpu.memory_space<semaphore_mem>>
      %dma_start3A = tpu.memref_slice %arg4[%mul3A_2] : memref<320000xi32, #tpu.memory_space<hbm>> -> memref<10000xi32, #tpu.memory_space<hbm>>
      %dma_start3A_8 = tpu.memref_slice %arg4[%mul3A_2] : memref<320000xi32, #tpu.memory_space<hbm>> -> memref<10000xi32, #tpu.memory_space<hbm>>
      tpu.enqueue_dma source(%dma_start3A_8 : memref<10000xi32, #tpu.memory_space<hbm>>) target(%arg8 : memref<10000xi32, #tpu.memory_space<vmem>>) target_semaphore(%run_scoped3A : memref<!tpu.dma_semaphore, #tpu.memory_space<semaphore_mem>>)
      %dma_wait3A = tpu.memref_slice %arg4[%mul3A_2] : memref<320000xi32, #tpu.memory_space<hbm>> -> memref<10000xi32, #tpu.memory_space<hbm>>
      %dma_wait3A_9 = tpu.memref_slice %arg4[%mul3A_2] : memref<320000xi32, #tpu.memory_space<hbm>> -> memref<10000xi32, #tpu.memory_space<hbm>>
      tpu.wait_dma2 semaphore(%run_scoped3A : memref<!tpu.dma_semaphore, #tpu.memory_space<semaphore_mem>>) src(%dma_wait3A_9 : memref<10000xi32, #tpu.memory_space<hbm>>) dst(%arg8 : memref<10000xi32, #tpu.memory_space<vmem>>)
      tpu.yield
    }) : () -> ()
    %scan3A = arith.constant 0 : i32
    %scan3A_3 = arith.constant 0 : i32
    %scan3A_4 = arith.constant 125 : i32
    %scan3A_5 = arith.addi %scan3A_3, %scan3A_4 : i32
    %scan3A_6 = arith.constant 1 : i32
    scf.for %scan3A_8 = %scan3A_3 to %scan3A_5 step %scan3A_6  : i32 {
      %mul3A_9 = arith.constant 80 : i32
      %mul3A_10 = arith.muli %scan3A_8, %mul3A_9 : i32
      %dma_start3A = tpu.memref_slice %arg7[%mul3A_10] : memref<10000xi32, #tpu.memory_space<vmem>> -> memref<80xi32, #tpu.memory_space<vmem>>
      %dma_start3A_11 = arith.constant 0 : i32
      %dma_start3A_12 = arith.constant 0 : i32
      %dma_start3A_13 = tpu.memref_slice %arg2[%dma_start3A_11, %dma_start3A_12] : memref<10000x128xf32, #tpu.memory_space<hbm>> -> memref<10000x128xf32, #tpu.memory_space<hbm>>
      tpu.enqueue_indirect_dma source(%dma_start3A_13 : memref<10000x128xf32, #tpu.memory_space<hbm>>) target(%arg9 : memref<80x128xf32, #tpu.memory_space<vmem>>) offsets(%dma_start3A : memref<80xi32, #tpu.memory_space<vmem>>) semaphore(%arg11 : memref<!tpu.dma_semaphore, #tpu.memory_space<semaphore_mem>>)
      %dma_start3A_14 = tpu.memref_slice %arg8[%mul3A_10] : memref<10000xi32, #tpu.memory_space<vmem>> -> memref<80xi32, #tpu.memory_space<vmem>>
      %dma_start3A_15 = arith.constant 0 : i32
      %dma_start3A_16 = arith.constant 0 : i32
      %dma_start3A_17 = tpu.memref_slice %arg2[%dma_start3A_15, %dma_start3A_16] : memref<10000x128xf32, #tpu.memory_space<hbm>> -> memref<10000x128xf32, #tpu.memory_space<hbm>>
      tpu.enqueue_indirect_dma source(%dma_start3A_17 : memref<10000x128xf32, #tpu.memory_space<hbm>>) target(%arg10 : memref<80x128xf32, #tpu.memory_space<vmem>>) offsets(%dma_start3A_14 : memref<80xi32, #tpu.memory_space<vmem>>) semaphore(%arg12 : memref<!tpu.dma_semaphore, #tpu.memory_space<semaphore_mem>>)
      %dma_wait3A = tpu.memref_slice %arg7[%mul3A_10] : memref<10000xi32, #tpu.memory_space<vmem>> -> memref<80xi32, #tpu.memory_space<vmem>>
      %dma_wait3A_18 = arith.constant 0 : i32
      %dma_wait3A_19 = arith.constant 0 : i32
      %dma_wait3A_20 = tpu.memref_slice %arg2[%dma_wait3A_18, %dma_wait3A_19] : memref<10000x128xf32, #tpu.memory_space<hbm>> -> memref<10000x128xf32, #tpu.memory_space<hbm>>
      tpu.wait_indirect_dma semaphore(%arg11 : memref<!tpu.dma_semaphore, #tpu.memory_space<semaphore_mem>>) src(%dma_wait3A_20 : memref<10000x128xf32, #tpu.memory_space<hbm>>) dst(%arg9 : memref<80x128xf32, #tpu.memory_space<vmem>>)
      %dma_wait3A_21 = tpu.memref_slice %arg8[%mul3A_10] : memref<10000xi32, #tpu.memory_space<vmem>> -> memref<80xi32, #tpu.memory_space<vmem>>
      %dma_wait3A_22 = arith.constant 0 : i32
      %dma_wait3A_23 = arith.constant 0 : i32
      %dma_wait3A_24 = tpu.memref_slice %arg2[%dma_wait3A_22, %dma_wait3A_23] : memref<10000x128xf32, #tpu.memory_space<hbm>> -> memref<10000x128xf32, #tpu.memory_space<hbm>>
      tpu.wait_indirect_dma semaphore(%arg12 : memref<!tpu.dma_semaphore, #tpu.memory_space<semaphore_mem>>) src(%dma_wait3A_24 : memref<10000x128xf32, #tpu.memory_space<hbm>>) dst(%arg10 : memref<80x128xf32, #tpu.memory_space<vmem>>)
      %add3A_25 = arith.addi %mul3A_2, %mul3A_10 : i32
      "tpu.region"() ({
        %run_scoped3A = tpu.sem_alloc : memref<!tpu.dma_semaphore, #tpu.memory_space<semaphore_mem>>
        %dma_start3A_27 = arith.constant 0 : i32
        %dma_start3A_28 = tpu.memref_slice %arg5[%add3A_25, %dma_start3A_27] : memref<320000x128xf32, #tpu.memory_space<hbm>> -> memref<80x128xf32, #tpu.memory_space<hbm>>
        %dma_start3A_29 = arith.constant 0 : i32
        %dma_start3A_30 = tpu.memref_slice %arg5[%add3A_25, %dma_start3A_29] : memref<320000x128xf32, #tpu.memory_space<hbm>> -> memref<80x128xf32, #tpu.memory_space<hbm>>
        tpu.enqueue_dma source(%arg9 : memref<80x128xf32, #tpu.memory_space<vmem>>) target(%dma_start3A_30 : memref<80x128xf32, #tpu.memory_space<hbm>>) target_semaphore(%run_scoped3A : memref<!tpu.dma_semaphore, #tpu.memory_space<semaphore_mem>>)
        %dma_wait3A_31 = arith.constant 0 : i32
        %dma_wait3A_32 = tpu.memref_slice %arg5[%add3A_25, %dma_wait3A_31] : memref<320000x128xf32, #tpu.memory_space<hbm>> -> memref<80x128xf32, #tpu.memory_space<hbm>>
        %dma_wait3A_33 = arith.constant 0 : i32
        %dma_wait3A_34 = tpu.memref_slice %arg5[%add3A_25, %dma_wait3A_33] : memref<320000x128xf32, #tpu.memory_space<hbm>> -> memref<80x128xf32, #tpu.memory_space<hbm>>
        tpu.wait_dma2 semaphore(%run_scoped3A : memref<!tpu.dma_semaphore, #tpu.memory_space<semaphore_mem>>) src(%arg9 : memref<80x128xf32, #tpu.memory_space<vmem>>) dst(%dma_wait3A_34 : memref<80x128xf32, #tpu.memory_space<hbm>>)
        tpu.yield
      }) : () -> ()
      %add3A_26 = arith.addi %mul3A_2, %mul3A_10 : i32
      "tpu.region"() ({
        %run_scoped3A = tpu.sem_alloc : memref<!tpu.dma_semaphore, #tpu.memory_space<semaphore_mem>>
        %dma_start3A_27 = arith.constant 0 : i32
        %dma_start3A_28 = tpu.memref_slice %arg6[%add3A_26, %dma_start3A_27] : memref<320000x128xf32, #tpu.memory_space<hbm>> -> memref<80x128xf32, #tpu.memory_space<hbm>>
        %dma_start3A_29 = arith.constant 0 : i32
        %dma_start3A_30 = tpu.memref_slice %arg6[%add3A_26, %dma_start3A_29] : memref<320000x128xf32, #tpu.memory_space<hbm>> -> memref<80x128xf32, #tpu.memory_space<hbm>>
        tpu.enqueue_dma source(%arg10 : memref<80x128xf32, #tpu.memory_space<vmem>>) target(%dma_start3A_30 : memref<80x128xf32, #tpu.memory_space<hbm>>) target_semaphore(%run_scoped3A : memref<!tpu.dma_semaphore, #tpu.memory_space<semaphore_mem>>)
        %dma_wait3A_31 = arith.constant 0 : i32
        %dma_wait3A_32 = tpu.memref_slice %arg6[%add3A_26, %dma_wait3A_31] : memref<320000x128xf32, #tpu.memory_space<hbm>> -> memref<80x128xf32, #tpu.memory_space<hbm>>
        %dma_wait3A_33 = arith.constant 0 : i32
        %dma_wait3A_34 = tpu.memref_slice %arg6[%add3A_26, %dma_wait3A_33] : memref<320000x128xf32, #tpu.memory_space<hbm>> -> memref<80x128xf32, #tpu.memory_space<hbm>>
        tpu.wait_dma2 semaphore(%run_scoped3A : memref<!tpu.dma_semaphore, #tpu.memory_space<semaphore_mem>>) src(%arg10 : memref<80x128xf32, #tpu.memory_space<vmem>>) dst(%dma_wait3A_34 : memref<80x128xf32, #tpu.memory_space<hbm>>)
        tpu.yield
      }) : () -> ()
    }
    %scan3A_7 = arith.constant 125 : i32
    return
  }
}

module attributes {stable_mosaic.version = 14 : i64} {
  func.func @body(%arg0: i32, %arg1: memref<2000x128xf32, #tpu.memory_space<vmem>>, %arg2: memref<2000x128xf32, #tpu.memory_space<vmem>>, %arg3: memref<64x64xf32, #tpu.memory_space<vmem>>, %arg4: memref<1x64xf32, #tpu.memory_space<vmem>>, %arg5: memref<64x64xf32, #tpu.memory_space<vmem>>, %arg6: memref<1x64xf32, #tpu.memory_space<vmem>>, %arg7: memref<2000x128xf32, #tpu.memory_space<vmem>>) attributes {dimension_semantics = [#tpu.dimension_semantics<arbitrary>], iteration_bounds = array<i64: 160>, scalar_prefetch = 0 : i64, scratch_operands = 0 : i64, tpu.core_type = #tpu.core_type<tc>, window_params = [{transform_indices = @transform_0, window_bounds = array<i64: 2000, 128>}, {transform_indices = @transform_1, window_bounds = array<i64: 2000, 128>}, {pipeline_mode = #tpu.pipeline_mode<synchronous>, transform_indices = @transform_2, window_bounds = array<i64: 64, 64>}, {pipeline_mode = #tpu.pipeline_mode<synchronous>, transform_indices = @transform_3, window_bounds = array<i64: 1, 64>}, {pipeline_mode = #tpu.pipeline_mode<synchronous>, transform_indices = @transform_4, window_bounds = array<i64: 64, 64>}, {pipeline_mode = #tpu.pipeline_mode<synchronous>, transform_indices = @transform_5, window_bounds = array<i64: 1, 64>}, {transform_indices = @transform_6, window_bounds = array<i64: 2000, 128>}]} {
    %get3A = arith.constant 0 : index
    %get3A_0 = arith.constant 0 : index
    %get3A_1 = vector.load %arg1[%get3A, %get3A_0] : memref<2000x128xf32, #tpu.memory_space<vmem>>, vector<2000x128xf32>
    %slice3A = vector.extract_strided_slice %get3A_1 {offsets = [0, 0], sizes = [2000, 64], strides = [1, 1]} : vector<2000x128xf32> to vector<2000x64xf32>
    %get3A_2 = arith.constant 0 : index
    %get3A_3 = arith.constant 0 : index
    %get3A_4 = vector.load %arg2[%get3A_2, %get3A_3] : memref<2000x128xf32, #tpu.memory_space<vmem>>, vector<2000x128xf32>
    %slice3A_5 = vector.extract_strided_slice %get3A_4 {offsets = [0, 64], sizes = [2000, 64], strides = [1, 1]} : vector<2000x128xf32> to vector<2000x64xf32>
    %add3A = arith.addf %slice3A, %slice3A_5 : vector<2000x64xf32>
    %max3A = arith.constant 0.000000e+00 : f32
    %max3A_6 = vector.broadcast %max3A : f32 to vector<2000x64xf32>
    %max3A_7 = arith.maximumf %add3A, %max3A_6 : vector<2000x64xf32>
    %get3A_8 = arith.constant 0 : index
    %get3A_9 = arith.constant 0 : index
    %get3A_10 = vector.load %arg3[%get3A_8, %get3A_9] : memref<64x64xf32, #tpu.memory_space<vmem>>, vector<64x64xf32>
    %dot_general3A = arith.constant dense<0.000000e+00> : vector<2000x64xf32>
    %dot_general3A_11 = tpu.matmul %max3A_7, %get3A_10, %dot_general3A {dimension_numbers = #tpu.dot_dimension_numbers<[1], [0], [0], [1], [0, 0, 1, 1], [], []>, transpose_lhs_hint = false} : vector<2000x64xf32>, vector<64x64xf32>, vector<2000x64xf32> -> vector<2000x64xf32>
    %get3A_12 = arith.constant 0 : index
    %get3A_13 = arith.constant 0 : index
    %get3A_14 = vector.load %arg4[%get3A_12, %get3A_13] : memref<1x64xf32, #tpu.memory_space<vmem>>, vector<1x64xf32>
    %add3A_15 = vector.broadcast %get3A_14 : vector<1x64xf32> to vector<2000x64xf32>
    %add3A_16 = arith.addf %dot_general3A_11, %add3A_15 : vector<2000x64xf32>
    %max3A_17 = arith.constant 0.000000e+00 : f32
    %max3A_18 = vector.broadcast %max3A_17 : f32 to vector<2000x64xf32>
    %max3A_19 = arith.maximumf %add3A_16, %max3A_18 : vector<2000x64xf32>
    %get3A_20 = arith.constant 0 : index
    %get3A_21 = arith.constant 0 : index
    %get3A_22 = vector.load %arg5[%get3A_20, %get3A_21] : memref<64x64xf32, #tpu.memory_space<vmem>>, vector<64x64xf32>
    %dot_general3A_23 = arith.constant dense<0.000000e+00> : vector<2000x64xf32>
    %dot_general3A_24 = tpu.matmul %max3A_19, %get3A_22, %dot_general3A_23 {dimension_numbers = #tpu.dot_dimension_numbers<[1], [0], [0], [1], [0, 0, 1, 1], [], []>, transpose_lhs_hint = false} : vector<2000x64xf32>, vector<64x64xf32>, vector<2000x64xf32> -> vector<2000x64xf32>
    %get3A_25 = arith.constant 0 : index
    %get3A_26 = arith.constant 0 : index
    %get3A_27 = vector.load %arg6[%get3A_25, %get3A_26] : memref<1x64xf32, #tpu.memory_space<vmem>>, vector<1x64xf32>
    %add3A_28 = vector.broadcast %get3A_27 : vector<1x64xf32> to vector<2000x64xf32>
    %add3A_29 = arith.addf %dot_general3A_24, %add3A_28 : vector<2000x64xf32>
    %broadcast_in_dim3A = arith.constant 0.000000e+00 : f32
    %broadcast_in_dim3A_30 = vector.broadcast %broadcast_in_dim3A : f32 to vector<2000x64xf32>
    %concatenate3A = tpu.concatenate %add3A_29, %broadcast_in_dim3A_30 in 1 : vector<2000x64xf32>, vector<2000x64xf32> -> vector<2000x128xf32>
    %swap3A = arith.constant 0 : index
    %swap3A_31 = arith.constant 0 : index
    %swap3A_32 = vector.load %arg7[%swap3A, %swap3A_31] : memref<2000x128xf32, #tpu.memory_space<vmem>>, vector<2000x128xf32>
    tpu.vector_store %arg7[%swap3A, %swap3A_31], %concatenate3A {strides = array<i32>} : memref<2000x128xf32, #tpu.memory_space<vmem>>, vector<2000x128xf32>,
    return
  }
  func.func @transform_0(%arg0: i32) -> (i32, i32) {
    %c0_i32 = arith.constant 0 : i32
    %c0_i32_0 = arith.constant 0 : i32
    return %arg0, %c0_i32 : i32, i32
  }
  func.func @transform_1(%arg0: i32) -> (i32, i32) {
    %c0_i32 = arith.constant 0 : i32
    %c0_i32_0 = arith.constant 0 : i32
    return %arg0, %c0_i32 : i32, i32
  }
  func.func @transform_2(%arg0: i32) -> (i32, i32) {
    %c0_i32 = arith.constant 0 : i32
    %c0_i32_0 = arith.constant 0 : i32
    %c0_i32_1 = arith.constant 0 : i32
    return %c0_i32, %c0_i32_0 : i32, i32
  }
  func.func @transform_3(%arg0: i32) -> (i32, i32) {
    %c0_i32 = arith.constant 0 : i32
    %c0_i32_0 = arith.constant 0 : i32
    %c0_i32_1 = arith.constant 0 : i32
    return %c0_i32, %c0_i32_0 : i32, i32
  }
  func.func @transform_4(%arg0: i32) -> (i32, i32) {
    %c0_i32 = arith.constant 0 : i32
    %c0_i32_0 = arith.constant 0 : i32
    %c0_i32_1 = arith.constant 0 : i32
    return %c0_i32, %c0_i32_0 : i32, i32
  }
  func.func @transform_5(%arg0: i32) -> (i32, i32) {
    %c0_i32 = arith.constant 0 : i32
    %c0_i32_0 = arith.constant 0 : i32
    %c0_i32_1 = arith.constant 0 : i32
    return %c0_i32, %c0_i32_0 : i32, i32
  }
  func.func @transform_6(%arg0: i32) -> (i32, i32) {
    %c0_i32 = arith.constant 0 : i32
    %c0_i32_0 = arith.constant 0 : i32
    return %arg0, %c0_i32 : i32, i32
  }
}

module attributes {stable_mosaic.version = 14 : i64} {
  func.func @body(%arg0: memref<10000x128xf32, #tpu.memory_space<vmem>>, %arg1: memref<384x64xf32, #tpu.memory_space<vmem>>, %arg2: memref<1x64xf32, #tpu.memory_space<vmem>>, %arg3: memref<10000x128xf32, #tpu.memory_space<vmem>>) attributes {dimension_semantics = [], scalar_prefetch = 0 : i64, scratch_operands = 0 : i64, tpu.core_type = #tpu.core_type<tc>} {
    %get3A = arith.constant 0 : index
    %get3A_0 = arith.constant 0 : index
    %get3A_1 = vector.load %arg1[%get3A, %get3A_0] : memref<384x64xf32, #tpu.memory_space<vmem>>, vector<384x64xf32>
    %slice3A = vector.extract_strided_slice %get3A_1 {offsets = [0, 0], sizes = [128, 64], strides = [1, 1]} : vector<384x64xf32> to vector<128x64xf32>
    %slice3A_2 = vector.extract_strided_slice %get3A_1 {offsets = [256, 0], sizes = [128, 64], strides = [1, 1]} : vector<384x64xf32> to vector<128x64xf32>
    %sub3A = arith.subf %slice3A, %slice3A_2 : vector<128x64xf32>
    %slice3A_3 = vector.extract_strided_slice %get3A_1 {offsets = [128, 0], sizes = [128, 64], strides = [1, 1]} : vector<384x64xf32> to vector<128x64xf32>
    %slice3A_4 = vector.extract_strided_slice %get3A_1 {offsets = [256, 0], sizes = [128, 64], strides = [1, 1]} : vector<384x64xf32> to vector<128x64xf32>
    %add3A = arith.addf %slice3A_3, %slice3A_4 : vector<128x64xf32>
    %get3A_5 = arith.constant 0 : index
    %get3A_6 = arith.constant 0 : index
    %get3A_7 = vector.load %arg0[%get3A_5, %get3A_6] : memref<10000x128xf32, #tpu.memory_space<vmem>>, vector<10000x128xf32>
    %dot_general3A = arith.constant dense<0.000000e+00> : vector<10000x64xf32>
    %dot_general3A_8 = tpu.matmul %get3A_7, %sub3A, %dot_general3A {dimension_numbers = #tpu.dot_dimension_numbers<[1], [0], [0], [1], [0, 0, 1, 1], [], []>, transpose_lhs_hint = false} : vector<10000x128xf32>, vector<128x64xf32>, vector<10000x64xf32> -> vector<10000x64xf32>
    %get3A_9 = arith.constant 0 : index
    %get3A_10 = arith.constant 0 : index
    %get3A_11 = vector.load %arg2[%get3A_9, %get3A_10] : memref<1x64xf32, #tpu.memory_space<vmem>>, vector<1x64xf32>
    %add3A_12 = vector.broadcast %get3A_11 : vector<1x64xf32> to vector<10000x64xf32>
    %add3A_13 = arith.addf %dot_general3A_8, %add3A_12 : vector<10000x64xf32>
    %dot_general3A_14 = arith.constant dense<0.000000e+00> : vector<10000x64xf32>
    %dot_general3A_15 = tpu.matmul %get3A_7, %add3A, %dot_general3A_14 {dimension_numbers = #tpu.dot_dimension_numbers<[1], [0], [0], [1], [0, 0, 1, 1], [], []>, transpose_lhs_hint = false} : vector<10000x128xf32>, vector<128x64xf32>, vector<10000x64xf32> -> vector<10000x64xf32>
    %concatenate3A = tpu.concatenate %add3A_13, %dot_general3A_15 in 1 : vector<10000x64xf32>, vector<10000x64xf32> -> vector<10000x128xf32>
    %swap3A = arith.constant 0 : index
    %swap3A_16 = arith.constant 0 : index
    %swap3A_17 = vector.load %arg3[%swap3A, %swap3A_16] : memref<10000x128xf32, #tpu.memory_space<vmem>>, vector<10000x128xf32>
    tpu.vector_store %arg3[%swap3A, %swap3A_16], %concatenate3A {strides = array<i32>} : memref<10000x128xf32, #tpu.memory_space<vmem>>, vector<10000x128xf32>,
    return
  }
}

module attributes {stable_mosaic.version = 14 : i64} {
  func.func @body(%arg0: memref<10000x64xf32, #tpu.memory_space<vmem>>, %arg1: memref<10000x128xf32, #tpu.memory_space<vmem>>, %arg2: memref<192x64xf32, #tpu.memory_space<vmem>>, %arg3: memref<1x64xf32, #tpu.memory_space<vmem>>, %arg4: memref<64x64xf32, #tpu.memory_space<vmem>>, %arg5: memref<1x64xf32, #tpu.memory_space<vmem>>, %arg6: memref<64x64xf32, #tpu.memory_space<vmem>>, %arg7: memref<1x64xf32, #tpu.memory_space<vmem>>, %arg8: memref<192x64xf32, #tpu.memory_space<vmem>>, %arg9: memref<1x64xf32, #tpu.memory_space<vmem>>, %arg10: memref<10000x64xf32, #tpu.memory_space<vmem>>, %arg11: memref<10000x128xf32, #tpu.memory_space<vmem>>) attributes {dimension_semantics = [], scalar_prefetch = 0 : i64, scratch_operands = 0 : i64, tpu.core_type = #tpu.core_type<tc>} {
    %get3A = arith.constant 0 : index
    %get3A_0 = arith.constant 0 : index
    %get3A_1 = vector.load %arg2[%get3A, %get3A_0] : memref<192x64xf32, #tpu.memory_space<vmem>>, vector<192x64xf32>
    %get3A_2 = arith.constant 0 : index
    %get3A_3 = arith.constant 0 : index
    %get3A_4 = vector.load %arg0[%get3A_2, %get3A_3] : memref<10000x64xf32, #tpu.memory_space<vmem>>, vector<10000x64xf32>
    %slice3A = vector.extract_strided_slice %get3A_1 {offsets = [0, 0], sizes = [64, 64], strides = [1, 1]} : vector<192x64xf32> to vector<64x64xf32>
    %dot_general3A = arith.constant dense<0.000000e+00> : vector<10000x64xf32>
    %dot_general3A_5 = tpu.matmul %get3A_4, %slice3A, %dot_general3A {dimension_numbers = #tpu.dot_dimension_numbers<[1], [0], [0], [1], [0, 0, 1, 1], [], []>, transpose_lhs_hint = false} : vector<10000x64xf32>, vector<64x64xf32>, vector<10000x64xf32> -> vector<10000x64xf32>
    %get3A_6 = arith.constant 0 : index
    %get3A_7 = arith.constant 0 : index
    %get3A_8 = vector.load %arg1[%get3A_6, %get3A_7] : memref<10000x128xf32, #tpu.memory_space<vmem>>, vector<10000x128xf32>
    %slice3A_9 = vector.extract_strided_slice %get3A_1 {offsets = [64, 0], sizes = [128, 64], strides = [1, 1]} : vector<192x64xf32> to vector<128x64xf32>
    %dot_general3A_10 = arith.constant dense<0.000000e+00> : vector<10000x64xf32>
    %dot_general3A_11 = tpu.matmul %get3A_8, %slice3A_9, %dot_general3A_10 {dimension_numbers = #tpu.dot_dimension_numbers<[1], [0], [0], [1], [0, 0, 1, 1], [], []>, transpose_lhs_hint = false} : vector<10000x128xf32>, vector<128x64xf32>, vector<10000x64xf32> -> vector<10000x64xf32>
    %add3A = arith.addf %dot_general3A_5, %dot_general3A_11 : vector<10000x64xf32>
    %get3A_12 = arith.constant 0 : index
    %get3A_13 = arith.constant 0 : index
    %get3A_14 = vector.load %arg3[%get3A_12, %get3A_13] : memref<1x64xf32, #tpu.memory_space<vmem>>, vector<1x64xf32>
    %add3A_15 = vector.broadcast %get3A_14 : vector<1x64xf32> to vector<10000x64xf32>
    %add3A_16 = arith.addf %add3A, %add3A_15 : vector<10000x64xf32>
    %max3A = arith.constant 0.000000e+00 : f32
    %max3A_17 = vector.broadcast %max3A : f32 to vector<10000x64xf32>
    %max3A_18 = arith.maximumf %add3A_16, %max3A_17 : vector<10000x64xf32>
    %get3A_19 = arith.constant 0 : index
    %get3A_20 = arith.constant 0 : index
    %get3A_21 = vector.load %arg4[%get3A_19, %get3A_20] : memref<64x64xf32, #tpu.memory_space<vmem>>, vector<64x64xf32>
    %dot_general3A_22 = arith.constant dense<0.000000e+00> : vector<10000x64xf32>
    %dot_general3A_23 = tpu.matmul %max3A_18, %get3A_21, %dot_general3A_22 {dimension_numbers = #tpu.dot_dimension_numbers<[1], [0], [0], [1], [0, 0, 1, 1], [], []>, transpose_lhs_hint = false} : vector<10000x64xf32>, vector<64x64xf32>, vector<10000x64xf32> -> vector<10000x64xf32>
    %get3A_24 = arith.constant 0 : index
    %get3A_25 = arith.constant 0 : index
    %get3A_26 = vector.load %arg5[%get3A_24, %get3A_25] : memref<1x64xf32, #tpu.memory_space<vmem>>, vector<1x64xf32>
    %add3A_27 = vector.broadcast %get3A_26 : vector<1x64xf32> to vector<10000x64xf32>
    %add3A_28 = arith.addf %dot_general3A_23, %add3A_27 : vector<10000x64xf32>
    %max3A_29 = arith.constant 0.000000e+00 : f32
    %max3A_30 = vector.broadcast %max3A_29 : f32 to vector<10000x64xf32>
    %max3A_31 = arith.maximumf %add3A_28, %max3A_30 : vector<10000x64xf32>
    %get3A_32 = arith.constant 0 : index
    %get3A_33 = arith.constant 0 : index
    %get3A_34 = vector.load %arg6[%get3A_32, %get3A_33] : memref<64x64xf32, #tpu.memory_space<vmem>>, vector<64x64xf32>
    %dot_general3A_35 = arith.constant dense<0.000000e+00> : vector<10000x64xf32>
    %dot_general3A_36 = tpu.matmul %max3A_31, %get3A_34, %dot_general3A_35 {dimension_numbers = #tpu.dot_dimension_numbers<[1], [0], [0], [1], [0, 0, 1, 1], [], []>, transpose_lhs_hint = false} : vector<10000x64xf32>, vector<64x64xf32>, vector<10000x64xf32> -> vector<10000x64xf32>
    %get3A_37 = arith.constant 0 : index
    %get3A_38 = arith.constant 0 : index
    %get3A_39 = vector.load %arg7[%get3A_37, %get3A_38] : memref<1x64xf32, #tpu.memory_space<vmem>>, vector<1x64xf32>
    %add3A_40 = vector.broadcast %get3A_39 : vector<1x64xf32> to vector<10000x64xf32>
    %add3A_41 = arith.addf %dot_general3A_36, %add3A_40 : vector<10000x64xf32>
    %max3A_42 = arith.constant 0.000000e+00 : f32
    %max3A_43 = vector.broadcast %max3A_42 : f32 to vector<10000x64xf32>
    %max3A_44 = arith.maximumf %add3A_41, %max3A_43 : vector<10000x64xf32>
    %swap3A = arith.constant 0 : index
    %swap3A_45 = arith.constant 0 : index
    %swap3A_46 = vector.load %arg10[%swap3A, %swap3A_45] : memref<10000x64xf32, #tpu.memory_space<vmem>>, vector<10000x64xf32>
    tpu.vector_store %arg10[%swap3A, %swap3A_45], %max3A_44 {strides = array<i32>} : memref<10000x64xf32, #tpu.memory_space<vmem>>, vector<10000x64xf32>,
    %get3A_47 = arith.constant 0 : index
    %get3A_48 = arith.constant 0 : index
    %get3A_49 = vector.load %arg8[%get3A_47, %get3A_48] : memref<192x64xf32, #tpu.memory_space<vmem>>, vector<192x64xf32>
    %slice3A_50 = vector.extract_strided_slice %get3A_49 {offsets = [0, 0], sizes = [64, 64], strides = [1, 1]} : vector<192x64xf32> to vector<64x64xf32>
    %slice3A_51 = vector.extract_strided_slice %get3A_49 {offsets = [128, 0], sizes = [64, 64], strides = [1, 1]} : vector<192x64xf32> to vector<64x64xf32>
    %sub3A = arith.subf %slice3A_50, %slice3A_51 : vector<64x64xf32>
    %slice3A_52 = vector.extract_strided_slice %get3A_49 {offsets = [64, 0], sizes = [64, 64], strides = [1, 1]} : vector<192x64xf32> to vector<64x64xf32>
    %slice3A_53 = vector.extract_strided_slice %get3A_49 {offsets = [128, 0], sizes = [64, 64], strides = [1, 1]} : vector<192x64xf32> to vector<64x64xf32>
    %add3A_54 = arith.addf %slice3A_52, %slice3A_53 : vector<64x64xf32>
    %dot_general3A_55 = arith.constant dense<0.000000e+00> : vector<10000x64xf32>
    %dot_general3A_56 = tpu.matmul %max3A_44, %sub3A, %dot_general3A_55 {dimension_numbers = #tpu.dot_dimension_numbers<[1], [0], [0], [1], [0, 0, 1, 1], [], []>, transpose_lhs_hint = false} : vector<10000x64xf32>, vector<64x64xf32>, vector<10000x64xf32> -> vector<10000x64xf32>
    %get3A_57 = arith.constant 0 : index
    %get3A_58 = arith.constant 0 : index
    %get3A_59 = vector.load %arg9[%get3A_57, %get3A_58] : memref<1x64xf32, #tpu.memory_space<vmem>>, vector<1x64xf32>
    %add3A_60 = vector.broadcast %get3A_59 : vector<1x64xf32> to vector<10000x64xf32>
    %add3A_61 = arith.addf %dot_general3A_56, %add3A_60 : vector<10000x64xf32>
    %dot_general3A_62 = arith.constant dense<0.000000e+00> : vector<10000x64xf32>
    %dot_general3A_63 = tpu.matmul %max3A_44, %add3A_54, %dot_general3A_62 {dimension_numbers = #tpu.dot_dimension_numbers<[1], [0], [0], [1], [0, 0, 1, 1], [], []>, transpose_lhs_hint = false} : vector<10000x64xf32>, vector<64x64xf32>, vector<10000x64xf32> -> vector<10000x64xf32>
    %concatenate3A = tpu.concatenate %add3A_61, %dot_general3A_63 in 1 : vector<10000x64xf32>, vector<10000x64xf32> -> vector<10000x128xf32>
    %swap3A_64 = arith.constant 0 : index
    %swap3A_65 = arith.constant 0 : index
    %swap3A_66 = vector.load %arg11[%swap3A_64, %swap3A_65] : memref<10000x128xf32, #tpu.memory_space<vmem>>, vector<10000x128xf32>
    tpu.vector_store %arg11[%swap3A_64, %swap3A_65], %concatenate3A {strides = array<i32>} : memref<10000x128xf32, #tpu.memory_space<vmem>>, vector<10000x128xf32>,
    return
  }
}

module attributes {stable_mosaic.version = 14 : i64} {
  func.func @body(%arg0: memref<10000x64xf32, #tpu.memory_space<vmem>>, %arg1: memref<10000x64xf32, #tpu.memory_space<vmem>>, %arg2: memref<128x64xf32, #tpu.memory_space<vmem>>, %arg3: memref<1x64xf32, #tpu.memory_space<vmem>>, %arg4: memref<64x64xf32, #tpu.memory_space<vmem>>, %arg5: memref<1x64xf32, #tpu.memory_space<vmem>>, %arg6: memref<64x64xf32, #tpu.memory_space<vmem>>, %arg7: memref<1x64xf32, #tpu.memory_space<vmem>>, %arg8: memref<64x64xf32, #tpu.memory_space<vmem>>, %arg9: memref<1x64xf32, #tpu.memory_space<vmem>>, %arg10: memref<64x64xf32, #tpu.memory_space<vmem>>, %arg11: memref<1x64xf32, #tpu.memory_space<vmem>>, %arg12: memref<64x100xf32, #tpu.memory_space<vmem>>, %arg13: memref<1x100xf32, #tpu.memory_space<vmem>>, %arg14: memref<10000x100xf32, #tpu.memory_space<vmem>>) attributes {dimension_semantics = [], scalar_prefetch = 0 : i64, scratch_operands = 0 : i64, tpu.core_type = #tpu.core_type<tc>} {
    %get3A = arith.constant 0 : index
    %get3A_0 = arith.constant 0 : index
    %get3A_1 = vector.load %arg2[%get3A, %get3A_0] : memref<128x64xf32, #tpu.memory_space<vmem>>, vector<128x64xf32>
    %get3A_2 = arith.constant 0 : index
    %get3A_3 = arith.constant 0 : index
    %get3A_4 = vector.load %arg0[%get3A_2, %get3A_3] : memref<10000x64xf32, #tpu.memory_space<vmem>>, vector<10000x64xf32>
    %slice3A = vector.extract_strided_slice %get3A_1 {offsets = [0, 0], sizes = [64, 64], strides = [1, 1]} : vector<128x64xf32> to vector<64x64xf32>
    %dot_general3A = arith.constant dense<0.000000e+00> : vector<10000x64xf32>
    %dot_general3A_5 = tpu.matmul %get3A_4, %slice3A, %dot_general3A {dimension_numbers = #tpu.dot_dimension_numbers<[1], [0], [0], [1], [0, 0, 1, 1], [], []>, transpose_lhs_hint = false} : vector<10000x64xf32>, vector<64x64xf32>, vector<10000x64xf32> -> vector<10000x64xf32>
    %get3A_6 = arith.constant 0 : index
    %get3A_7 = arith.constant 0 : index
    %get3A_8 = vector.load %arg1[%get3A_6, %get3A_7] : memref<10000x64xf32, #tpu.memory_space<vmem>>, vector<10000x64xf32>
    %slice3A_9 = vector.extract_strided_slice %get3A_1 {offsets = [64, 0], sizes = [64, 64], strides = [1, 1]} : vector<128x64xf32> to vector<64x64xf32>
    %dot_general3A_10 = arith.constant dense<0.000000e+00> : vector<10000x64xf32>
    %dot_general3A_11 = tpu.matmul %get3A_8, %slice3A_9, %dot_general3A_10 {dimension_numbers = #tpu.dot_dimension_numbers<[1], [0], [0], [1], [0, 0, 1, 1], [], []>, transpose_lhs_hint = false} : vector<10000x64xf32>, vector<64x64xf32>, vector<10000x64xf32> -> vector<10000x64xf32>
    %add3A = arith.addf %dot_general3A_5, %dot_general3A_11 : vector<10000x64xf32>
    %get3A_12 = arith.constant 0 : index
    %get3A_13 = arith.constant 0 : index
    %get3A_14 = vector.load %arg3[%get3A_12, %get3A_13] : memref<1x64xf32, #tpu.memory_space<vmem>>, vector<1x64xf32>
    %add3A_15 = vector.broadcast %get3A_14 : vector<1x64xf32> to vector<10000x64xf32>
    %add3A_16 = arith.addf %add3A, %add3A_15 : vector<10000x64xf32>
    %max3A = arith.constant 0.000000e+00 : f32
    %max3A_17 = vector.broadcast %max3A : f32 to vector<10000x64xf32>
    %max3A_18 = arith.maximumf %add3A_16, %max3A_17 : vector<10000x64xf32>
    %get3A_19 = arith.constant 0 : index
    %get3A_20 = arith.constant 0 : index
    %get3A_21 = vector.load %arg4[%get3A_19, %get3A_20] : memref<64x64xf32, #tpu.memory_space<vmem>>, vector<64x64xf32>
    %dot_general3A_22 = arith.constant dense<0.000000e+00> : vector<10000x64xf32>
    %dot_general3A_23 = tpu.matmul %max3A_18, %get3A_21, %dot_general3A_22 {dimension_numbers = #tpu.dot_dimension_numbers<[1], [0], [0], [1], [0, 0, 1, 1], [], []>, transpose_lhs_hint = false} : vector<10000x64xf32>, vector<64x64xf32>, vector<10000x64xf32> -> vector<10000x64xf32>
    %get3A_24 = arith.constant 0 : index
    %get3A_25 = arith.constant 0 : index
    %get3A_26 = vector.load %arg5[%get3A_24, %get3A_25] : memref<1x64xf32, #tpu.memory_space<vmem>>, vector<1x64xf32>
    %add3A_27 = vector.broadcast %get3A_26 : vector<1x64xf32> to vector<10000x64xf32>
    %add3A_28 = arith.addf %dot_general3A_23, %add3A_27 : vector<10000x64xf32>
    %max3A_29 = arith.constant 0.000000e+00 : f32
    %max3A_30 = vector.broadcast %max3A_29 : f32 to vector<10000x64xf32>
    %max3A_31 = arith.maximumf %add3A_28, %max3A_30 : vector<10000x64xf32>
    %get3A_32 = arith.constant 0 : index
    %get3A_33 = arith.constant 0 : index
    %get3A_34 = vector.load %arg6[%get3A_32, %get3A_33] : memref<64x64xf32, #tpu.memory_space<vmem>>, vector<64x64xf32>
    %dot_general3A_35 = arith.constant dense<0.000000e+00> : vector<10000x64xf32>
    %dot_general3A_36 = tpu.matmul %max3A_31, %get3A_34, %dot_general3A_35 {dimension_numbers = #tpu.dot_dimension_numbers<[1], [0], [0], [1], [0, 0, 1, 1], [], []>, transpose_lhs_hint = false} : vector<10000x64xf32>, vector<64x64xf32>, vector<10000x64xf32> -> vector<10000x64xf32>
    %get3A_37 = arith.constant 0 : index
    %get3A_38 = arith.constant 0 : index
    %get3A_39 = vector.load %arg7[%get3A_37, %get3A_38] : memref<1x64xf32, #tpu.memory_space<vmem>>, vector<1x64xf32>
    %add3A_40 = vector.broadcast %get3A_39 : vector<1x64xf32> to vector<10000x64xf32>
    %add3A_41 = arith.addf %dot_general3A_36, %add3A_40 : vector<10000x64xf32>
    %get3A_42 = arith.constant 0 : index
    %get3A_43 = arith.constant 0 : index
    %get3A_44 = vector.load %arg8[%get3A_42, %get3A_43] : memref<64x64xf32, #tpu.memory_space<vmem>>, vector<64x64xf32>
    %dot_general3A_45 = arith.constant dense<0.000000e+00> : vector<10000x64xf32>
    %dot_general3A_46 = tpu.matmul %add3A_41, %get3A_44, %dot_general3A_45 {dimension_numbers = #tpu.dot_dimension_numbers<[1], [0], [0], [1], [0, 0, 1, 1], [], []>, transpose_lhs_hint = false} : vector<10000x64xf32>, vector<64x64xf32>, vector<10000x64xf32> -> vector<10000x64xf32>
    %get3A_47 = arith.constant 0 : index
    %get3A_48 = arith.constant 0 : index
    %get3A_49 = vector.load %arg9[%get3A_47, %get3A_48] : memref<1x64xf32, #tpu.memory_space<vmem>>, vector<1x64xf32>
    %add3A_50 = vector.broadcast %get3A_49 : vector<1x64xf32> to vector<10000x64xf32>
    %add3A_51 = arith.addf %dot_general3A_46, %add3A_50 : vector<10000x64xf32>
    %max3A_52 = arith.constant 0.000000e+00 : f32
    %max3A_53 = vector.broadcast %max3A_52 : f32 to vector<10000x64xf32>
    %max3A_54 = arith.maximumf %add3A_51, %max3A_53 : vector<10000x64xf32>
    %get3A_55 = arith.constant 0 : index
    %get3A_56 = arith.constant 0 : index
    %get3A_57 = vector.load %arg10[%get3A_55, %get3A_56] : memref<64x64xf32, #tpu.memory_space<vmem>>, vector<64x64xf32>
    %dot_general3A_58 = arith.constant dense<0.000000e+00> : vector<10000x64xf32>
    %dot_general3A_59 = tpu.matmul %max3A_54, %get3A_57, %dot_general3A_58 {dimension_numbers = #tpu.dot_dimension_numbers<[1], [0], [0], [1], [0, 0, 1, 1], [], []>, transpose_lhs_hint = false} : vector<10000x64xf32>, vector<64x64xf32>, vector<10000x64xf32> -> vector<10000x64xf32>
    %get3A_60 = arith.constant 0 : index
    %get3A_61 = arith.constant 0 : index
    %get3A_62 = vector.load %arg11[%get3A_60, %get3A_61] : memref<1x64xf32, #tpu.memory_space<vmem>>, vector<1x64xf32>
    %add3A_63 = vector.broadcast %get3A_62 : vector<1x64xf32> to vector<10000x64xf32>
    %add3A_64 = arith.addf %dot_general3A_59, %add3A_63 : vector<10000x64xf32>
    %max3A_65 = arith.constant 0.000000e+00 : f32
    %max3A_66 = vector.broadcast %max3A_65 : f32 to vector<10000x64xf32>
    %max3A_67 = arith.maximumf %add3A_64, %max3A_66 : vector<10000x64xf32>
    %get3A_68 = arith.constant 0 : index
    %get3A_69 = arith.constant 0 : index
    %get3A_70 = vector.load %arg12[%get3A_68, %get3A_69] : memref<64x100xf32, #tpu.memory_space<vmem>>, vector<64x100xf32>
    %dot_general3A_71 = arith.constant dense<0.000000e+00> : vector<10000x100xf32>
    %dot_general3A_72 = tpu.matmul %max3A_67, %get3A_70, %dot_general3A_71 {dimension_numbers = #tpu.dot_dimension_numbers<[1], [0], [0], [1], [0, 0, 1, 1], [], []>, transpose_lhs_hint = false} : vector<10000x64xf32>, vector<64x100xf32>, vector<10000x100xf32> -> vector<10000x100xf32>
    %get3A_73 = arith.constant 0 : index
    %get3A_74 = arith.constant 0 : index
    %get3A_75 = vector.load %arg13[%get3A_73, %get3A_74] : memref<1x100xf32, #tpu.memory_space<vmem>>, vector<1x100xf32>
    %add3A_76 = vector.broadcast %get3A_75 : vector<1x100xf32> to vector<10000x100xf32>
    %add3A_77 = arith.addf %dot_general3A_72, %add3A_76 : vector<10000x100xf32>
    %swap3A = arith.constant 0 : index
    %swap3A_78 = arith.constant 0 : index
    %swap3A_79 = vector.load %arg14[%swap3A, %swap3A_78] : memref<10000x100xf32, #tpu.memory_space<vmem>>, vector<10000x100xf32>
    tpu.vector_store %arg14[%swap3A, %swap3A_78], %add3A_77 {strides = array<i32>} : memref<10000x100xf32, #tpu.memory_space<vmem>>, vector<10000x100xf32>,
    return
  }
}

</mosaic_0001>

<sc_bundles>
// kernel: kernel.11.cloned.1.call-start
scs
__scs_entry_jumppad:
0x0: {  	(pc) =	sbr.rel $0x88, $3  }
0x1: {  	(tag) =	ssettag $0x0;
	lr =	simm.s32 $0x1  }
0x2: {  	[smem:$0x3F81] =	sst lr;
	_ =	strace $0xD0000000  }
0x3: {  	_ = 	snop  }
0x4: {  	_ = 	snop  }
0x5: {  	_ = 	snop  }
0x6: {  	_ = 	snop  }
0x7: {  	_ = 	snop  }
__scs_overlays_trampoline_lowered:
0x8: {  	[smem:$0x3F90] =	sst s0  }
0x9: {  	[smem:$0x3F91] =	sst s1  }
0xa: {  	[smem:$0x3F92] =	sst s2  }
0xb: {  	[smem:$0x3F93] =	sst s3  }
0xc: {  	[smem:$0x3F94] =	sst s4  }
0xd: {  	[smem:$0x3F95] =	sst s5  }
0xe: {  	[smem:$0x3F96] =	sst s6  }
0xf: {  	[smem:$0x3F97] =	sst s7  }
0x10: {  	[smem:$0x3F98] =	sst s8  }
0x11: {  	[smem:$0x3F99] =	sst s9;
	s0 =	simm.s32 @!p0 $0x0  }
0x12: {  	s1 =	sld [smem:$0x3F7F];
	s0 =	simm.s32 @p0 $0x1  }
0x13: {  	[smem:$0x3F9A] =	sst s0;
	s0 =	simm.s32 @!p1 $0x0  }
0x14: {  	s2 =	sld [smem:$0x3F7E];
	s0 =	simm.s32 @p1 $0x1  }
0x15: {  	[smem:$0x3F9B] =	sst s0;
	s0 =	simm.s32 @!p2 $0x0  }
0x16: {  	s3 =	sld [smem:$0x3FDB];
	s0 =	simm.s32 @p2 $0x1  }
0x17: {  	s4 =	simm.s32 $0x1BF5;
	[smem:$0x3F9D] =	sst s0  }
0x18: {  	s0 =	sld [smem:$0x3F80];
	_ =	swait.ge [sflag:s4], $0x0  }
0x19: {  	s7 =	sld [smem:$0x3F81]  }
0x1a: {  	s8 =	sadd.s32 $0xFFFFE003, lr  }
0x1b: {  	s9 =	sadd.s32 $0xFFFFFEF7, lr;
	s5 =	simm.s32 $0xFFFFFFFF;
	p2 =	slt.u32 s8, $0xFFFFF086  }
0x1c: {  	p1 =	slt.u32 s9, $0xF7A;
	s5 =	simm.s32 @!p2 $0x0  }
0x1d: {  	s5 =	simm.s32 @p1 $0x1;
	p0 =	seq.s32 s7, s2  }
0x1e: {  	s7 =	smul.u32 @!p0 $0xF7A, s2;
	p2 =	seq.s32 @!p0 s5, $0x0  }
0x1f: {  	s9 =	smul.u32 $0xF7A, s1;
	s8 =	simm.s32 @!p0 $0x1BF5;
	p2 =	por !p2, p0  }
0x20: {  	[sflag:s8] =	ssyncset.s32 @!p0 $0xFFFFF086;
	s6 =	sadd.s32 @!p0 s3, s7;
	s7 =	simm.s32 @!p0 $0x108  }
0x21: {  	s3 =	sadd.s32 s3, s9;
	s6 =	sadd.s32 @!p0 $0x88, s6;
	s7 =	simm.s32 @p2 $0x1082  }
0x22: {  	[simem:s7], [sflag:s8] =	dma.local @!p0 [hbm:s6], $0xF7A  }
0x23: {  	s9 =	sor.u32 $0xD0000000, s2;
	s6 =	simm.s32 $0x108;
	_ =	swait.ge @!p0 [sflag:s8], $0x0  }
0x24: {  	s3 =	sadd.s32 $0x88, s3;
	s6 =	simm.s32 @!p1 $0x1082;
	[sflag:s4] =	ssyncset.s32 $0xFFFFF086  }
0x25: {  	[simem:s6], [sflag:s4] =	dma.local [hbm:s3], $0xF7A  }
0x26: {  	[smem:$0x3F81] =	sst s1;
	(tag) =	ssettag s2;
	_ =	strace s9  }
0x27: {  	s1 =	sld [smem:$0x3F91]  }
0x28: {  	s2 =	sld [smem:$0x3F92]  }
0x29: {  	s4 =	sld [smem:$0x3F94]  }
0x2a: {  	p0 =	seq.s32 s5, $0x0;
	s5 =	sld [smem:$0x3F95]  }
0x2b: {  	s6 =	sld [smem:$0x3F96]  }
0x2c: {  	s7 =	sld [smem:$0x3F97]  }
0x2d: {  	s3 =	simm.s32 $0x108;
	s8 =	sld [smem:$0x3F98]  }
0x2e: {  	s3 =	simm.s32 @!p0 $0x1082;
	s9 =	sld [smem:$0x3F99]  }
0x2f: {  	lr =	sadd.s32 s0, s3;
	s0 =	sld [smem:$0x3F90]  }
0x30: {  	s3 =	sld [smem:$0x3F93]  }
0x31: {  	[smem:$0x3F9C] =	sst s10  }
0x32: {  	s10 =	sld [smem:$0x3F9A];
	_ =	sdelay $0x3  }
0x33: {  	p0 =	seq.s32 s10, $0x1;
	s10 =	sld [smem:$0x3F9C];
	_ =	sdelay $0x3  }
0x34: {  	[smem:$0x3F9C] =	sst s10  }
0x35: {  	s10 =	sld [smem:$0x3F9B];
	_ =	sdelay $0x3  }
0x36: {  	p1 =	seq.s32 s10, $0x1;
	s10 =	sld [smem:$0x3F9C];
	_ =	sdelay $0x3  }
0x37: {  	[smem:$0x3F9C] =	sst s10  }
0x38: {  	s10 =	sld [smem:$0x3F9D]  }
0x39: {  	_ = 	snop;
	(pc) =	sbr.ind lr, $3  }
0x3a: {  	_ = 	snop  }
0x3b: {  	_ = 	snop  }
0x3c: {  	p2 =	seq.s32 s10, $0x1;
	s10 =	sld [smem:$0x3F9C]  }
0x3d: {  	_ =	shalt  }
0x3e: {  	_ =	shalt  }
0x3f: {  	_ =	shalt  }
0x40: {  	_ =	shalt  }
0x41: {  	_ =	shalt  }
0x42: {  	_ =	shalt  }
0x43: {  	_ =	shalt  }
0x44: {  	_ =	shalt  }
0x45: {  	_ =	shalt  }
0x46: {  	_ =	shalt  }
0x47: {  	_ =	shalt  }
0x48: {  	_ =	shalt  }
0x49: {  	_ =	shalt  }
0x4a: {  	_ =	shalt  }
0x4b: {  	_ =	shalt  }
0x4c: {  	_ =	shalt  }
0x4d: {  	_ =	shalt  }
0x4e: {  	_ =	shalt  }
0x4f: {  	_ =	shalt  }
0x50: {  	_ =	shalt  }
0x51: {  	_ =	shalt  }
0x52: {  	_ =	shalt  }
0x53: {  	_ =	shalt  }
0x54: {  	_ =	shalt  }
0x55: {  	_ =	shalt  }
0x56: {  	_ =	shalt  }
0x57: {  	_ =	shalt  }
0x58: {  	_ =	shalt  }
0x59: {  	_ =	shalt  }
0x5a: {  	_ =	shalt  }
0x5b: {  	_ =	shalt  }
0x5c: {  	_ =	shalt  }
0x5d: {  	_ =	shalt  }
0x5e: {  	_ =	shalt  }
0x5f: {  	_ =	shalt  }
0x60: {  	_ =	shalt  }
0x61: {  	_ =	shalt  }
0x62: {  	_ =	shalt  }
0x63: {  	_ =	shalt  }
0x64: {  	_ =	shalt  }
0x65: {  	_ =	shalt  }
0x66: {  	_ =	shalt  }
0x67: {  	_ =	shalt  }
0x68: {  	_ =	shalt  }
0x69: {  	_ =	shalt  }
0x6a: {  	_ =	shalt  }
0x6b: {  	_ =	shalt  }
0x6c: {  	_ =	shalt  }
0x6d: {  	_ =	shalt  }
0x6e: {  	_ =	shalt  }
0x6f: {  	_ =	shalt  }
0x70: {  	_ =	shalt  }
0x71: {  	_ =	shalt  }
0x72: {  	_ =	shalt  }
0x73: {  	_ =	shalt  }
0x74: {  	_ =	shalt  }
0x75: {  	_ =	shalt  }
0x76: {  	_ =	shalt  }
0x77: {  	_ =	shalt  }
0x78: {  	_ =	shalt  }
0x79: {  	_ =	shalt  }
0x7a: {  	_ =	shalt  }
0x7b: {  	_ =	shalt  }
0x7c: {  	_ =	shalt  }
0x7d: {  	_ =	shalt  }
0x7e: {  	_ =	shalt  }
0x7f: {  	_ =	shalt  }
0x80: {  	_ =	shalt  }
0x81: {  	_ =	shalt  }
0x82: {  	_ =	shalt  }
0x83: {  	_ =	shalt  }
0x84: {  	_ =	shalt  }
0x85: {  	_ =	shalt  }
0x86: {  	_ =	shalt  }
0x87: {  	_ =	shalt  }
.Lfunc_end0:
.L_simem_size_0:
called_computation_lowered:
.L_overlay_start_0:
0x88: {  	s2 =	sld [smem:$0x3FD9]  }
0x89: {  	s3 =	sld [smem:$0x3FFE];
	_ =	sdelay $0x1  }
0x8a: {  	s1 =	srdreg.scid  }
0x8b: {  	s0 =	sand.u32 $0x1, s1  }
0x8c: {  	s17 =	sshll.u32 s0, $0xA;
	s2 =	sadd.s32 s3, s2  }
0x8d: {  	s2 =	sadd.s32 s2, s17  }
0x8e: {  	[smem:$0x3FA8] =	sst s2  }
0x8f: {  	_ = 	snop  }
0x90: {  	s2 =	sld [smem:$0x3FD0];
	(tm) =	ssettm $0x1  }
0x91: {  	s18 =	sld [smem:$0x3FFB];
	_ =	sdelay $0x3  }
0x92: {  	_ =	strace s18  }
0x93: {  	s3 =	sld [smem:$0x3FFC];
	_ =	sdelay $0x3  }
0x94: {  	_ =	strace s3  }
0x95: {  	s3 =	sld [smem:$0x3FFD];
	_ =	sdelay $0x3  }
0x96: {  	_ =	strace s3  }
0x97: {  	_ =	strace $0x8FFFFFFF  }
0x98: {  	s19 =	sld [smem:$0x3FDB];
	_ =	sdelay $0x1  }
0x99: {  	s4 =	simm.s32 $_scs_section_size  }
0x9a: {  	s5 =	simm.s32 $_size__tile_overlayer_lowered;
	s6 =	simm.s32 $_tile_overlayer_lowered  }
0x9b: {  	s22 =	simm.s32 $0x1BFF;
	s21 =	sshll.u32 s6, $0x1;
	s3 =	sadd.s32 s4, s19  }
0x9c: {  	s7 =	simm.s32 $0x0;
	s20 =	sshll.u32 s5, $0x1;
	s5 =	sadd.s32 s21, s3  }
0x9d: {  	[timem:s7], [sflag:s22] =	dma.local [hbm:s5], s20  }
0x9e: {  	_ =	swait.ge [sflag:s22], s20  }
0x9f: {  	s4 =	ssub.s32 $0x0, s20;
	[sflag:s22] =	ssyncset.done $0x0  }
0xa0: {  	[sflag:s22] =	ssyncadd.s32 s4;
	_ =	sdelay $0x1  }
0xa1: {  	s23 =	simm.s32 $0x1B8B  }
0xa2: {  	_ =	swait.ge [sflag:s23], $0x1  }
0xa3: {  	[sflag:s23] =	ssyncset.done $0x0  }
0xa4: {  	s25 =	simm.s32 $0x1B8E;
	s24 =	sld [smem:$0x3FFE];
	[sflag:s23] =	ssyncadd.s32 $0xFFFFFFFF  }
0xa5: {  	s26 =	simm.s32 $execute0_lowered;
	[smem:$0x3FD2] =	sst s25  }
0xa6: {  	s5 =	sshll.u32 s26, $0x1;
	_ =	strace $0x80000046;
	[dreg:$0x1] =	wrdreg $0xFFFFFFFF  }
0xa7: {  	s28 =	simm.s32 $_size_execute0_lowered;
	s3 =	sadd.s32 s3, s5;
	[dreg:$0x0] =	wrdreg $0x0  }
0xa8: {  	s5 =	sshll.u32 s28, $0x1;
	[dreg:$0x2] =	wrdreg s3  }
0xa9: {  	[dreg:$0x3] =	wrdreg s5  }
0xaa: {  	[dreg:$0x4] =	wrdreg $0xC0  }
0xab: {  	_ =	task [dreg:s7], $0x5FFFF  }
0xac: {  	[dreg:$0x1] =	wrdreg $0xFFFFFFFF  }
0xad: {  	[dreg:$0x0] =	wrdreg $0x60  }
0xae: {  	[dreg:$0x2] =	wrdreg s2  }
0xaf: {  	[dreg:$0x3] =	wrdreg s24  }
0xb0: {  	[dreg:$0x4] =	wrdreg $0x9  }
0xb1: {  	_ =	task.clear_ibuf [dreg:s7], $0x5FFFF;
	_ =	strace $0x90000046  }
0xb2: {  	s29 =	simm.s32 $0x9;
	_ =	strace $0x80000048  }
0xb3: {  	_ =	swait.ge [sflag:s29], $0x1  }
0xb4: {  	[sflag:s29] =	ssyncadd.s32 $0xFFFFFFFF  }
0xb5: {  	_ =	strace $0x90000048  }
0xb6: {  	_ =	sfence  }
0xb7: {  	s30 =	sld [smem:$0x0];
	_ =	sdelay $0x2  }
0xb8: {  	s31 =	sshll.u32 s1, $0xD;
	s1 =	sshrl.u32 s1, $0x2  }
0xb9: {  	s3 =	sand.u32 $0x4000, s31;
	s1 =	sadd.s32 s1, s30  }
0xba: {  	s0 =	sor.u32 s3, s0;
	s1 =	sshll.u32 s1, $0x11  }
0xbb: {  	s0 =	sor.u32 s1, s0  }
0xbc: {  	s0 =	sadd.s32 $0x8F2B, s0  }
0xbd: {  	[sflag:s0] =	ssyncadd.remote.s32 $0x1  }
0xbe: {  	_ =	sfence.sel $0xFFFF  }
0xbf: {  	[dreg:$0x0] =	wrdreg $0xFFFFFFFF;
	(pc) =	sbr.abs _section_cstart, $3  }
0xc0: {  	[dreg:$0x1] =	wrdreg $0xFFFFFFFF  }
0xc1: {  	_ =	task.clear_ibuf [dreg:s7], $0x2FFFF;
	_ =	strace $0x9FFFFFFF  }
0xc2: {  	(tm) =	ssettm $0x7FFFFFFF  }
0xc3: {  	_ =	shalt  }
tec
execute0_lowered:
.L_overlay_start_1:
0x0: {  	(tag) =	ssettag $0x1  }
0x1: {  	s2 =	rddreg [dreg:$0x0];
	s1 =	srdreg.scid  }
0x2: {  	s0 =	stileid.u32;
	s4 =	rddreg [dreg:$0x1]  }
0x3: {  	s3 =	simm.s32 $0x0;
	s10 =	simm.s32 $0x2780;
	s11 =	simm.s32 $0x50  }
0x4: {  	s12 =	simm.s32 $0x4F00;
	s13 =	simm.s32 $0x7700;
	s14 =	simm.s32 $0x1  }
0x5: {  	s15 =	simm.s32 $0x2;
	s5 =	sand.u32 $0x1, s1;
	s6 =	sshll.u32 s0, $0x1  }
0x6: {  	s1 =	rddreg [dreg:$0x2];
	s7 =	smul.u32 $0x4E200, s0;
	s6 =	sor.u32 s5, s6  }
0x7: {  	s16 =	simm.s32 $0x0;
	[smem:$0x7FF] =	sst s3;
	s6 =	smul.u32 $0x2710, s6  }
0x8: {  	_ =	strace $0x80000047;
	s8 =	ssub.s32 $0x2, s5;
	s5 =	smul.u32 $0x27100, s5  }
0x9: {  	s7 =	sadd.s32 s7, s4;
	s31 =	sshrl.u32 s8, $0x1;
	s6 =	sshrl.u32 s6, $0x3  }
0xa: {  	s8 =	ssub.s32 s8, s31;
	s9 =	sadd.s32 s5, s7;
	s6 =	sadd.s32 s6, s4  }
0xb: {  	s7 =	sadd.s32 $0x1A200, s9;
	s4 =	sadd.s32 $0x10400, s6;
	s5 =	sadd.s32 $0x6600, s6  }
0xc: {  	s6 =	smax.u32 s8, $0x1;
	s8 =	sadd.s32 $0x4FC200, s9;
	s9 =	simm.s32 $0x3  }
.LBB2_1:
0xd: {  	[tilespmem:s3], [sflag:$0x3] =	stream.linear.gather [hbm4b:s4+s3], $0x2710, $0x38;
	[tilespmem:$0x9F00] =	vst v63  }
0xe: {  	_ =	swait.ge [sflag:s9], $0x2710  }
0xf: {  	[sflag:s9] =	ssyncset.done $0x0  }
0x10: {  	[sflag:s9] =	ssyncadd.s32 $0xFFFFD8F0  }
0x11: {  	[tilespmem:s10], [sflag:$0x3] =	stream.linear.gather [hbm4b:s5+s3], $0x2710, $0x38;
	[tilespmem:$0x9F00] =	vst v63  }
0x12: {  	_ =	swait.ge [sflag:s9], $0x2710  }
0x13: {  	[sflag:s9] =	ssyncset.done $0x0  }
0x14: {  	s17 =	simm.s32 $0x0;
	[sflag:s9] =	ssyncadd.s32 $0xFFFFD8F0  }
0x15: {  	[tilespmem:s12], [sflag:$0x1] =	stream.indirect.gather [hbm4b:s2+s11], $0x80, s17, s11, $0xb8;
	[tilespmem:$0x9F00] =	vst v63  }
0x16: {  	s31 =	simm.s32 $0x2780  }
0x17: {  	[tilespmem:s13], [sflag:$0x2] =	stream.indirect.gather [hbm4b:s2+s11], $0x80, s31, s11, $0xb8;
	[tilespmem:$0x9F00] =	vst v63  }
0x18: {  	_ =	swait.ge [sflag:s14], $0x2800  }
0x19: {  	[sflag:s14] =	ssyncset.done $0x0  }
0x1a: {  	[sflag:s14] =	ssyncadd.s32 $0xFFFFD800  }
0x1b: {  	_ =	swait.ge [sflag:s15], $0x2800  }
0x1c: {  	[sflag:s15] =	ssyncset.done $0x0  }
0x1d: {  	[sflag:s15] =	ssyncadd.s32 $0xFFFFD800  }
0x1e: {  	[hbm4b:s7+s3] =	stream.linear.scatter [tilespmem:s12], [sflag:$0x3], $0x2800, $0x38;
	[tilespmem:$0x9F00] =	vst v63  }
0x1f: {  	_ =	swait.ge [sflag:s9], $0x2800  }
0x20: {  	[sflag:s9] =	ssyncset.done $0x0  }
0x21: {  	[sflag:s9] =	ssyncadd.s32 $0xFFFFD800  }
0x22: {  	[hbm4b:s8+s3] =	stream.linear.scatter [tilespmem:s13], [sflag:$0x3], $0x2800, $0x38;
	[tilespmem:$0x9F00] =	vst v63  }
0x23: {  	s19 =	simm.s32 $0x140;
	s20 =	simm.s32 $0x280;
	_ =	swait.ge [sflag:s9], $0x2800  }
0x24: {  	s18 =	sadd.s32 $0x500, s7;
	s17 =	sadd.s32 $0x500, s8;
	[sflag:s9] =	ssyncset.done $0x0  }
.LBB2_2:
0x25: {  	s21 =	sshra.s32 s19, $0x2  }
0x26: {  	[sflag:s9] =	ssyncadd.s32 $0xFFFFD800;
	s19 =	smov.u32 s20;
	s22 =	sadd.s32 $0x140, s20  }
0x27: {  	[tilespmem:s12], [sflag:$0x1] =	stream.indirect.gather [hbm4b:s2+s11], $0x80, s21, s11, $0xb8;
	[tilespmem:$0x9F00] =	vst v63  }
0x28: {  	p0 =	sne.s32 s20, $0x9B00;
	s20 =	sadd.s32 $0x2780, s21  }
0x29: {  	[tilespmem:s13], [sflag:$0x2] =	stream.indirect.gather [hbm4b:s2+s11], $0x80, s20, s11, $0xb8;
	[tilespmem:$0x9F00] =	vst v63  }
0x2a: {  	_ =	swait.ge [sflag:s14], $0x2800  }
0x2b: {  	[sflag:s14] =	ssyncset.done $0x0  }
0x2c: {  	[sflag:s14] =	ssyncadd.s32 $0xFFFFD800  }
0x2d: {  	_ =	swait.ge [sflag:s15], $0x2800  }
0x2e: {  	[sflag:s15] =	ssyncset.done $0x0  }
0x2f: {  	[sflag:s15] =	ssyncadd.s32 $0xFFFFD800  }
0x30: {  	[hbm4b:s18+s3] =	stream.linear.scatter [tilespmem:s12], [sflag:$0x3], $0x2800, $0x38;
	[tilespmem:$0x9F00] =	vst v63  }
0x31: {  	_ =	swait.ge [sflag:s9], $0x2800  }
.Ltmp0:
0x32: {  	[sflag:s9] =	ssyncset.done $0x0;
	(pc) =	sbr.rel @p0 .LBB2_2-.Ltmp0, $4  }
0x33: {  	[sflag:s9] =	ssyncadd.s32 $0xFFFFD800  }
0x34: {  	[hbm4b:s17+s3] =	stream.linear.scatter [tilespmem:s13], [sflag:$0x3], $0x2800, $0x38;
	[tilespmem:$0x9F00] =	vst v63  }
0x35: {  	s20 =	smov.u32 s22;
	_ =	swait.ge [sflag:s9], $0x2800  }
0x36: {  	s18 =	sadd.s32 $0x500, s18;
	s17 =	sadd.s32 $0x500, s17;
	[sflag:s9] =	ssyncset.done $0x0  }
0x37: {  	s19 =	sshra.s32 s19, $0x2;
	[sflag:s9] =	ssyncadd.s32 $0xFFFFD800  }
0x38: {  	[tilespmem:s12], [sflag:$0x1] =	stream.indirect.gather [hbm4b:s2+s11], $0x80, s19, s11, $0xb8;
	[tilespmem:$0x9F00] =	vst v63  }
0x39: {  	s19 =	sadd.s32 $0x2780, s19  }
0x3a: {  	[tilespmem:s13], [sflag:$0x2] =	stream.indirect.gather [hbm4b:s2+s11], $0x80, s19, s11, $0xb8;
	[tilespmem:$0x9F00] =	vst v63  }
0x3b: {  	_ =	swait.ge [sflag:s14], $0x2800  }
0x3c: {  	[sflag:s14] =	ssyncset.done $0x0  }
0x3d: {  	[sflag:s14] =	ssyncadd.s32 $0xFFFFD800  }
0x3e: {  	_ =	swait.ge [sflag:s15], $0x2800  }
0x3f: {  	[sflag:s15] =	ssyncset.done $0x0  }
0x40: {  	[sflag:s15] =	ssyncadd.s32 $0xFFFFD800  }
0x41: {  	[hbm4b:s18+s3] =	stream.linear.scatter [tilespmem:s12], [sflag:$0x3], $0x2800, $0x38;
	[tilespmem:$0x9F00] =	vst v63  }
0x42: {  	s16 =	sadd.s32 $0x1, s16;
	_ =	swait.ge [sflag:s9], $0x2800  }
0x43: {  	p0 =	sne.s32 s16, s6;
	[sflag:s9] =	ssyncset.done $0x0  }
.Ltmp1:
0x44: {  	[sflag:s9] =	ssyncadd.s32 $0xFFFFD800;
	(pc) =	sbr.rel @p0 .LBB2_1-.Ltmp1, $4  }
0x45: {  	[hbm4b:s17+s3] =	stream.linear.scatter [tilespmem:s13], [sflag:$0x3], $0x2800, $0x38;
	[tilespmem:$0x9F00] =	vst v63  }
0x46: {  	_ =	swait.ge [sflag:s9], $0x2800  }
0x47: {  	[sflag:s9] =	ssyncset.done $0x0  }
0x48: {  	[sflag:s9] =	ssyncadd.s32 $0xFFFFD800  }
0x49: {  	_ =	sfence.sel $0x180000  }
0x4a: {  	[bflag:$0x0] =	sbarrier.arrive $0xFFFF  }
0x4b: {  	p0 =	sne.s32 s0, $0x0;
	_ =	strace $0x90000047  }
0x4c: {  	s0 =	sadd.s32 @!p0 $0x100000, s1;
	[bflag:$0x2] =	sbarrier.arrive $0xFFFF  }
0x4d: {  	[sflag:s0] =	ssyncadd.tile.s32 @!p0 $0x1;
	_ =	shalt  }
.Lfunc_end2:
_tile_overlayer_lowered:
.L_overlay_start_2:
0x4e: {  	(tag) =	ssettag $0x2  }
0x4f: {  	s0 =	rddreg [dreg:$0x0];
	s2 =	stileid.u32  }
0x50: {  	s1 =	rddreg [dreg:$0x1];
	p0 =	sne.s32 s2, $0x0  }
0x51: {  	s3 =	rddreg [dreg:$0x2];
	[bflag:$0x3] =	sbarrier.arrive $0xFFFF;
	s2 =	simm.s32 @!p0 $0x1C03  }
0x52: {  	[timem:s3], [sflag:s2] =	dma.local @!p0 [hbm:s0], s1  }
0x53: {  	s0 =	simm.s32 @!p0 $0x3  }
0x54: {  	_ =	swait.ge @!p0 [sflag:s0], s1  }
0x55: {  	s1 =	ssub.s32 @!p0 $0x0, s1;
	[sflag:s0] =	ssyncset.done @!p0 $0x0  }
0x56: {  	[sflag:s0] =	ssyncadd.s32 @!p0 s1  }
0x57: {  	[bflag:$0x3] =	sbarrier.arrive $0xFFFF  }
0x58: {  	_ =	shalt  }

// kernel: kernel.14.cloned.1.call-start
scs
__scs_entry_jumppad:
0x0: {  	(pc) =	sbr.rel $0x88, $3  }
0x1: {  	(tag) =	ssettag $0x0;
	lr =	simm.s32 $0x1  }
0x2: {  	[smem:$0x3F81] =	sst lr;
	_ =	strace $0xD0000000  }
0x3: {  	_ = 	snop  }
0x4: {  	_ = 	snop  }
0x5: {  	_ = 	snop  }
0x6: {  	_ = 	snop  }
0x7: {  	_ = 	snop  }
__scs_overlays_trampoline_lowered:
0x8: {  	[smem:$0x3F90] =	sst s0  }
0x9: {  	[smem:$0x3F91] =	sst s1  }
0xa: {  	[smem:$0x3F92] =	sst s2  }
0xb: {  	[smem:$0x3F93] =	sst s3  }
0xc: {  	[smem:$0x3F94] =	sst s4  }
0xd: {  	[smem:$0x3F95] =	sst s5  }
0xe: {  	[smem:$0x3F96] =	sst s6  }
0xf: {  	[smem:$0x3F97] =	sst s7  }
0x10: {  	[smem:$0x3F98] =	sst s8  }
0x11: {  	[smem:$0x3F99] =	sst s9;
	s0 =	simm.s32 @!p0 $0x0  }
0x12: {  	s1 =	sld [smem:$0x3F7F];
	s0 =	simm.s32 @p0 $0x1  }
0x13: {  	[smem:$0x3F9A] =	sst s0;
	s0 =	simm.s32 @!p1 $0x0  }
0x14: {  	s2 =	sld [smem:$0x3F7E];
	s0 =	simm.s32 @p1 $0x1  }
0x15: {  	[smem:$0x3F9B] =	sst s0;
	s0 =	simm.s32 @!p2 $0x0  }
0x16: {  	s3 =	sld [smem:$0x3FDB];
	s0 =	simm.s32 @p2 $0x1  }
0x17: {  	s4 =	simm.s32 $0x1BF5;
	[smem:$0x3F9D] =	sst s0  }
0x18: {  	s0 =	sld [smem:$0x3F80];
	_ =	swait.ge [sflag:s4], $0x0  }
0x19: {  	s7 =	sld [smem:$0x3F81]  }
0x1a: {  	s8 =	sadd.s32 $0xFFFFE003, lr  }
0x1b: {  	s9 =	sadd.s32 $0xFFFFFEF7, lr;
	s5 =	simm.s32 $0xFFFFFFFF;
	p2 =	slt.u32 s8, $0xFFFFF086  }
0x1c: {  	p1 =	slt.u32 s9, $0xF7A;
	s5 =	simm.s32 @!p2 $0x0  }
0x1d: {  	s5 =	simm.s32 @p1 $0x1;
	p0 =	seq.s32 s7, s2  }
0x1e: {  	s7 =	smul.u32 @!p0 $0xF7A, s2;
	p2 =	seq.s32 @!p0 s5, $0x0  }
0x1f: {  	s9 =	smul.u32 $0xF7A, s1;
	s8 =	simm.s32 @!p0 $0x1BF5;
	p2 =	por !p2, p0  }
0x20: {  	[sflag:s8] =	ssyncset.s32 @!p0 $0xFFFFF086;
	s6 =	sadd.s32 @!p0 s3, s7;
	s7 =	simm.s32 @!p0 $0x108  }
0x21: {  	s3 =	sadd.s32 s3, s9;
	s6 =	sadd.s32 @!p0 $0x88, s6;
	s7 =	simm.s32 @p2 $0x1082  }
0x22: {  	[simem:s7], [sflag:s8] =	dma.local @!p0 [hbm:s6], $0xF7A  }
0x23: {  	s9 =	sor.u32 $0xD0000000, s2;
	s6 =	simm.s32 $0x108;
	_ =	swait.ge @!p0 [sflag:s8], $0x0  }
0x24: {  	s3 =	sadd.s32 $0x88, s3;
	s6 =	simm.s32 @!p1 $0x1082;
	[sflag:s4] =	ssyncset.s32 $0xFFFFF086  }
0x25: {  	[simem:s6], [sflag:s4] =	dma.local [hbm:s3], $0xF7A  }
0x26: {  	[smem:$0x3F81] =	sst s1;
	(tag) =	ssettag s2;
	_ =	strace s9  }
0x27: {  	s1 =	sld [smem:$0x3F91]  }
0x28: {  	s2 =	sld [smem:$0x3F92]  }
0x29: {  	s4 =	sld [smem:$0x3F94]  }
0x2a: {  	p0 =	seq.s32 s5, $0x0;
	s5 =	sld [smem:$0x3F95]  }
0x2b: {  	s6 =	sld [smem:$0x3F96]  }
0x2c: {  	s7 =	sld [smem:$0x3F97]  }
0x2d: {  	s3 =	simm.s32 $0x108;
	s8 =	sld [smem:$0x3F98]  }
0x2e: {  	s3 =	simm.s32 @!p0 $0x1082;
	s9 =	sld [smem:$0x3F99]  }
0x2f: {  	lr =	sadd.s32 s0, s3;
	s0 =	sld [smem:$0x3F90]  }
0x30: {  	s3 =	sld [smem:$0x3F93]  }
0x31: {  	[smem:$0x3F9C] =	sst s10  }
0x32: {  	s10 =	sld [smem:$0x3F9A];
	_ =	sdelay $0x3  }
0x33: {  	p0 =	seq.s32 s10, $0x1;
	s10 =	sld [smem:$0x3F9C];
	_ =	sdelay $0x3  }
0x34: {  	[smem:$0x3F9C] =	sst s10  }
0x35: {  	s10 =	sld [smem:$0x3F9B];
	_ =	sdelay $0x3  }
0x36: {  	p1 =	seq.s32 s10, $0x1;
	s10 =	sld [smem:$0x3F9C];
	_ =	sdelay $0x3  }
0x37: {  	[smem:$0x3F9C] =	sst s10  }
0x38: {  	s10 =	sld [smem:$0x3F9D]  }
0x39: {  	_ = 	snop;
	(pc) =	sbr.ind lr, $3  }
0x3a: {  	_ = 	snop  }
0x3b: {  	_ = 	snop  }
0x3c: {  	p2 =	seq.s32 s10, $0x1;
	s10 =	sld [smem:$0x3F9C]  }
0x3d: {  	_ =	shalt  }
0x3e: {  	_ =	shalt  }
0x3f: {  	_ =	shalt  }
0x40: {  	_ =	shalt  }
0x41: {  	_ =	shalt  }
0x42: {  	_ =	shalt  }
0x43: {  	_ =	shalt  }
0x44: {  	_ =	shalt  }
0x45: {  	_ =	shalt  }
0x46: {  	_ =	shalt  }
0x47: {  	_ =	shalt  }
0x48: {  	_ =	shalt  }
0x49: {  	_ =	shalt  }
0x4a: {  	_ =	shalt  }
0x4b: {  	_ =	shalt  }
0x4c: {  	_ =	shalt  }
0x4d: {  	_ =	shalt  }
0x4e: {  	_ =	shalt  }
0x4f: {  	_ =	shalt  }
0x50: {  	_ =	shalt  }
0x51: {  	_ =	shalt  }
0x52: {  	_ =	shalt  }
0x53: {  	_ =	shalt  }
0x54: {  	_ =	shalt  }
0x55: {  	_ =	shalt  }
0x56: {  	_ =	shalt  }
0x57: {  	_ =	shalt  }
0x58: {  	_ =	shalt  }
0x59: {  	_ =	shalt  }
0x5a: {  	_ =	shalt  }
0x5b: {  	_ =	shalt  }
0x5c: {  	_ =	shalt  }
0x5d: {  	_ =	shalt  }
0x5e: {  	_ =	shalt  }
0x5f: {  	_ =	shalt  }
0x60: {  	_ =	shalt  }
0x61: {  	_ =	shalt  }
0x62: {  	_ =	shalt  }
0x63: {  	_ =	shalt  }
0x64: {  	_ =	shalt  }
0x65: {  	_ =	shalt  }
0x66: {  	_ =	shalt  }
0x67: {  	_ =	shalt  }
0x68: {  	_ =	shalt  }
0x69: {  	_ =	shalt  }
0x6a: {  	_ =	shalt  }
0x6b: {  	_ =	shalt  }
0x6c: {  	_ =	shalt  }
0x6d: {  	_ =	shalt  }
0x6e: {  	_ =	shalt  }
0x6f: {  	_ =	shalt  }
0x70: {  	_ =	shalt  }
0x71: {  	_ =	shalt  }
0x72: {  	_ =	shalt  }
0x73: {  	_ =	shalt  }
0x74: {  	_ =	shalt  }
0x75: {  	_ =	shalt  }
0x76: {  	_ =	shalt  }
0x77: {  	_ =	shalt  }
0x78: {  	_ =	shalt  }
0x79: {  	_ =	shalt  }
0x7a: {  	_ =	shalt  }
0x7b: {  	_ =	shalt  }
0x7c: {  	_ =	shalt  }
0x7d: {  	_ =	shalt  }
0x7e: {  	_ =	shalt  }
0x7f: {  	_ =	shalt  }
0x80: {  	_ =	shalt  }
0x81: {  	_ =	shalt  }
0x82: {  	_ =	shalt  }
0x83: {  	_ =	shalt  }
0x84: {  	_ =	shalt  }
0x85: {  	_ =	shalt  }
0x86: {  	_ =	shalt  }
0x87: {  	_ =	shalt  }
.Lfunc_end0:
.L_simem_size_0:
called_computation.1_lowered:
.L_overlay_start_0:
0x88: {  	s2 =	sld [smem:$0x3FD9]  }
0x89: {  	s3 =	sld [smem:$0x3FFE];
	_ =	sdelay $0x1  }
0x8a: {  	s1 =	srdreg.scid  }
0x8b: {  	s0 =	sand.u32 $0x1, s1  }
0x8c: {  	s17 =	sshll.u32 s0, $0xA;
	s2 =	sadd.s32 s3, s2  }
0x8d: {  	s2 =	sadd.s32 s2, s17  }
0x8e: {  	[smem:$0x3FA8] =	sst s2  }
0x8f: {  	_ = 	snop  }
0x90: {  	s2 =	sld [smem:$0x3FD0];
	(tm) =	ssettm $0x1  }
0x91: {  	s18 =	sld [smem:$0x3FFB];
	_ =	sdelay $0x3  }
0x92: {  	_ =	strace s18  }
0x93: {  	s3 =	sld [smem:$0x3FFC];
	_ =	sdelay $0x3  }
0x94: {  	_ =	strace s3  }
0x95: {  	s3 =	sld [smem:$0x3FFD];
	_ =	sdelay $0x3  }
0x96: {  	_ =	strace s3  }
0x97: {  	_ =	strace $0x8FFFFFFF  }
0x98: {  	s19 =	sld [smem:$0x3FDB];
	_ =	sdelay $0x1  }
0x99: {  	s4 =	simm.s32 $_scs_section_size  }
0x9a: {  	s5 =	simm.s32 $_size__tile_overlayer_lowered;
	s6 =	simm.s32 $_tile_overlayer_lowered  }
0x9b: {  	s22 =	simm.s32 $0x1BFF;
	s21 =	sshll.u32 s6, $0x1;
	s3 =	sadd.s32 s4, s19  }
0x9c: {  	s7 =	simm.s32 $0x0;
	s20 =	sshll.u32 s5, $0x1;
	s5 =	sadd.s32 s21, s3  }
0x9d: {  	[timem:s7], [sflag:s22] =	dma.local [hbm:s5], s20  }
0x9e: {  	_ =	swait.ge [sflag:s22], s20  }
0x9f: {  	s4 =	ssub.s32 $0x0, s20;
	[sflag:s22] =	ssyncset.done $0x0  }
0xa0: {  	[sflag:s22] =	ssyncadd.s32 s4;
	_ =	sdelay $0x1  }
0xa1: {  	s23 =	simm.s32 $0x1B8B  }
0xa2: {  	_ =	swait.ge [sflag:s23], $0x1  }
0xa3: {  	[sflag:s23] =	ssyncset.done $0x0  }
0xa4: {  	s25 =	simm.s32 $0x1B8E;
	s24 =	sld [smem:$0x3FFE];
	[sflag:s23] =	ssyncadd.s32 $0xFFFFFFFF  }
0xa5: {  	s26 =	simm.s32 $execute0_lowered;
	[smem:$0x3FD2] =	sst s25  }
0xa6: {  	s5 =	sshll.u32 s26, $0x1;
	_ =	strace $0x80000049;
	[dreg:$0x1] =	wrdreg $0xFFFFFFFF  }
0xa7: {  	s28 =	simm.s32 $_size_execute0_lowered;
	s3 =	sadd.s32 s3, s5;
	[dreg:$0x0] =	wrdreg $0x0  }
0xa8: {  	s5 =	sshll.u32 s28, $0x1;
	[dreg:$0x2] =	wrdreg s3  }
0xa9: {  	[dreg:$0x3] =	wrdreg s5  }
0xaa: {  	[dreg:$0x4] =	wrdreg $0xC0  }
0xab: {  	_ =	task [dreg:s7], $0x5FFFF  }
0xac: {  	[dreg:$0x1] =	wrdreg $0xFFFFFFFF  }
0xad: {  	[dreg:$0x0] =	wrdreg $0x60  }
0xae: {  	[dreg:$0x2] =	wrdreg s24  }
0xaf: {  	[dreg:$0x3] =	wrdreg s2  }
0xb0: {  	[dreg:$0x4] =	wrdreg $0x9  }
0xb1: {  	_ =	task.clear_ibuf [dreg:s7], $0x5FFFF;
	_ =	strace $0x90000049  }
0xb2: {  	s29 =	simm.s32 $0x9;
	_ =	strace $0x8000004B  }
0xb3: {  	_ =	swait.ge [sflag:s29], $0x1  }
0xb4: {  	[sflag:s29] =	ssyncadd.s32 $0xFFFFFFFF  }
0xb5: {  	_ =	strace $0x9000004B  }
0xb6: {  	_ =	sfence  }
0xb7: {  	s30 =	sld [smem:$0x0];
	_ =	sdelay $0x2  }
0xb8: {  	s31 =	sshll.u32 s1, $0xD;
	s1 =	sshrl.u32 s1, $0x2  }
0xb9: {  	s3 =	sand.u32 $0x4000, s31;
	s1 =	sadd.s32 s1, s30  }
0xba: {  	s0 =	sor.u32 s3, s0;
	s1 =	sshll.u32 s1, $0x11  }
0xbb: {  	s0 =	sor.u32 s1, s0  }
0xbc: {  	s0 =	sadd.s32 $0x8F2B, s0  }
0xbd: {  	[sflag:s0] =	ssyncadd.remote.s32 $0x1  }
0xbe: {  	_ =	sfence.sel $0xFFFF  }
0xbf: {  	[dreg:$0x0] =	wrdreg $0xFFFFFFFF;
	(pc) =	sbr.abs _section_cstart, $3  }
0xc0: {  	[dreg:$0x1] =	wrdreg $0xFFFFFFFF  }
0xc1: {  	_ =	task.clear_ibuf [dreg:s7], $0x2FFFF;
	_ =	strace $0x9FFFFFFF  }
0xc2: {  	(tm) =	ssettm $0x7FFFFFFF  }
0xc3: {  	_ =	shalt  }
tec
execute0_lowered:
.L_overlay_start_1:
0x0: {  	(tag) =	ssettag $0x1  }
0x1: {  	s4 =	rddreg [dreg:$0x0]  }
0x2: {  	s1 =	srdreg.scid;
	s0 =	stileid.u32  }
0x3: {  	s5 =	rddreg [dreg:$0x1];
	s2 =	simm.s32 $0x0;
	s10 =	simm.s32 $0x80  }
0x4: {  	s11 =	simm.s32 $0x1200;
	s12 =	simm.s32 $0x1280;
	s13 =	simm.s32 $0x1  }
0x5: {  	s14 =	simm.s32 $0x5280;
	s3 =	sand.u32 $0x1, s1;
	s6 =	sshll.u32 s0, $0x1  }
0x6: {  	s15 =	simm.s32 $0x0;
	s1 =	rddreg [dreg:$0x2];
	s6 =	sor.u32 s3, s6  }
0x7: {  	[smem:$0x7FF] =	sst s2;
	s7 =	ssub.s32 $0x2, s3;
	s8 =	smul.u32 $0x140, s6  }
0x8: {  	v2 =	vlaneseq.u32;
	v3 =	vimm.f32 $-Inf;
	v4 =	vimm.s32 $0x0;
	_ =	strace $0x8000004A;
	s9 =	sshrl.u32 s7, $0x1;
	s6 =	smul.u32 $0x1400, s6  }
0x9: {  	v5 =	vor.u32 $0x10, v2;
	v6 =	vor.u32 $0x20, v2;
	v7 =	vor.u32 $0x30, v2;
	s3 =	sadd.s32 $0x9DE200, s4;
	s4 =	sadd.s32 $0x10400, s4;
	s7 =	ssub.s32 s7, s9  }
0xa: {  	v8 =	vor.u32 $0x40, v2;
	v9 =	vor.u32 $0x50, v2;
	v10 =	vor.u32 $0x60, v2;
	s9 =	simm.s32 $0x1100;
	s31 =	sadd.s32 $0x140, s8;
	s5 =	sadd.s32 s5, s6  }
0xb: {  	v11 =	vor.u32 $0x70, v2;
	v0 =	vmov s8;
	s6 =	smax.u32 s7, $0x1;
	s7 =	simm.s32 $0x2;
	s8 =	simm.s32 $0x1000;
	v1 =	vmov s31  }
.LBB2_1:
0xc: {  	s16 =	simm.s32 $0x200;
	s17 =	simm.s32 $0x0  }
.LBB2_2:
0xd: {  	p0 =	sne.s32 s16, $0x28000;
	[tilespmem:s17+$0x52B0] =	vst v3;
	s18 =	smov.u32 s16;
	s16 =	sadd.s32 $0x200, s16  }
.Ltmp0:
0xe: {  	[tilespmem:s17+$0x52A0] =	vst v3;
	(pc) =	sbr.rel @p0 .LBB2_2-.Ltmp0, $3  }
0xf: {  	[tilespmem:s17+$0x5280] =	vst v3  }
0x10: {  	[tilespmem:s17+$0x5290] =	vst v3;
	_ =	sdelay $0x1  }
0x11: {  	s17 =	sshra.s32 s18, $0x2  }
.Ltmp1:
0x12: {  	(pc) =	sbr.rel .LBB2_4-.Ltmp1, $4  }
0x13: {  	[tilespmem:s17+$0x52B0] =	vst v3  }
0x14: {  	[tilespmem:s17+$0x52A0] =	vst v3  }
0x15: {  	[tilespmem:s17+$0x5280] =	vst v3  }
0x16: {  	s16 =	simm.s32 $0x0;
	[tilespmem:s17+$0x5290] =	vst v3;
	s17 =	simm.s32 $0x0;
	s18 =	simm.s32 $0x0  }
.LBB2_10:
0x17: {  	s18 =	sadd.s32 $0x1, s18  }
0x18: {  	p0 =	sne.s32 s18, $0x50  }
.Ltmp2:
0x19: {  	_ = 	snop;
	(pc) =	sbr.rel @!p0 .LBB2_11-.Ltmp2, $1  }
0x1a: {  	_ =	sdelay $0x3  }
.LBB2_4:
0x1b: {  	s19 =	smul.u32 $0xFA0, s18;
	_ =	sdelay $0x1  }
0x1c: {  	s20 =	sshrl.u32 s19, $0x3  }
.Ltmp3:
0x1d: {  	s20 =	sadd.s32 s4, s20;
	(pc) =	sbr.rel .LBB2_5-.Ltmp3, $4  }
0x1e: {  	[tilespmem:s16], [sflag:$0x2] =	stream.linear.gather [hbm4b:s20+s16], $0xFA0, $0x38;
	[tilespmem:$0xF680] =	vst v63  }
0x1f: {  	_ =	swait.ge [sflag:s7], $0xFA0  }
0x20: {  	[sflag:s7] =	ssyncset.done $0x0  }
0x21: {  	s20 =	simm.s32 $0x0;
	[sflag:s7] =	ssyncadd.s32 $0xFFFFF060  }
.LBB2_8:
0x22: {  	s22 =	sshra.s32 s22, $0x2;
	[tilespmem:s24+$0x52B0] =	vst v12  }
0x23: {  	v12 =	vld [tilespmem:s22+$0x1100];
	_ =	sdelay $0x4  }
0x24: {  	(v2sf) =	vpush v12, $0x0;
	_ =	sdelay $0xe  }
0x25: {  	s31 =	spop (v2sf)  }
0x26: {  	s21 =	sadd.s32 $0x80, s21;
	s22 =	sshll.u32 s31, $0x9  }
0x27: {  	v56 =	vld [tilespmem:s21+$0xFFFFFFE0];
	s22 =	sshra.s32 s22, $0x2  }
0x28: {  	v13 =	vld [tilespmem:s22+$0x5280];
	_ =	sdelay $0x4  }
0x29: {  	v12 =	vmax.f32 v13, v56  }
0x2a: {  	v57 =	vld [tilespmem:s22+$0x5290];
	[tilespmem:s22+$0x5280] =	vst v12  }
0x2b: {  	v58 =	vld [tilespmem:s21+$0xFFFFFFF0];
	_ =	sdelay $0x4  }
0x2c: {  	v12 =	vmax.f32 v57, v58  }
0x2d: {  	v59 =	vld [tilespmem:s22+$0x52A0];
	[tilespmem:s22+$0x5290] =	vst v12  }
0x2e: {  	v60 =	vld [tilespmem:s21+$0x0];
	_ =	sdelay $0x4  }
0x2f: {  	v12 =	vmax.f32 v59, v60  }
0x30: {  	v61 =	vld [tilespmem:s22+$0x52B0];
	[tilespmem:s22+$0x52A0] =	vst v12  }
0x31: {  	v62 =	vld [tilespmem:s21+$0x10];
	_ =	sdelay $0x4  }
0x32: {  	v12 =	vmax.f32 v61, v62  }
0x33: {  	[tilespmem:s22+$0x52B0] =	vst v12  }
0x34: {  	v12 =	vld [tilespmem:$0x1080]  }
0x35: {  	v63 =	vld [tilespmem:$0x1180];
	_ =	sdelay $0x3  }
0x36: {  	[tilespmem:$0x1000] =	vst v12  }
0x37: {  	[tilespmem:$0x1100] =	vst v63  }
.LBB2_9:
0x38: {  	s20 =	sadd.s32 $0x1, s20  }
0x39: {  	p1 =	sne.s32 s20, $0xFA  }
.Ltmp4:
0x3a: {  	_ = 	snop;
	(pc) =	sbr.rel @!p1 .LBB2_10-.Ltmp4, $3  }
0x3b: {  	_ =	sdelay $0x1  }
0x3c: {  	p0 =	sgt.s32 s17, $0x7F;
	s21 =	sadd.s32 $0xFFFFFF80, s17  }
0x3d: {  	s17 =	smov.u32 @p0 s21  }
.LBB2_5:
0x3e: {  	s21 =	sshll.u32 s20, $0x4  }
0x3f: {  	v12 =	vld [tilespmem:s21+$0x0];
	_ =	sdelay $0x4  }
0x40: {  	vm0 =	vge.s32 v12, v0;
	vm1 =	vlt.s32 v12, v1  }
0x41: {  	vm0 =	vmand vm0, vm1  }
0x42: {  	v13 =	vmpcnt.ones.xlane vm0  }
0x43: {  	v14 =	vsel vm0, $0x1, v4  }
0x44: {  	(xrf0) =	vadd.scan.msk.s32 $0xffff, v14;
	v13 =	vxor.u32 $0x80000000, v13  }
0x45: {  	(xrf0) =	vmax.scan.msk.u32 $0xffff, v13;
	_ =	sdelay $0x4  }
0x46: {  	v60, _, _ =	vpop (xrf0)  }
0x47: {  	v61, _, _ =	vpop (xrf0)  }
0x48: {  	(v2sf) =	vpush v61, $0xF;
	_ =	sdelay $0xc  }
0x49: {  	v62 =	vmov s17  }
0x4a: {  	v14 =	vadd.s32 $0xFFFFFFFF, v62  }
0x4b: {  	v14 =	vbroadcast v14, $0x0;
	s22 =	spop (v2sf)  }
0x4c: {  	s31 =	sadd.s32 s22, s17  }
0x4d: {  	v13 =	vadd.s32 v60, v14;
	s17 =	sadd.s32 $0x80000000, s31  }
0x4e: {  	p0 =	slt.s32 s17, $0x80  }
.Ltmp5:
0x4f: {  	_ = 	snop;
	(pc) =	sbr.rel @p0 .LBB2_9-.Ltmp5, $4  }
0x50: {  	s21 =	sadd.s32 s19, s21  }
0x51: {  	v63 =	vor.u32 s21, v2  }
0x52: {  	v12 =	vsub.s32 v12, v0;
	[tilespmem:v13+s8+$0x0] =	vst.idx.msk vm0, v63  }
0x53: {  	[tilespmem:v13+s9+$0x0] =	vst.idx.msk vm0, v12  }
0x54: {  	v12 =	vld [tilespmem:$0x1000]  }
0x55: {  	v13 =	vld [tilespmem:$0x1010]  }
0x56: {  	v14 =	vld [tilespmem:$0x1020]  }
0x57: {  	v15 =	vld [tilespmem:$0x1030]  }
0x58: {  	v16 =	vld [tilespmem:$0x1040]  }
0x59: {  	[tilespmem:$0x1200] =	vst v12;
	v12 =	vld [tilespmem:$0x1050]  }
0x5a: {  	[tilespmem:$0x1210] =	vst v13;
	v13 =	vld [tilespmem:$0x1060]  }
0x5b: {  	[tilespmem:$0x1220] =	vst v14;
	v14 =	vld [tilespmem:$0x1070]  }
0x5c: {  	[tilespmem:$0x1230] =	vst v15  }
0x5d: {  	[tilespmem:$0x1240] =	vst v16  }
0x5e: {  	[tilespmem:$0x1250] =	vst v12  }
0x5f: {  	[tilespmem:$0x1260] =	vst v13  }
0x60: {  	[tilespmem:$0x1270] =	vst v14  }
0x61: {  	[tilespmem:s12], [sflag:$0x1] =	stream.indirect.gather [hbm4b:s3+s10], $0x80, s11, s10, $0xb8;
	[tilespmem:$0xF680] =	vst v63  }
0x62: {  	_ =	swait.ge [sflag:s13], $0x4000  }
0x63: {  	[sflag:s13] =	ssyncset.done $0x0  }
0x64: {  	s21 =	simm.s32 $0x0;
	[sflag:s13] =	ssyncadd.s32 $0xFFFFC000  }
0x65: {  	v12 =	vld [tilespmem:s21+$0x1100];
	_ =	sdelay $0x4  }
0x66: {  	(v2sf) =	vpush v12, $0x0;
	_ =	sdelay $0xe  }
0x67: {  	s22 =	spop (v2sf)  }
0x68: {  	s21 =	simm.s32 $0x12A0;
	s22 =	sshll.u32 s22, $0x9  }
0x69: {  	v12 =	vld [tilespmem:s21+$0xFFFFFFE0];
	s24 =	sshra.s32 s22, $0x2  }
0x6a: {  	v13 =	vld [tilespmem:s24+$0x5280];
	_ =	sdelay $0x4  }
0x6b: {  	v12 =	vmax.f32 v13, v12  }
0x6c: {  	[tilespmem:s24+$0x5280] =	vst v12;
	v12 =	vld [tilespmem:s24+$0x5290]  }
0x6d: {  	v13 =	vld [tilespmem:s21+$0xFFFFFFF0];
	_ =	sdelay $0x4  }
0x6e: {  	v12 =	vmax.f32 v12, v13  }
0x6f: {  	[tilespmem:s24+$0x5290] =	vst v12;
	v12 =	vld [tilespmem:s24+$0x52A0]  }
0x70: {  	v13 =	vld [tilespmem:s21+$0x0];
	_ =	sdelay $0x4  }
0x71: {  	v12 =	vmax.f32 v12, v13  }
0x72: {  	[tilespmem:s24+$0x52A0] =	vst v12;
	v12 =	vld [tilespmem:s24+$0x52B0]  }
0x73: {  	v13 =	vld [tilespmem:s21+$0x10];
	_ =	sdelay $0x4  }
0x74: {  	s25 =	simm.s32 $0x8;
	s22 =	simm.s32 $0x4;
	v12 =	vmax.f32 v12, v13  }
.LBB2_7:
0x75: {  	s26 =	sshra.s32 s22, $0x2  }
0x76: {  	[tilespmem:s24+$0x52B0] =	vst v12;
	s21 =	sadd.s32 $0x80, s21;
	s22 =	smov.u32 s25;
	s23 =	sadd.s32 $0x4, s25  }
0x77: {  	p0 =	sne.s32 s25, $0x1FC;
	v12 =	vld [tilespmem:s26+$0x1100];
	_ =	sdelay $0x4  }
0x78: {  	(v2sf) =	vpush v12, $0x0;
	_ =	sdelay $0xe  }
0x79: {  	s24 =	spop (v2sf)  }
0x7a: {  	s24 =	sshll.u32 s24, $0x9  }
0x7b: {  	s24 =	sshra.s32 s24, $0x2;
	v12 =	vld [tilespmem:s21+$0xFFFFFFE0]  }
0x7c: {  	v13 =	vld [tilespmem:s24+$0x5280];
	_ =	sdelay $0x4  }
0x7d: {  	v12 =	vmax.f32 v13, v12  }
0x7e: {  	[tilespmem:s24+$0x5280] =	vst v12;
	v12 =	vld [tilespmem:s24+$0x5290]  }
0x7f: {  	v13 =	vld [tilespmem:s21+$0xFFFFFFF0];
	_ =	sdelay $0x4  }
0x80: {  	v12 =	vmax.f32 v12, v13  }
0x81: {  	[tilespmem:s24+$0x5290] =	vst v12;
	v12 =	vld [tilespmem:s24+$0x52A0]  }
0x82: {  	v13 =	vld [tilespmem:s21+$0x0];
	_ =	sdelay $0x4  }
0x83: {  	v12 =	vmax.f32 v12, v13  }
0x84: {  	[tilespmem:s24+$0x52A0] =	vst v12;
	v12 =	vld [tilespmem:s24+$0x52B0]  }
0x85: {  	v13 =	vld [tilespmem:s21+$0x10]  }
.Ltmp6:
0x86: {  	(pc) =	sbr.rel @p0 .LBB2_7-.Ltmp6, $2  }
0x87: {  	_ =	sdelay $0x2  }
0x88: {  	s25 =	smov.u32 s23;
	v12 =	vmax.f32 v12, v13  }
.Ltmp7:
0x89: {  	_ = 	snop;
	(pc) =	sbr.rel .LBB2_8-.Ltmp7, $1  }
0x8a: {  	_ =	sdelay $0x3  }
.LBB2_11:
0x8b: {  	v12 =	vld [tilespmem:$0x1000]  }
0x8c: {  	v13 =	vld [tilespmem:$0x1100]  }
0x8d: {  	v14 =	vld [tilespmem:$0x1010]  }
0x8e: {  	v15 =	vmov s17;
	v16 =	vld [tilespmem:$0x1110]  }
0x8f: {  	v17 =	vld [tilespmem:$0x1020];
	vm0 =	vgt.s32 v15, v2  }
0x90: {  	v18 =	vld [tilespmem:$0x1120];
	v12 =	vnsel vm0, $0x0, v12  }
0x91: {  	vm9 =	vgt.s32 v15, v5;
	[tilespmem:$0x1000] =	vst v12;
	v12 =	vnsel vm0, $0x140, v13;
	v13 =	vld [tilespmem:$0x1030]  }
0x92: {  	[tilespmem:$0x1100] =	vst v12;
	v12 =	vnsel vm9, $0x0, v14;
	v14 =	vld [tilespmem:$0x1130]  }
0x93: {  	v57 =	vld [tilespmem:$0x1040];
	vm10 =	vgt.s32 v15, v6;
	[tilespmem:$0x1010] =	vst v12;
	v12 =	vnsel vm9, $0x140, v16  }
0x94: {  	v58 =	vld [tilespmem:$0x1140];
	[tilespmem:$0x1110] =	vst v12;
	v12 =	vnsel vm10, $0x0, v17  }
0x95: {  	v59 =	vld [tilespmem:$0x1050];
	vm11 =	vgt.s32 v15, v7;
	[tilespmem:$0x1020] =	vst v12;
	v12 =	vnsel vm10, $0x140, v18  }
0x96: {  	[tilespmem:$0x1120] =	vst v12;
	v12 =	vnsel vm11, $0x0, v13;
	v13 =	vld [tilespmem:$0x1150]  }
0x97: {  	vm12 =	vgt.s32 v15, v8;
	[tilespmem:$0x1030] =	vst v12;
	v12 =	vnsel vm11, $0x140, v14;
	v14 =	vld [tilespmem:$0x1060]  }
0x98: {  	v60 =	vld [tilespmem:$0x1160];
	[tilespmem:$0x1130] =	vst v12;
	v12 =	vnsel vm12, $0x0, v57  }
0x99: {  	v61 =	vld [tilespmem:$0x1070];
	vm13 =	vgt.s32 v15, v9;
	[tilespmem:$0x1040] =	vst v12;
	v12 =	vnsel vm12, $0x140, v58  }
0x9a: {  	v62 =	vld [tilespmem:$0x1170];
	[tilespmem:$0x1140] =	vst v12;
	v12 =	vnsel vm13, $0x0, v59  }
0x9b: {  	vm14 =	vgt.s32 v15, v10;
	[tilespmem:$0x1050] =	vst v12;
	v12 =	vnsel vm13, $0x140, v13  }
0x9c: {  	v13 =	vld [tilespmem:$0x1000];
	[tilespmem:$0x1150] =	vst v12;
	v12 =	vnsel vm14, $0x0, v14  }
0x9d: {  	vm15 =	vgt.s32 v15, v11;
	v15 =	vld [tilespmem:$0x1020];
	[tilespmem:$0x1060] =	vst v12;
	v12 =	vnsel vm14, $0x140, v60  }
0x9e: {  	v14 =	vld [tilespmem:$0x1010];
	[tilespmem:$0x1160] =	vst v12;
	v12 =	vnsel vm15, $0x0, v61  }
0x9f: {  	v63 =	vld [tilespmem:$0x1030];
	[tilespmem:$0x1070] =	vst v12;
	v12 =	vnsel vm15, $0x140, v62  }
0xa0: {  	[tilespmem:$0x1170] =	vst v12;
	v12 =	vld [tilespmem:$0x1040]  }
0xa1: {  	[tilespmem:$0x1200] =	vst v13;
	v13 =	vld [tilespmem:$0x1050]  }
0xa2: {  	[tilespmem:$0x1220] =	vst v15;
	v15 =	vld [tilespmem:$0x1070]  }
0xa3: {  	[tilespmem:$0x1210] =	vst v14;
	v14 =	vld [tilespmem:$0x1060]  }
0xa4: {  	[tilespmem:$0x1230] =	vst v63  }
0xa5: {  	[tilespmem:$0x1240] =	vst v12  }
0xa6: {  	[tilespmem:$0x1250] =	vst v13  }
0xa7: {  	[tilespmem:$0x1270] =	vst v15  }
0xa8: {  	[tilespmem:$0x1260] =	vst v14  }
0xa9: {  	[tilespmem:s12], [sflag:$0x1] =	stream.indirect.gather [hbm4b:s3+s10], $0x80, s11, s10, $0xb8;
	[tilespmem:$0xF680] =	vst v63  }
0xaa: {  	_ =	swait.ge [sflag:s13], $0x4000  }
0xab: {  	[sflag:s13] =	ssyncset.done $0x0  }
0xac: {  	s16 =	simm.s32 $0x0;
	[sflag:s13] =	ssyncadd.s32 $0xFFFFC000  }
0xad: {  	v12 =	vld [tilespmem:s16+$0x1100];
	_ =	sdelay $0x4  }
0xae: {  	(v2sf) =	vpush v12, $0x0;
	_ =	sdelay $0xe  }
0xaf: {  	s31 =	spop (v2sf)  }
0xb0: {  	s16 =	simm.s32 $0x12A0;
	s17 =	sshll.u32 s31, $0x9  }
0xb1: {  	v12 =	vld [tilespmem:s16+$0xFFFFFFE0];
	s19 =	sshra.s32 s17, $0x2  }
0xb2: {  	v13 =	vld [tilespmem:s19+$0x5280];
	_ =	sdelay $0x4  }
0xb3: {  	v12 =	vmax.f32 v13, v12  }
0xb4: {  	[tilespmem:s19+$0x5280] =	vst v12;
	v12 =	vld [tilespmem:s19+$0x5290]  }
0xb5: {  	v13 =	vld [tilespmem:s16+$0xFFFFFFF0];
	_ =	sdelay $0x4  }
0xb6: {  	v12 =	vmax.f32 v12, v13  }
0xb7: {  	[tilespmem:s19+$0x5290] =	vst v12;
	v12 =	vld [tilespmem:s19+$0x52A0]  }
0xb8: {  	v13 =	vld [tilespmem:s16+$0x0];
	_ =	sdelay $0x4  }
0xb9: {  	v12 =	vmax.f32 v12, v13  }
0xba: {  	[tilespmem:s19+$0x52A0] =	vst v12;
	v12 =	vld [tilespmem:s19+$0x52B0]  }
0xbb: {  	v13 =	vld [tilespmem:s16+$0x10];
	_ =	sdelay $0x4  }
0xbc: {  	s20 =	simm.s32 $0x8;
	s17 =	simm.s32 $0x4;
	v12 =	vmax.f32 v12, v13  }
.LBB2_12:
0xbd: {  	s21 =	sshra.s32 s17, $0x2  }
0xbe: {  	[tilespmem:s19+$0x52B0] =	vst v12;
	s16 =	sadd.s32 $0x80, s16;
	s17 =	smov.u32 s20;
	s18 =	sadd.s32 $0x4, s20  }
0xbf: {  	p0 =	sne.s32 s20, $0x1FC;
	v12 =	vld [tilespmem:s21+$0x1100];
	_ =	sdelay $0x4  }
0xc0: {  	(v2sf) =	vpush v12, $0x0;
	_ =	sdelay $0xe  }
0xc1: {  	s19 =	spop (v2sf)  }
0xc2: {  	s19 =	sshll.u32 s19, $0x9  }
0xc3: {  	s19 =	sshra.s32 s19, $0x2;
	v12 =	vld [tilespmem:s16+$0xFFFFFFE0]  }
0xc4: {  	v13 =	vld [tilespmem:s19+$0x5280];
	_ =	sdelay $0x4  }
0xc5: {  	v12 =	vmax.f32 v13, v12  }
0xc6: {  	[tilespmem:s19+$0x5280] =	vst v12;
	v12 =	vld [tilespmem:s19+$0x5290]  }
0xc7: {  	v13 =	vld [tilespmem:s16+$0xFFFFFFF0];
	_ =	sdelay $0x4  }
0xc8: {  	v12 =	vmax.f32 v12, v13  }
0xc9: {  	[tilespmem:s19+$0x5290] =	vst v12;
	v12 =	vld [tilespmem:s19+$0x52A0]  }
0xca: {  	v13 =	vld [tilespmem:s16+$0x0];
	_ =	sdelay $0x4  }
0xcb: {  	v12 =	vmax.f32 v12, v13  }
0xcc: {  	[tilespmem:s19+$0x52A0] =	vst v12;
	v12 =	vld [tilespmem:s19+$0x52B0]  }
0xcd: {  	v13 =	vld [tilespmem:s16+$0x10]  }
.Ltmp8:
0xce: {  	(pc) =	sbr.rel @p0 .LBB2_12-.Ltmp8, $2  }
0xcf: {  	_ =	sdelay $0x2  }
0xd0: {  	s20 =	smov.u32 s18;
	v12 =	vmax.f32 v12, v13  }
0xd1: {  	s17 =	sshra.s32 s17, $0x2;
	[tilespmem:s19+$0x52B0] =	vst v12  }
0xd2: {  	v12 =	vld [tilespmem:s17+$0x1100];
	_ =	sdelay $0x4  }
0xd3: {  	(v2sf) =	vpush v12, $0x0;
	_ =	sdelay $0xe  }
0xd4: {  	s31 =	spop (v2sf)  }
0xd5: {  	s16 =	sadd.s32 $0x80, s16;
	s17 =	sshll.u32 s31, $0x9  }
0xd6: {  	v12 =	vld [tilespmem:s16+$0xFFFFFFE0];
	s17 =	sshra.s32 s17, $0x2  }
0xd7: {  	v13 =	vld [tilespmem:s17+$0x5280];
	_ =	sdelay $0x4  }
0xd8: {  	v12 =	vmax.f32 v13, v12  }
0xd9: {  	[tilespmem:s17+$0x5280] =	vst v12;
	v12 =	vld [tilespmem:s17+$0x5290]  }
0xda: {  	v13 =	vld [tilespmem:s16+$0xFFFFFFF0];
	_ =	sdelay $0x4  }
0xdb: {  	v12 =	vmax.f32 v12, v13  }
0xdc: {  	[tilespmem:s17+$0x5290] =	vst v12;
	v12 =	vld [tilespmem:s17+$0x52A0]  }
0xdd: {  	v13 =	vld [tilespmem:s16+$0x0];
	_ =	sdelay $0x4  }
0xde: {  	v12 =	vmax.f32 v12, v13  }
0xdf: {  	[tilespmem:s17+$0x52A0] =	vst v12;
	v12 =	vld [tilespmem:s17+$0x52B0]  }
0xe0: {  	v13 =	vld [tilespmem:s16+$0x10];
	_ =	sdelay $0x4  }
0xe1: {  	v12 =	vmax.f32 v12, v13  }
0xe2: {  	s16 =	simm.s32 $0x0;
	[tilespmem:s17+$0x52B0] =	vst v12  }
0xe3: {  	v14 =	vld [tilespmem:s16+$0x5280]  }
0xe4: {  	v13 =	vld [tilespmem:s16+$0x5290]  }
0xe5: {  	s17 =	simm.s32 $0x200;
	v12 =	vld [tilespmem:s16+$0x52A0]  }
.LBB2_14:
0xe6: {  	p0 =	sne.s32 s17, $0x27E00;
	v15 =	vld [tilespmem:s16+$0x52B0];
	_ =	sdelay $0x1  }
0xe7: {  	vm0 =	veq.f32 v14, $-Inf  }
.Ltmp9:
0xe8: {  	v14 =	vsel vm0, $0x0, v14;
	vm0 =	veq.f32 v13, $-Inf;
	(pc) =	sbr.rel @p0 .LBB2_14-.Ltmp9, $4  }
0xe9: {  	s18 =	sshra.s32 s17, $0x2;
	[tilespmem:s16+$0x5280] =	vst v14;
	v13 =	vsel vm0, $0x0, v13;
	vm0 =	veq.f32 v12, $-Inf  }
0xea: {  	v14 =	vld [tilespmem:s18+$0x5280];
	[tilespmem:s16+$0x5290] =	vst v13;
	v12 =	vsel vm0, $0x0, v12;
	vm0 =	veq.f32 v15, $-Inf  }
0xeb: {  	v13 =	vld [tilespmem:s18+$0x5290];
	[tilespmem:s16+$0x52A0] =	vst v12;
	v15 =	vsel vm0, $0x0, v15  }
0xec: {  	s17 =	sadd.s32 $0x200, s17;
	v12 =	vld [tilespmem:s18+$0x52A0];
	[tilespmem:s16+$0x52B0] =	vst v15;
	s16 =	smov.u32 s18  }
0xed: {  	v15 =	vld [tilespmem:s16+$0x52B0];
	_ =	sdelay $0x1  }
0xee: {  	vm0 =	veq.f32 v14, $-Inf  }
0xef: {  	v14 =	vsel vm0, $0x0, v14;
	vm13 =	veq.f32 v13, $-Inf  }
0xf0: {  	[tilespmem:s16+$0x5280] =	vst v14;
	v13 =	vsel vm13, $0x0, v13;
	vm14 =	veq.f32 v12, $-Inf  }
0xf1: {  	s15 =	sadd.s32 $0x1, s15;
	[tilespmem:s16+$0x5290] =	vst v13;
	v12 =	vsel vm14, $0x0, v12;
	vm15 =	veq.f32 v15, $-Inf  }
0xf2: {  	p0 =	sne.s32 s15, s6;
	[tilespmem:s16+$0x52A0] =	vst v12;
	v63 =	vsel vm15, $0x0, v15  }
.Ltmp10:
0xf3: {  	[tilespmem:s16+$0x52B0] =	vst v63;
	(pc) =	sbr.rel @p0 .LBB2_1-.Ltmp10, $4  }
0xf4: {  	[hbm4b:s5+s2] =	stream.linear.scatter [tilespmem:s14], [sflag:$0x2], $0xA000, $0x38;
	[tilespmem:$0xF680] =	vst v63  }
0xf5: {  	_ =	swait.ge [sflag:s7], $0xA000  }
0xf6: {  	[sflag:s7] =	ssyncset.done $0x0  }
0xf7: {  	[sflag:s7] =	ssyncadd.s32 $0xFFFF6000  }
0xf8: {  	_ =	sfence.sel $0x180000  }
0xf9: {  	[bflag:$0x0] =	sbarrier.arrive $0xFFFF  }
0xfa: {  	p0 =	sne.s32 s0, $0x0;
	_ =	strace $0x9000004A  }
0xfb: {  	s0 =	sadd.s32 @!p0 $0x100000, s1;
	[bflag:$0x2] =	sbarrier.arrive $0xFFFF  }
0xfc: {  	[sflag:s0] =	ssyncadd.tile.s32 @!p0 $0x1;
	_ =	shalt  }
.Lfunc_end2:
_tile_overlayer_lowered:
.L_overlay_start_2:
0xfd: {  	(tag) =	ssettag $0x2  }
0xfe: {  	s0 =	rddreg [dreg:$0x0];
	s2 =	stileid.u32  }
0xff: {  	s1 =	rddreg [dreg:$0x1];
	p0 =	sne.s32 s2, $0x0  }
0x100: {  	s3 =	rddreg [dreg:$0x2];
	[bflag:$0x3] =	sbarrier.arrive $0xFFFF;
	s2 =	simm.s32 @!p0 $0x1C02  }
0x101: {  	[timem:s3], [sflag:s2] =	dma.local @!p0 [hbm:s0], s1  }
0x102: {  	s0 =	simm.s32 @!p0 $0x2  }
0x103: {  	_ =	swait.ge @!p0 [sflag:s0], s1  }
0x104: {  	s1 =	ssub.s32 @!p0 $0x0, s1;
	[sflag:s0] =	ssyncset.done @!p0 $0x0  }
0x105: {  	[sflag:s0] =	ssyncadd.s32 @!p0 s1  }
0x106: {  	[bflag:$0x3] =	sbarrier.arrive $0xFFFF  }
0x107: {  	_ =	shalt  }

// kernel: kernel.17.cloned.1.call-start
scs
__scs_entry_jumppad:
0x0: {  	(pc) =	sbr.rel $0x88, $3  }
0x1: {  	(tag) =	ssettag $0x0;
	lr =	simm.s32 $0x1  }
0x2: {  	[smem:$0x3F81] =	sst lr;
	_ =	strace $0xD0000000  }
0x3: {  	_ = 	snop  }
0x4: {  	_ = 	snop  }
0x5: {  	_ = 	snop  }
0x6: {  	_ = 	snop  }
0x7: {  	_ = 	snop  }
__scs_overlays_trampoline_lowered:
0x8: {  	[smem:$0x3F90] =	sst s0  }
0x9: {  	[smem:$0x3F91] =	sst s1  }
0xa: {  	[smem:$0x3F92] =	sst s2  }
0xb: {  	[smem:$0x3F93] =	sst s3  }
0xc: {  	[smem:$0x3F94] =	sst s4  }
0xd: {  	[smem:$0x3F95] =	sst s5  }
0xe: {  	[smem:$0x3F96] =	sst s6  }
0xf: {  	[smem:$0x3F97] =	sst s7  }
0x10: {  	[smem:$0x3F98] =	sst s8  }
0x11: {  	[smem:$0x3F99] =	sst s9;
	s0 =	simm.s32 @!p0 $0x0  }
0x12: {  	s1 =	sld [smem:$0x3F7F];
	s0 =	simm.s32 @p0 $0x1  }
0x13: {  	[smem:$0x3F9A] =	sst s0;
	s0 =	simm.s32 @!p1 $0x0  }
0x14: {  	s2 =	sld [smem:$0x3F7E];
	s0 =	simm.s32 @p1 $0x1  }
0x15: {  	[smem:$0x3F9B] =	sst s0;
	s0 =	simm.s32 @!p2 $0x0  }
0x16: {  	s3 =	sld [smem:$0x3FDB];
	s0 =	simm.s32 @p2 $0x1  }
0x17: {  	s4 =	simm.s32 $0x1BF5;
	[smem:$0x3F9D] =	sst s0  }
0x18: {  	s0 =	sld [smem:$0x3F80];
	_ =	swait.ge [sflag:s4], $0x0  }
0x19: {  	s7 =	sld [smem:$0x3F81]  }
0x1a: {  	s8 =	sadd.s32 $0xFFFFE003, lr  }
0x1b: {  	s9 =	sadd.s32 $0xFFFFFEF7, lr;
	s5 =	simm.s32 $0xFFFFFFFF;
	p2 =	slt.u32 s8, $0xFFFFF086  }
0x1c: {  	p1 =	slt.u32 s9, $0xF7A;
	s5 =	simm.s32 @!p2 $0x0  }
0x1d: {  	s5 =	simm.s32 @p1 $0x1;
	p0 =	seq.s32 s7, s2  }
0x1e: {  	s7 =	smul.u32 @!p0 $0xF7A, s2;
	p2 =	seq.s32 @!p0 s5, $0x0  }
0x1f: {  	s9 =	smul.u32 $0xF7A, s1;
	s8 =	simm.s32 @!p0 $0x1BF5;
	p2 =	por !p2, p0  }
0x20: {  	[sflag:s8] =	ssyncset.s32 @!p0 $0xFFFFF086;
	s6 =	sadd.s32 @!p0 s3, s7;
	s7 =	simm.s32 @!p0 $0x108  }
0x21: {  	s3 =	sadd.s32 s3, s9;
	s6 =	sadd.s32 @!p0 $0x88, s6;
	s7 =	simm.s32 @p2 $0x1082  }
0x22: {  	[simem:s7], [sflag:s8] =	dma.local @!p0 [hbm:s6], $0xF7A  }
0x23: {  	s9 =	sor.u32 $0xD0000000, s2;
	s6 =	simm.s32 $0x108;
	_ =	swait.ge @!p0 [sflag:s8], $0x0  }
0x24: {  	s3 =	sadd.s32 $0x88, s3;
	s6 =	simm.s32 @!p1 $0x1082;
	[sflag:s4] =	ssyncset.s32 $0xFFFFF086  }
0x25: {  	[simem:s6], [sflag:s4] =	dma.local [hbm:s3], $0xF7A  }
0x26: {  	[smem:$0x3F81] =	sst s1;
	(tag) =	ssettag s2;
	_ =	strace s9  }
0x27: {  	s1 =	sld [smem:$0x3F91]  }
0x28: {  	s2 =	sld [smem:$0x3F92]  }
0x29: {  	s4 =	sld [smem:$0x3F94]  }
0x2a: {  	p0 =	seq.s32 s5, $0x0;
	s5 =	sld [smem:$0x3F95]  }
0x2b: {  	s6 =	sld [smem:$0x3F96]  }
0x2c: {  	s7 =	sld [smem:$0x3F97]  }
0x2d: {  	s3 =	simm.s32 $0x108;
	s8 =	sld [smem:$0x3F98]  }
0x2e: {  	s3 =	simm.s32 @!p0 $0x1082;
	s9 =	sld [smem:$0x3F99]  }
0x2f: {  	lr =	sadd.s32 s0, s3;
	s0 =	sld [smem:$0x3F90]  }
0x30: {  	s3 =	sld [smem:$0x3F93]  }
0x31: {  	[smem:$0x3F9C] =	sst s10  }
0x32: {  	s10 =	sld [smem:$0x3F9A];
	_ =	sdelay $0x3  }
0x33: {  	p0 =	seq.s32 s10, $0x1;
	s10 =	sld [smem:$0x3F9C];
	_ =	sdelay $0x3  }
0x34: {  	[smem:$0x3F9C] =	sst s10  }
0x35: {  	s10 =	sld [smem:$0x3F9B];
	_ =	sdelay $0x3  }
0x36: {  	p1 =	seq.s32 s10, $0x1;
	s10 =	sld [smem:$0x3F9C];
	_ =	sdelay $0x3  }
0x37: {  	[smem:$0x3F9C] =	sst s10  }
0x38: {  	s10 =	sld [smem:$0x3F9D]  }
0x39: {  	_ = 	snop;
	(pc) =	sbr.ind lr, $3  }
0x3a: {  	_ = 	snop  }
0x3b: {  	_ = 	snop  }
0x3c: {  	p2 =	seq.s32 s10, $0x1;
	s10 =	sld [smem:$0x3F9C]  }
0x3d: {  	_ =	shalt  }
0x3e: {  	_ =	shalt  }
0x3f: {  	_ =	shalt  }
0x40: {  	_ =	shalt  }
0x41: {  	_ =	shalt  }
0x42: {  	_ =	shalt  }
0x43: {  	_ =	shalt  }
0x44: {  	_ =	shalt  }
0x45: {  	_ =	shalt  }
0x46: {  	_ =	shalt  }
0x47: {  	_ =	shalt  }
0x48: {  	_ =	shalt  }
0x49: {  	_ =	shalt  }
0x4a: {  	_ =	shalt  }
0x4b: {  	_ =	shalt  }
0x4c: {  	_ =	shalt  }
0x4d: {  	_ =	shalt  }
0x4e: {  	_ =	shalt  }
0x4f: {  	_ =	shalt  }
0x50: {  	_ =	shalt  }
0x51: {  	_ =	shalt  }
0x52: {  	_ =	shalt  }
0x53: {  	_ =	shalt  }
0x54: {  	_ =	shalt  }
0x55: {  	_ =	shalt  }
0x56: {  	_ =	shalt  }
0x57: {  	_ =	shalt  }
0x58: {  	_ =	shalt  }
0x59: {  	_ =	shalt  }
0x5a: {  	_ =	shalt  }
0x5b: {  	_ =	shalt  }
0x5c: {  	_ =	shalt  }
0x5d: {  	_ =	shalt  }
0x5e: {  	_ =	shalt  }
0x5f: {  	_ =	shalt  }
0x60: {  	_ =	shalt  }
0x61: {  	_ =	shalt  }
0x62: {  	_ =	shalt  }
0x63: {  	_ =	shalt  }
0x64: {  	_ =	shalt  }
0x65: {  	_ =	shalt  }
0x66: {  	_ =	shalt  }
0x67: {  	_ =	shalt  }
0x68: {  	_ =	shalt  }
0x69: {  	_ =	shalt  }
0x6a: {  	_ =	shalt  }
0x6b: {  	_ =	shalt  }
0x6c: {  	_ =	shalt  }
0x6d: {  	_ =	shalt  }
0x6e: {  	_ =	shalt  }
0x6f: {  	_ =	shalt  }
0x70: {  	_ =	shalt  }
0x71: {  	_ =	shalt  }
0x72: {  	_ =	shalt  }
0x73: {  	_ =	shalt  }
0x74: {  	_ =	shalt  }
0x75: {  	_ =	shalt  }
0x76: {  	_ =	shalt  }
0x77: {  	_ =	shalt  }
0x78: {  	_ =	shalt  }
0x79: {  	_ =	shalt  }
0x7a: {  	_ =	shalt  }
0x7b: {  	_ =	shalt  }
0x7c: {  	_ =	shalt  }
0x7d: {  	_ =	shalt  }
0x7e: {  	_ =	shalt  }
0x7f: {  	_ =	shalt  }
0x80: {  	_ =	shalt  }
0x81: {  	_ =	shalt  }
0x82: {  	_ =	shalt  }
0x83: {  	_ =	shalt  }
0x84: {  	_ =	shalt  }
0x85: {  	_ =	shalt  }
0x86: {  	_ =	shalt  }
0x87: {  	_ =	shalt  }
.Lfunc_end0:
.L_simem_size_0:
called_computation.2_lowered:
.L_overlay_start_0:
0x88: {  	s2 =	sld [smem:$0x3FD9]  }
0x89: {  	s3 =	sld [smem:$0x3FFE];
	_ =	sdelay $0x1  }
0x8a: {  	s1 =	srdreg.scid  }
0x8b: {  	s0 =	sand.u32 $0x1, s1  }
0x8c: {  	s17 =	sshll.u32 s0, $0xA;
	s2 =	sadd.s32 s3, s2  }
0x8d: {  	s2 =	sadd.s32 s2, s17  }
0x8e: {  	[smem:$0x3FA8] =	sst s2  }
0x8f: {  	_ = 	snop  }
0x90: {  	s2 =	sld [smem:$0x3FD0];
	(tm) =	ssettm $0x1  }
0x91: {  	s18 =	sld [smem:$0x3FFB];
	_ =	sdelay $0x3  }
0x92: {  	_ =	strace s18  }
0x93: {  	s3 =	sld [smem:$0x3FFC];
	_ =	sdelay $0x3  }
0x94: {  	_ =	strace s3  }
0x95: {  	s3 =	sld [smem:$0x3FFD];
	_ =	sdelay $0x3  }
0x96: {  	_ =	strace s3  }
0x97: {  	_ =	strace $0x8FFFFFFF  }
0x98: {  	s19 =	sld [smem:$0x3FDB];
	_ =	sdelay $0x1  }
0x99: {  	s4 =	simm.s32 $_scs_section_size  }
0x9a: {  	s5 =	simm.s32 $_size__tile_overlayer_lowered;
	s6 =	simm.s32 $_tile_overlayer_lowered  }
0x9b: {  	s22 =	simm.s32 $0x1BFF;
	s21 =	sshll.u32 s6, $0x1;
	s3 =	sadd.s32 s4, s19  }
0x9c: {  	s7 =	simm.s32 $0x0;
	s20 =	sshll.u32 s5, $0x1;
	s5 =	sadd.s32 s21, s3  }
0x9d: {  	[timem:s7], [sflag:s22] =	dma.local [hbm:s5], s20  }
0x9e: {  	_ =	swait.ge [sflag:s22], s20  }
0x9f: {  	s4 =	ssub.s32 $0x0, s20;
	[sflag:s22] =	ssyncset.done $0x0  }
0xa0: {  	[sflag:s22] =	ssyncadd.s32 s4;
	_ =	sdelay $0x1  }
0xa1: {  	s23 =	simm.s32 $0x1B8B  }
0xa2: {  	_ =	swait.ge [sflag:s23], $0x1  }
0xa3: {  	[sflag:s23] =	ssyncset.done $0x0  }
0xa4: {  	s25 =	simm.s32 $0x1B8E;
	s24 =	sld [smem:$0x3FFE];
	[sflag:s23] =	ssyncadd.s32 $0xFFFFFFFF  }
0xa5: {  	s26 =	simm.s32 $execute0_lowered;
	[smem:$0x3FD2] =	sst s25  }
0xa6: {  	s5 =	sshll.u32 s26, $0x1;
	_ =	strace $0x8000004C;
	[dreg:$0x1] =	wrdreg $0xFFFFFFFF  }
0xa7: {  	s28 =	simm.s32 $_size_execute0_lowered;
	s3 =	sadd.s32 s3, s5;
	[dreg:$0x0] =	wrdreg $0x0  }
0xa8: {  	s5 =	sshll.u32 s28, $0x1;
	[dreg:$0x2] =	wrdreg s3  }
0xa9: {  	[dreg:$0x3] =	wrdreg s5  }
0xaa: {  	[dreg:$0x4] =	wrdreg $0xC0  }
0xab: {  	_ =	task [dreg:s7], $0x5FFFF  }
0xac: {  	[dreg:$0x1] =	wrdreg $0xFFFFFFFF  }
0xad: {  	[dreg:$0x0] =	wrdreg $0x60  }
0xae: {  	[dreg:$0x2] =	wrdreg s2  }
0xaf: {  	[dreg:$0x3] =	wrdreg s24  }
0xb0: {  	[dreg:$0x4] =	wrdreg $0x9  }
0xb1: {  	_ =	task.clear_ibuf [dreg:s7], $0x5FFFF;
	_ =	strace $0x9000004C  }
0xb2: {  	s29 =	simm.s32 $0x9;
	_ =	strace $0x8000004E  }
0xb3: {  	_ =	swait.ge [sflag:s29], $0x1  }
0xb4: {  	[sflag:s29] =	ssyncadd.s32 $0xFFFFFFFF  }
0xb5: {  	_ =	strace $0x9000004E  }
0xb6: {  	_ =	sfence  }
0xb7: {  	s30 =	sld [smem:$0x0];
	_ =	sdelay $0x2  }
0xb8: {  	s31 =	sshll.u32 s1, $0xD;
	s1 =	sshrl.u32 s1, $0x2  }
0xb9: {  	s3 =	sand.u32 $0x4000, s31;
	s1 =	sadd.s32 s1, s30  }
0xba: {  	s0 =	sor.u32 s3, s0;
	s1 =	sshll.u32 s1, $0x11  }
0xbb: {  	s0 =	sor.u32 s1, s0  }
0xbc: {  	s0 =	sadd.s32 $0x8F2B, s0  }
0xbd: {  	[sflag:s0] =	ssyncadd.remote.s32 $0x1  }
0xbe: {  	_ =	sfence.sel $0xFFFF  }
0xbf: {  	[dreg:$0x0] =	wrdreg $0xFFFFFFFF;
	(pc) =	sbr.abs _section_cstart, $3  }
0xc0: {  	[dreg:$0x1] =	wrdreg $0xFFFFFFFF  }
0xc1: {  	_ =	task.clear_ibuf [dreg:s7], $0x2FFFF;
	_ =	strace $0x9FFFFFFF  }
0xc2: {  	(tm) =	ssettm $0x7FFFFFFF  }
0xc3: {  	_ =	shalt  }
tec
execute0_lowered:
.L_overlay_start_1:
0x0: {  	(tag) =	ssettag $0x1  }
0x1: {  	s2 =	rddreg [dreg:$0x0];
	s1 =	srdreg.scid  }
0x2: {  	s0 =	stileid.u32;
	s4 =	rddreg [dreg:$0x1]  }
0x3: {  	s3 =	simm.s32 $0x0;
	s10 =	simm.s32 $0x2780;
	s11 =	simm.s32 $0x50  }
0x4: {  	s12 =	simm.s32 $0x4F00;
	s13 =	simm.s32 $0x7700;
	s14 =	simm.s32 $0x1  }
0x5: {  	s15 =	simm.s32 $0x2;
	s5 =	sand.u32 $0x1, s1;
	s6 =	sshll.u32 s0, $0x1  }
0x6: {  	s1 =	rddreg [dreg:$0x2];
	s7 =	smul.u32 $0x4E200, s0;
	s6 =	sor.u32 s5, s6  }
0x7: {  	s16 =	simm.s32 $0x0;
	[smem:$0x7FF] =	sst s3;
	s6 =	smul.u32 $0x2710, s6  }
0x8: {  	_ =	strace $0x8000004D;
	s8 =	ssub.s32 $0x2, s5;
	s5 =	smul.u32 $0x27100, s5  }
0x9: {  	s7 =	sadd.s32 s7, s4;
	s31 =	sshrl.u32 s8, $0x1;
	s6 =	sshrl.u32 s6, $0x3  }
0xa: {  	s8 =	ssub.s32 s8, s31;
	s9 =	sadd.s32 s5, s7;
	s6 =	sadd.s32 s6, s4  }
0xb: {  	s7 =	sadd.s32 $0x41400, s9;
	s4 =	sadd.s32 $0x10400, s6;
	s5 =	sadd.s32 $0x6600, s6  }
0xc: {  	s6 =	smax.u32 s8, $0x1;
	s8 =	sadd.s32 $0x523400, s9;
	s9 =	simm.s32 $0x3  }
.LBB2_1:
0xd: {  	[tilespmem:s3], [sflag:$0x3] =	stream.linear.gather [hbm4b:s4+s3], $0x2710, $0x38;
	[tilespmem:$0x9F00] =	vst v63  }
0xe: {  	_ =	swait.ge [sflag:s9], $0x2710  }
0xf: {  	[sflag:s9] =	ssyncset.done $0x0  }
0x10: {  	[sflag:s9] =	ssyncadd.s32 $0xFFFFD8F0  }
0x11: {  	[tilespmem:s10], [sflag:$0x3] =	stream.linear.gather [hbm4b:s5+s3], $0x2710, $0x38;
	[tilespmem:$0x9F00] =	vst v63  }
0x12: {  	_ =	swait.ge [sflag:s9], $0x2710  }
0x13: {  	[sflag:s9] =	ssyncset.done $0x0  }
0x14: {  	s17 =	simm.s32 $0x0;
	[sflag:s9] =	ssyncadd.s32 $0xFFFFD8F0  }
0x15: {  	[tilespmem:s12], [sflag:$0x1] =	stream.indirect.gather [hbm4b:s2+s11], $0x80, s17, s11, $0xb8;
	[tilespmem:$0x9F00] =	vst v63  }
0x16: {  	s31 =	simm.s32 $0x2780  }
0x17: {  	[tilespmem:s13], [sflag:$0x2] =	stream.indirect.gather [hbm4b:s2+s11], $0x80, s31, s11, $0xb8;
	[tilespmem:$0x9F00] =	vst v63  }
0x18: {  	_ =	swait.ge [sflag:s14], $0x2800  }
0x19: {  	[sflag:s14] =	ssyncset.done $0x0  }
0x1a: {  	[sflag:s14] =	ssyncadd.s32 $0xFFFFD800  }
0x1b: {  	_ =	swait.ge [sflag:s15], $0x2800  }
0x1c: {  	[sflag:s15] =	ssyncset.done $0x0  }
0x1d: {  	[sflag:s15] =	ssyncadd.s32 $0xFFFFD800  }
0x1e: {  	[hbm4b:s7+s3] =	stream.linear.scatter [tilespmem:s12], [sflag:$0x3], $0x2800, $0x38;
	[tilespmem:$0x9F00] =	vst v63  }
0x1f: {  	_ =	swait.ge [sflag:s9], $0x2800  }
0x20: {  	[sflag:s9] =	ssyncset.done $0x0  }
0x21: {  	[sflag:s9] =	ssyncadd.s32 $0xFFFFD800  }
0x22: {  	[hbm4b:s8+s3] =	stream.linear.scatter [tilespmem:s13], [sflag:$0x3], $0x2800, $0x38;
	[tilespmem:$0x9F00] =	vst v63  }
0x23: {  	s19 =	simm.s32 $0x140;
	s20 =	simm.s32 $0x280;
	_ =	swait.ge [sflag:s9], $0x2800  }
0x24: {  	s18 =	sadd.s32 $0x500, s7;
	s17 =	sadd.s32 $0x500, s8;
	[sflag:s9] =	ssyncset.done $0x0  }
.LBB2_2:
0x25: {  	s21 =	sshra.s32 s19, $0x2  }
0x26: {  	[sflag:s9] =	ssyncadd.s32 $0xFFFFD800;
	s19 =	smov.u32 s20;
	s22 =	sadd.s32 $0x140, s20  }
0x27: {  	[tilespmem:s12], [sflag:$0x1] =	stream.indirect.gather [hbm4b:s2+s11], $0x80, s21, s11, $0xb8;
	[tilespmem:$0x9F00] =	vst v63  }
0x28: {  	p0 =	sne.s32 s20, $0x9B00;
	s20 =	sadd.s32 $0x2780, s21  }
0x29: {  	[tilespmem:s13], [sflag:$0x2] =	stream.indirect.gather [hbm4b:s2+s11], $0x80, s20, s11, $0xb8;
	[tilespmem:$0x9F00] =	vst v63  }
0x2a: {  	_ =	swait.ge [sflag:s14], $0x2800  }
0x2b: {  	[sflag:s14] =	ssyncset.done $0x0  }
0x2c: {  	[sflag:s14] =	ssyncadd.s32 $0xFFFFD800  }
0x2d: {  	_ =	swait.ge [sflag:s15], $0x2800  }
0x2e: {  	[sflag:s15] =	ssyncset.done $0x0  }
0x2f: {  	[sflag:s15] =	ssyncadd.s32 $0xFFFFD800  }
0x30: {  	[hbm4b:s18+s3] =	stream.linear.scatter [tilespmem:s12], [sflag:$0x3], $0x2800, $0x38;
	[tilespmem:$0x9F00] =	vst v63  }
0x31: {  	_ =	swait.ge [sflag:s9], $0x2800  }
.Ltmp0:
0x32: {  	[sflag:s9] =	ssyncset.done $0x0;
	(pc) =	sbr.rel @p0 .LBB2_2-.Ltmp0, $4  }
0x33: {  	[sflag:s9] =	ssyncadd.s32 $0xFFFFD800  }
0x34: {  	[hbm4b:s17+s3] =	stream.linear.scatter [tilespmem:s13], [sflag:$0x3], $0x2800, $0x38;
	[tilespmem:$0x9F00] =	vst v63  }
0x35: {  	s20 =	smov.u32 s22;
	_ =	swait.ge [sflag:s9], $0x2800  }
0x36: {  	s18 =	sadd.s32 $0x500, s18;
	s17 =	sadd.s32 $0x500, s17;
	[sflag:s9] =	ssyncset.done $0x0  }
0x37: {  	s19 =	sshra.s32 s19, $0x2;
	[sflag:s9] =	ssyncadd.s32 $0xFFFFD800  }
0x38: {  	[tilespmem:s12], [sflag:$0x1] =	stream.indirect.gather [hbm4b:s2+s11], $0x80, s19, s11, $0xb8;
	[tilespmem:$0x9F00] =	vst v63  }
0x39: {  	s19 =	sadd.s32 $0x2780, s19  }
0x3a: {  	[tilespmem:s13], [sflag:$0x2] =	stream.indirect.gather [hbm4b:s2+s11], $0x80, s19, s11, $0xb8;
	[tilespmem:$0x9F00] =	vst v63  }
0x3b: {  	_ =	swait.ge [sflag:s14], $0x2800  }
0x3c: {  	[sflag:s14] =	ssyncset.done $0x0  }
0x3d: {  	[sflag:s14] =	ssyncadd.s32 $0xFFFFD800  }
0x3e: {  	_ =	swait.ge [sflag:s15], $0x2800  }
0x3f: {  	[sflag:s15] =	ssyncset.done $0x0  }
0x40: {  	[sflag:s15] =	ssyncadd.s32 $0xFFFFD800  }
0x41: {  	[hbm4b:s18+s3] =	stream.linear.scatter [tilespmem:s12], [sflag:$0x3], $0x2800, $0x38;
	[tilespmem:$0x9F00] =	vst v63  }
0x42: {  	s16 =	sadd.s32 $0x1, s16;
	_ =	swait.ge [sflag:s9], $0x2800  }
0x43: {  	p0 =	sne.s32 s16, s6;
	[sflag:s9] =	ssyncset.done $0x0  }
.Ltmp1:
0x44: {  	[sflag:s9] =	ssyncadd.s32 $0xFFFFD800;
	(pc) =	sbr.rel @p0 .LBB2_1-.Ltmp1, $4  }
0x45: {  	[hbm4b:s17+s3] =	stream.linear.scatter [tilespmem:s13], [sflag:$0x3], $0x2800, $0x38;
	[tilespmem:$0x9F00] =	vst v63  }
0x46: {  	_ =	swait.ge [sflag:s9], $0x2800  }
0x47: {  	[sflag:s9] =	ssyncset.done $0x0  }
0x48: {  	[sflag:s9] =	ssyncadd.s32 $0xFFFFD800  }
0x49: {  	_ =	sfence.sel $0x180000  }
0x4a: {  	[bflag:$0x0] =	sbarrier.arrive $0xFFFF  }
0x4b: {  	p0 =	sne.s32 s0, $0x0;
	_ =	strace $0x9000004D  }
0x4c: {  	s0 =	sadd.s32 @!p0 $0x100000, s1;
	[bflag:$0x2] =	sbarrier.arrive $0xFFFF  }
0x4d: {  	[sflag:s0] =	ssyncadd.tile.s32 @!p0 $0x1;
	_ =	shalt  }
.Lfunc_end2:
_tile_overlayer_lowered:
.L_overlay_start_2:
0x4e: {  	(tag) =	ssettag $0x2  }
0x4f: {  	s0 =	rddreg [dreg:$0x0];
	s2 =	stileid.u32  }
0x50: {  	s1 =	rddreg [dreg:$0x1];
	p0 =	sne.s32 s2, $0x0  }
0x51: {  	s3 =	rddreg [dreg:$0x2];
	[bflag:$0x3] =	sbarrier.arrive $0xFFFF;
	s2 =	simm.s32 @!p0 $0x1C03  }
0x52: {  	[timem:s3], [sflag:s2] =	dma.local @!p0 [hbm:s0], s1  }
0x53: {  	s0 =	simm.s32 @!p0 $0x3  }
0x54: {  	_ =	swait.ge @!p0 [sflag:s0], s1  }
0x55: {  	s1 =	ssub.s32 @!p0 $0x0, s1;
	[sflag:s0] =	ssyncset.done @!p0 $0x0  }
0x56: {  	[sflag:s0] =	ssyncadd.s32 @!p0 s1  }
0x57: {  	[bflag:$0x3] =	sbarrier.arrive $0xFFFF  }
0x58: {  	_ =	shalt  }

// kernel: kernel.20.cloned.1.call-start
scs
__scs_entry_jumppad:
0x0: {  	(pc) =	sbr.rel $0x88, $3  }
0x1: {  	(tag) =	ssettag $0x0;
	lr =	simm.s32 $0x1  }
0x2: {  	[smem:$0x3F81] =	sst lr;
	_ =	strace $0xD0000000  }
0x3: {  	_ = 	snop  }
0x4: {  	_ = 	snop  }
0x5: {  	_ = 	snop  }
0x6: {  	_ = 	snop  }
0x7: {  	_ = 	snop  }
__scs_overlays_trampoline_lowered:
0x8: {  	[smem:$0x3F90] =	sst s0  }
0x9: {  	[smem:$0x3F91] =	sst s1  }
0xa: {  	[smem:$0x3F92] =	sst s2  }
0xb: {  	[smem:$0x3F93] =	sst s3  }
0xc: {  	[smem:$0x3F94] =	sst s4  }
0xd: {  	[smem:$0x3F95] =	sst s5  }
0xe: {  	[smem:$0x3F96] =	sst s6  }
0xf: {  	[smem:$0x3F97] =	sst s7  }
0x10: {  	[smem:$0x3F98] =	sst s8  }
0x11: {  	[smem:$0x3F99] =	sst s9;
	s0 =	simm.s32 @!p0 $0x0  }
0x12: {  	s1 =	sld [smem:$0x3F7F];
	s0 =	simm.s32 @p0 $0x1  }
0x13: {  	[smem:$0x3F9A] =	sst s0;
	s0 =	simm.s32 @!p1 $0x0  }
0x14: {  	s2 =	sld [smem:$0x3F7E];
	s0 =	simm.s32 @p1 $0x1  }
0x15: {  	[smem:$0x3F9B] =	sst s0;
	s0 =	simm.s32 @!p2 $0x0  }
0x16: {  	s3 =	sld [smem:$0x3FDB];
	s0 =	simm.s32 @p2 $0x1  }
0x17: {  	s4 =	simm.s32 $0x1BF5;
	[smem:$0x3F9D] =	sst s0  }
0x18: {  	s0 =	sld [smem:$0x3F80];
	_ =	swait.ge [sflag:s4], $0x0  }
0x19: {  	s7 =	sld [smem:$0x3F81]  }
0x1a: {  	s8 =	sadd.s32 $0xFFFFE003, lr  }
0x1b: {  	s9 =	sadd.s32 $0xFFFFFEF7, lr;
	s5 =	simm.s32 $0xFFFFFFFF;
	p2 =	slt.u32 s8, $0xFFFFF086  }
0x1c: {  	p1 =	slt.u32 s9, $0xF7A;
	s5 =	simm.s32 @!p2 $0x0  }
0x1d: {  	s5 =	simm.s32 @p1 $0x1;
	p0 =	seq.s32 s7, s2  }
0x1e: {  	s7 =	smul.u32 @!p0 $0xF7A, s2;
	p2 =	seq.s32 @!p0 s5, $0x0  }
0x1f: {  	s9 =	smul.u32 $0xF7A, s1;
	s8 =	simm.s32 @!p0 $0x1BF5;
	p2 =	por !p2, p0  }
0x20: {  	[sflag:s8] =	ssyncset.s32 @!p0 $0xFFFFF086;
	s6 =	sadd.s32 @!p0 s3, s7;
	s7 =	simm.s32 @!p0 $0x108  }
0x21: {  	s3 =	sadd.s32 s3, s9;
	s6 =	sadd.s32 @!p0 $0x88, s6;
	s7 =	simm.s32 @p2 $0x1082  }
0x22: {  	[simem:s7], [sflag:s8] =	dma.local @!p0 [hbm:s6], $0xF7A  }
0x23: {  	s9 =	sor.u32 $0xD0000000, s2;
	s6 =	simm.s32 $0x108;
	_ =	swait.ge @!p0 [sflag:s8], $0x0  }
0x24: {  	s3 =	sadd.s32 $0x88, s3;
	s6 =	simm.s32 @!p1 $0x1082;
	[sflag:s4] =	ssyncset.s32 $0xFFFFF086  }
0x25: {  	[simem:s6], [sflag:s4] =	dma.local [hbm:s3], $0xF7A  }
0x26: {  	[smem:$0x3F81] =	sst s1;
	(tag) =	ssettag s2;
	_ =	strace s9  }
0x27: {  	s1 =	sld [smem:$0x3F91]  }
0x28: {  	s2 =	sld [smem:$0x3F92]  }
0x29: {  	s4 =	sld [smem:$0x3F94]  }
0x2a: {  	p0 =	seq.s32 s5, $0x0;
	s5 =	sld [smem:$0x3F95]  }
0x2b: {  	s6 =	sld [smem:$0x3F96]  }
0x2c: {  	s7 =	sld [smem:$0x3F97]  }
0x2d: {  	s3 =	simm.s32 $0x108;
	s8 =	sld [smem:$0x3F98]  }
0x2e: {  	s3 =	simm.s32 @!p0 $0x1082;
	s9 =	sld [smem:$0x3F99]  }
0x2f: {  	lr =	sadd.s32 s0, s3;
	s0 =	sld [smem:$0x3F90]  }
0x30: {  	s3 =	sld [smem:$0x3F93]  }
0x31: {  	[smem:$0x3F9C] =	sst s10  }
0x32: {  	s10 =	sld [smem:$0x3F9A];
	_ =	sdelay $0x3  }
0x33: {  	p0 =	seq.s32 s10, $0x1;
	s10 =	sld [smem:$0x3F9C];
	_ =	sdelay $0x3  }
0x34: {  	[smem:$0x3F9C] =	sst s10  }
0x35: {  	s10 =	sld [smem:$0x3F9B];
	_ =	sdelay $0x3  }
0x36: {  	p1 =	seq.s32 s10, $0x1;
	s10 =	sld [smem:$0x3F9C];
	_ =	sdelay $0x3  }
0x37: {  	[smem:$0x3F9C] =	sst s10  }
0x38: {  	s10 =	sld [smem:$0x3F9D]  }
0x39: {  	_ = 	snop;
	(pc) =	sbr.ind lr, $3  }
0x3a: {  	_ = 	snop  }
0x3b: {  	_ = 	snop  }
0x3c: {  	p2 =	seq.s32 s10, $0x1;
	s10 =	sld [smem:$0x3F9C]  }
0x3d: {  	_ =	shalt  }
0x3e: {  	_ =	shalt  }
0x3f: {  	_ =	shalt  }
0x40: {  	_ =	shalt  }
0x41: {  	_ =	shalt  }
0x42: {  	_ =	shalt  }
0x43: {  	_ =	shalt  }
0x44: {  	_ =	shalt  }
0x45: {  	_ =	shalt  }
0x46: {  	_ =	shalt  }
0x47: {  	_ =	shalt  }
0x48: {  	_ =	shalt  }
0x49: {  	_ =	shalt  }
0x4a: {  	_ =	shalt  }
0x4b: {  	_ =	shalt  }
0x4c: {  	_ =	shalt  }
0x4d: {  	_ =	shalt  }
0x4e: {  	_ =	shalt  }
0x4f: {  	_ =	shalt  }
0x50: {  	_ =	shalt  }
0x51: {  	_ =	shalt  }
0x52: {  	_ =	shalt  }
0x53: {  	_ =	shalt  }
0x54: {  	_ =	shalt  }
0x55: {  	_ =	shalt  }
0x56: {  	_ =	shalt  }
0x57: {  	_ =	shalt  }
0x58: {  	_ =	shalt  }
0x59: {  	_ =	shalt  }
0x5a: {  	_ =	shalt  }
0x5b: {  	_ =	shalt  }
0x5c: {  	_ =	shalt  }
0x5d: {  	_ =	shalt  }
0x5e: {  	_ =	shalt  }
0x5f: {  	_ =	shalt  }
0x60: {  	_ =	shalt  }
0x61: {  	_ =	shalt  }
0x62: {  	_ =	shalt  }
0x63: {  	_ =	shalt  }
0x64: {  	_ =	shalt  }
0x65: {  	_ =	shalt  }
0x66: {  	_ =	shalt  }
0x67: {  	_ =	shalt  }
0x68: {  	_ =	shalt  }
0x69: {  	_ =	shalt  }
0x6a: {  	_ =	shalt  }
0x6b: {  	_ =	shalt  }
0x6c: {  	_ =	shalt  }
0x6d: {  	_ =	shalt  }
0x6e: {  	_ =	shalt  }
0x6f: {  	_ =	shalt  }
0x70: {  	_ =	shalt  }
0x71: {  	_ =	shalt  }
0x72: {  	_ =	shalt  }
0x73: {  	_ =	shalt  }
0x74: {  	_ =	shalt  }
0x75: {  	_ =	shalt  }
0x76: {  	_ =	shalt  }
0x77: {  	_ =	shalt  }
0x78: {  	_ =	shalt  }
0x79: {  	_ =	shalt  }
0x7a: {  	_ =	shalt  }
0x7b: {  	_ =	shalt  }
0x7c: {  	_ =	shalt  }
0x7d: {  	_ =	shalt  }
0x7e: {  	_ =	shalt  }
0x7f: {  	_ =	shalt  }
0x80: {  	_ =	shalt  }
0x81: {  	_ =	shalt  }
0x82: {  	_ =	shalt  }
0x83: {  	_ =	shalt  }
0x84: {  	_ =	shalt  }
0x85: {  	_ =	shalt  }
0x86: {  	_ =	shalt  }
0x87: {  	_ =	shalt  }
.Lfunc_end0:
.L_simem_size_0:
called_computation.3_lowered:
.L_overlay_start_0:
0x88: {  	s2 =	sld [smem:$0x3FD9]  }
0x89: {  	s3 =	sld [smem:$0x3FFE];
	_ =	sdelay $0x1  }
0x8a: {  	s1 =	srdreg.scid  }
0x8b: {  	s0 =	sand.u32 $0x1, s1  }
0x8c: {  	s17 =	sshll.u32 s0, $0xA;
	s2 =	sadd.s32 s3, s2  }
0x8d: {  	s2 =	sadd.s32 s2, s17  }
0x8e: {  	[smem:$0x3FA8] =	sst s2  }
0x8f: {  	_ = 	snop  }
0x90: {  	s2 =	sld [smem:$0x3FD0];
	(tm) =	ssettm $0x1  }
0x91: {  	s18 =	sld [smem:$0x3FFB];
	_ =	sdelay $0x3  }
0x92: {  	_ =	strace s18  }
0x93: {  	s3 =	sld [smem:$0x3FFC];
	_ =	sdelay $0x3  }
0x94: {  	_ =	strace s3  }
0x95: {  	s3 =	sld [smem:$0x3FFD];
	_ =	sdelay $0x3  }
0x96: {  	_ =	strace s3  }
0x97: {  	_ =	strace $0x8FFFFFFF  }
0x98: {  	s19 =	sld [smem:$0x3FDB];
	_ =	sdelay $0x1  }
0x99: {  	s4 =	simm.s32 $_scs_section_size  }
0x9a: {  	s5 =	simm.s32 $_size__tile_overlayer_lowered;
	s6 =	simm.s32 $_tile_overlayer_lowered  }
0x9b: {  	s22 =	simm.s32 $0x1BFF;
	s21 =	sshll.u32 s6, $0x1;
	s3 =	sadd.s32 s4, s19  }
0x9c: {  	s7 =	simm.s32 $0x0;
	s20 =	sshll.u32 s5, $0x1;
	s5 =	sadd.s32 s21, s3  }
0x9d: {  	[timem:s7], [sflag:s22] =	dma.local [hbm:s5], s20  }
0x9e: {  	_ =	swait.ge [sflag:s22], s20  }
0x9f: {  	s4 =	ssub.s32 $0x0, s20;
	[sflag:s22] =	ssyncset.done $0x0  }
0xa0: {  	[sflag:s22] =	ssyncadd.s32 s4;
	_ =	sdelay $0x1  }
0xa1: {  	s23 =	simm.s32 $0x1B8B  }
0xa2: {  	_ =	swait.ge [sflag:s23], $0x1  }
0xa3: {  	[sflag:s23] =	ssyncset.done $0x0  }
0xa4: {  	s25 =	simm.s32 $0x1B8E;
	s24 =	sld [smem:$0x3FFE];
	[sflag:s23] =	ssyncadd.s32 $0xFFFFFFFF  }
0xa5: {  	s26 =	simm.s32 $execute0_lowered;
	[smem:$0x3FD2] =	sst s25  }
0xa6: {  	s5 =	sshll.u32 s26, $0x1;
	_ =	strace $0x8000004F;
	[dreg:$0x1] =	wrdreg $0xFFFFFFFF  }
0xa7: {  	s28 =	simm.s32 $_size_execute0_lowered;
	s3 =	sadd.s32 s3, s5;
	[dreg:$0x0] =	wrdreg $0x0  }
0xa8: {  	s5 =	sshll.u32 s28, $0x1;
	[dreg:$0x2] =	wrdreg s3  }
0xa9: {  	[dreg:$0x3] =	wrdreg s5  }
0xaa: {  	[dreg:$0x4] =	wrdreg $0xC0  }
0xab: {  	_ =	task [dreg:s7], $0x5FFFF  }
0xac: {  	[dreg:$0x1] =	wrdreg $0xFFFFFFFF  }
0xad: {  	[dreg:$0x0] =	wrdreg $0x60  }
0xae: {  	[dreg:$0x2] =	wrdreg s24  }
0xaf: {  	[dreg:$0x3] =	wrdreg s2  }
0xb0: {  	[dreg:$0x4] =	wrdreg $0x9  }
0xb1: {  	_ =	task.clear_ibuf [dreg:s7], $0x5FFFF;
	_ =	strace $0x9000004F  }
0xb2: {  	s29 =	simm.s32 $0x9;
	_ =	strace $0x80000051  }
0xb3: {  	_ =	swait.ge [sflag:s29], $0x1  }
0xb4: {  	[sflag:s29] =	ssyncadd.s32 $0xFFFFFFFF  }
0xb5: {  	_ =	strace $0x90000051  }
0xb6: {  	_ =	sfence  }
0xb7: {  	s30 =	sld [smem:$0x0];
	_ =	sdelay $0x2  }
0xb8: {  	s31 =	sshll.u32 s1, $0xD;
	s1 =	sshrl.u32 s1, $0x2  }
0xb9: {  	s3 =	sand.u32 $0x4000, s31;
	s1 =	sadd.s32 s1, s30  }
0xba: {  	s0 =	sor.u32 s3, s0;
	s1 =	sshll.u32 s1, $0x11  }
0xbb: {  	s0 =	sor.u32 s1, s0  }
0xbc: {  	s0 =	sadd.s32 $0x8F2B, s0  }
0xbd: {  	[sflag:s0] =	ssyncadd.remote.s32 $0x1  }
0xbe: {  	_ =	sfence.sel $0xFFFF  }
0xbf: {  	[dreg:$0x0] =	wrdreg $0xFFFFFFFF;
	(pc) =	sbr.abs _section_cstart, $3  }
0xc0: {  	[dreg:$0x1] =	wrdreg $0xFFFFFFFF  }
0xc1: {  	_ =	task.clear_ibuf [dreg:s7], $0x2FFFF;
	_ =	strace $0x9FFFFFFF  }
0xc2: {  	(tm) =	ssettm $0x7FFFFFFF  }
0xc3: {  	_ =	shalt  }
tec
execute0_lowered:
.L_overlay_start_1:
0x0: {  	(tag) =	ssettag $0x1  }
0x1: {  	s4 =	rddreg [dreg:$0x0]  }
0x2: {  	s1 =	srdreg.scid;
	s0 =	stileid.u32  }
0x3: {  	s5 =	rddreg [dreg:$0x1];
	s2 =	simm.s32 $0x0;
	s10 =	simm.s32 $0x80  }
0x4: {  	s11 =	simm.s32 $0x1200;
	s12 =	simm.s32 $0x1280;
	s13 =	simm.s32 $0x1  }
0x5: {  	s14 =	simm.s32 $0x5280;
	s3 =	sand.u32 $0x1, s1;
	s6 =	sshll.u32 s0, $0x1  }
0x6: {  	s15 =	simm.s32 $0x0;
	s1 =	rddreg [dreg:$0x2];
	s6 =	sor.u32 s3, s6  }
0x7: {  	[smem:$0x7FF] =	sst s2;
	s7 =	ssub.s32 $0x2, s3;
	s8 =	smul.u32 $0x140, s6  }
0x8: {  	v2 =	vlaneseq.u32;
	v3 =	vimm.f32 $-Inf;
	v4 =	vimm.s32 $0x0;
	_ =	strace $0x80000050;
	s9 =	sshrl.u32 s7, $0x1;
	s6 =	smul.u32 $0x1400, s6  }
0x9: {  	v5 =	vor.u32 $0x10, v2;
	v6 =	vor.u32 $0x20, v2;
	v7 =	vor.u32 $0x30, v2;
	s3 =	sadd.s32 $0xA05400, s4;
	s4 =	sadd.s32 $0x10400, s4;
	s7 =	ssub.s32 s7, s9  }
0xa: {  	v8 =	vor.u32 $0x40, v2;
	v9 =	vor.u32 $0x50, v2;
	v10 =	vor.u32 $0x60, v2;
	s9 =	simm.s32 $0x1100;
	s31 =	sadd.s32 $0x140, s8;
	s5 =	sadd.s32 s5, s6  }
0xb: {  	v11 =	vor.u32 $0x70, v2;
	v0 =	vmov s8;
	s6 =	smax.u32 s7, $0x1;
	s7 =	simm.s32 $0x2;
	s8 =	simm.s32 $0x1000;
	v1 =	vmov s31  }
.LBB2_1:
0xc: {  	s16 =	simm.s32 $0x200;
	s17 =	simm.s32 $0x0  }
.LBB2_2:
0xd: {  	p0 =	sne.s32 s16, $0x28000;
	[tilespmem:s17+$0x52B0] =	vst v3;
	s18 =	smov.u32 s16;
	s16 =	sadd.s32 $0x200, s16  }
.Ltmp0:
0xe: {  	[tilespmem:s17+$0x52A0] =	vst v3;
	(pc) =	sbr.rel @p0 .LBB2_2-.Ltmp0, $3  }
0xf: {  	[tilespmem:s17+$0x5280] =	vst v3  }
0x10: {  	[tilespmem:s17+$0x5290] =	vst v3;
	_ =	sdelay $0x1  }
0x11: {  	s17 =	sshra.s32 s18, $0x2  }
.Ltmp1:
0x12: {  	(pc) =	sbr.rel .LBB2_4-.Ltmp1, $4  }
0x13: {  	[tilespmem:s17+$0x52B0] =	vst v3  }
0x14: {  	[tilespmem:s17+$0x52A0] =	vst v3  }
0x15: {  	[tilespmem:s17+$0x5280] =	vst v3  }
0x16: {  	s16 =	simm.s32 $0x0;
	[tilespmem:s17+$0x5290] =	vst v3;
	s17 =	simm.s32 $0x0;
	s18 =	simm.s32 $0x0  }
.LBB2_10:
0x17: {  	s18 =	sadd.s32 $0x1, s18  }
0x18: {  	p0 =	sne.s32 s18, $0x50  }
.Ltmp2:
0x19: {  	_ = 	snop;
	(pc) =	sbr.rel @!p0 .LBB2_11-.Ltmp2, $1  }
0x1a: {  	_ =	sdelay $0x3  }
.LBB2_4:
0x1b: {  	s19 =	smul.u32 $0xFA0, s18;
	_ =	sdelay $0x1  }
0x1c: {  	s20 =	sshrl.u32 s19, $0x3  }
.Ltmp3:
0x1d: {  	s20 =	sadd.s32 s4, s20;
	(pc) =	sbr.rel .LBB2_5-.Ltmp3, $4  }
0x1e: {  	[tilespmem:s16], [sflag:$0x2] =	stream.linear.gather [hbm4b:s20+s16], $0xFA0, $0x38;
	[tilespmem:$0xF680] =	vst v63  }
0x1f: {  	_ =	swait.ge [sflag:s7], $0xFA0  }
0x20: {  	[sflag:s7] =	ssyncset.done $0x0  }
0x21: {  	s20 =	simm.s32 $0x0;
	[sflag:s7] =	ssyncadd.s32 $0xFFFFF060  }
.LBB2_8:
0x22: {  	s22 =	sshra.s32 s22, $0x2;
	[tilespmem:s24+$0x52B0] =	vst v12  }
0x23: {  	v12 =	vld [tilespmem:s22+$0x1100];
	_ =	sdelay $0x4  }
0x24: {  	(v2sf) =	vpush v12, $0x0;
	_ =	sdelay $0xe  }
0x25: {  	s31 =	spop (v2sf)  }
0x26: {  	s21 =	sadd.s32 $0x80, s21;
	s22 =	sshll.u32 s31, $0x9  }
0x27: {  	v56 =	vld [tilespmem:s21+$0xFFFFFFE0];
	s22 =	sshra.s32 s22, $0x2  }
0x28: {  	v13 =	vld [tilespmem:s22+$0x5280];
	_ =	sdelay $0x4  }
0x29: {  	v12 =	vmax.f32 v13, v56  }
0x2a: {  	v57 =	vld [tilespmem:s22+$0x5290];
	[tilespmem:s22+$0x5280] =	vst v12  }
0x2b: {  	v58 =	vld [tilespmem:s21+$0xFFFFFFF0];
	_ =	sdelay $0x4  }
0x2c: {  	v12 =	vmax.f32 v57, v58  }
0x2d: {  	v59 =	vld [tilespmem:s22+$0x52A0];
	[tilespmem:s22+$0x5290] =	vst v12  }
0x2e: {  	v60 =	vld [tilespmem:s21+$0x0];
	_ =	sdelay $0x4  }
0x2f: {  	v12 =	vmax.f32 v59, v60  }
0x30: {  	v61 =	vld [tilespmem:s22+$0x52B0];
	[tilespmem:s22+$0x52A0] =	vst v12  }
0x31: {  	v62 =	vld [tilespmem:s21+$0x10];
	_ =	sdelay $0x4  }
0x32: {  	v12 =	vmax.f32 v61, v62  }
0x33: {  	[tilespmem:s22+$0x52B0] =	vst v12  }
0x34: {  	v12 =	vld [tilespmem:$0x1080]  }
0x35: {  	v63 =	vld [tilespmem:$0x1180];
	_ =	sdelay $0x3  }
0x36: {  	[tilespmem:$0x1000] =	vst v12  }
0x37: {  	[tilespmem:$0x1100] =	vst v63  }
.LBB2_9:
0x38: {  	s20 =	sadd.s32 $0x1, s20  }
0x39: {  	p1 =	sne.s32 s20, $0xFA  }
.Ltmp4:
0x3a: {  	_ = 	snop;
	(pc) =	sbr.rel @!p1 .LBB2_10-.Ltmp4, $3  }
0x3b: {  	_ =	sdelay $0x1  }
0x3c: {  	p0 =	sgt.s32 s17, $0x7F;
	s21 =	sadd.s32 $0xFFFFFF80, s17  }
0x3d: {  	s17 =	smov.u32 @p0 s21  }
.LBB2_5:
0x3e: {  	s21 =	sshll.u32 s20, $0x4  }
0x3f: {  	v12 =	vld [tilespmem:s21+$0x0];
	_ =	sdelay $0x4  }
0x40: {  	vm0 =	vge.s32 v12, v0;
	vm1 =	vlt.s32 v12, v1  }
0x41: {  	vm0 =	vmand vm0, vm1  }
0x42: {  	v13 =	vmpcnt.ones.xlane vm0  }
0x43: {  	v14 =	vsel vm0, $0x1, v4  }
0x44: {  	(xrf0) =	vadd.scan.msk.s32 $0xffff, v14;
	v13 =	vxor.u32 $0x80000000, v13  }
0x45: {  	(xrf0) =	vmax.scan.msk.u32 $0xffff, v13;
	_ =	sdelay $0x4  }
0x46: {  	v60, _, _ =	vpop (xrf0)  }
0x47: {  	v61, _, _ =	vpop (xrf0)  }
0x48: {  	(v2sf) =	vpush v61, $0xF;
	_ =	sdelay $0xc  }
0x49: {  	v62 =	vmov s17  }
0x4a: {  	v14 =	vadd.s32 $0xFFFFFFFF, v62  }
0x4b: {  	v14 =	vbroadcast v14, $0x0;
	s22 =	spop (v2sf)  }
0x4c: {  	s31 =	sadd.s32 s22, s17  }
0x4d: {  	v13 =	vadd.s32 v60, v14;
	s17 =	sadd.s32 $0x80000000, s31  }
0x4e: {  	p0 =	slt.s32 s17, $0x80  }
.Ltmp5:
0x4f: {  	_ = 	snop;
	(pc) =	sbr.rel @p0 .LBB2_9-.Ltmp5, $4  }
0x50: {  	s21 =	sadd.s32 s19, s21  }
0x51: {  	v63 =	vor.u32 s21, v2  }
0x52: {  	v12 =	vsub.s32 v12, v0;
	[tilespmem:v13+s8+$0x0] =	vst.idx.msk vm0, v63  }
0x53: {  	[tilespmem:v13+s9+$0x0] =	vst.idx.msk vm0, v12  }
0x54: {  	v12 =	vld [tilespmem:$0x1000]  }
0x55: {  	v13 =	vld [tilespmem:$0x1010]  }
0x56: {  	v14 =	vld [tilespmem:$0x1020]  }
0x57: {  	v15 =	vld [tilespmem:$0x1030]  }
0x58: {  	v16 =	vld [tilespmem:$0x1040]  }
0x59: {  	[tilespmem:$0x1200] =	vst v12;
	v12 =	vld [tilespmem:$0x1050]  }
0x5a: {  	[tilespmem:$0x1210] =	vst v13;
	v13 =	vld [tilespmem:$0x1060]  }
0x5b: {  	[tilespmem:$0x1220] =	vst v14;
	v14 =	vld [tilespmem:$0x1070]  }
0x5c: {  	[tilespmem:$0x1230] =	vst v15  }
0x5d: {  	[tilespmem:$0x1240] =	vst v16  }
0x5e: {  	[tilespmem:$0x1250] =	vst v12  }
0x5f: {  	[tilespmem:$0x1260] =	vst v13  }
0x60: {  	[tilespmem:$0x1270] =	vst v14  }
0x61: {  	[tilespmem:s12], [sflag:$0x1] =	stream.indirect.gather [hbm4b:s3+s10], $0x80, s11, s10, $0xb8;
	[tilespmem:$0xF680] =	vst v63  }
0x62: {  	_ =	swait.ge [sflag:s13], $0x4000  }
0x63: {  	[sflag:s13] =	ssyncset.done $0x0  }
0x64: {  	s21 =	simm.s32 $0x0;
	[sflag:s13] =	ssyncadd.s32 $0xFFFFC000  }
0x65: {  	v12 =	vld [tilespmem:s21+$0x1100];
	_ =	sdelay $0x4  }
0x66: {  	(v2sf) =	vpush v12, $0x0;
	_ =	sdelay $0xe  }
0x67: {  	s22 =	spop (v2sf)  }
0x68: {  	s21 =	simm.s32 $0x12A0;
	s22 =	sshll.u32 s22, $0x9  }
0x69: {  	v12 =	vld [tilespmem:s21+$0xFFFFFFE0];
	s24 =	sshra.s32 s22, $0x2  }
0x6a: {  	v13 =	vld [tilespmem:s24+$0x5280];
	_ =	sdelay $0x4  }
0x6b: {  	v12 =	vmax.f32 v13, v12  }
0x6c: {  	[tilespmem:s24+$0x5280] =	vst v12;
	v12 =	vld [tilespmem:s24+$0x5290]  }
0x6d: {  	v13 =	vld [tilespmem:s21+$0xFFFFFFF0];
	_ =	sdelay $0x4  }
0x6e: {  	v12 =	vmax.f32 v12, v13  }
0x6f: {  	[tilespmem:s24+$0x5290] =	vst v12;
	v12 =	vld [tilespmem:s24+$0x52A0]  }
0x70: {  	v13 =	vld [tilespmem:s21+$0x0];
	_ =	sdelay $0x4  }
0x71: {  	v12 =	vmax.f32 v12, v13  }
0x72: {  	[tilespmem:s24+$0x52A0] =	vst v12;
	v12 =	vld [tilespmem:s24+$0x52B0]  }
0x73: {  	v13 =	vld [tilespmem:s21+$0x10];
	_ =	sdelay $0x4  }
0x74: {  	s25 =	simm.s32 $0x8;
	s22 =	simm.s32 $0x4;
	v12 =	vmax.f32 v12, v13  }
.LBB2_7:
0x75: {  	s26 =	sshra.s32 s22, $0x2  }
0x76: {  	[tilespmem:s24+$0x52B0] =	vst v12;
	s21 =	sadd.s32 $0x80, s21;
	s22 =	smov.u32 s25;
	s23 =	sadd.s32 $0x4, s25  }
0x77: {  	p0 =	sne.s32 s25, $0x1FC;
	v12 =	vld [tilespmem:s26+$0x1100];
	_ =	sdelay $0x4  }
0x78: {  	(v2sf) =	vpush v12, $0x0;
	_ =	sdelay $0xe  }
0x79: {  	s24 =	spop (v2sf)  }
0x7a: {  	s24 =	sshll.u32 s24, $0x9  }
0x7b: {  	s24 =	sshra.s32 s24, $0x2;
	v12 =	vld [tilespmem:s21+$0xFFFFFFE0]  }
0x7c: {  	v13 =	vld [tilespmem:s24+$0x5280];
	_ =	sdelay $0x4  }
0x7d: {  	v12 =	vmax.f32 v13, v12  }
0x7e: {  	[tilespmem:s24+$0x5280] =	vst v12;
	v12 =	vld [tilespmem:s24+$0x5290]  }
0x7f: {  	v13 =	vld [tilespmem:s21+$0xFFFFFFF0];
	_ =	sdelay $0x4  }
0x80: {  	v12 =	vmax.f32 v12, v13  }
0x81: {  	[tilespmem:s24+$0x5290] =	vst v12;
	v12 =	vld [tilespmem:s24+$0x52A0]  }
0x82: {  	v13 =	vld [tilespmem:s21+$0x0];
	_ =	sdelay $0x4  }
0x83: {  	v12 =	vmax.f32 v12, v13  }
0x84: {  	[tilespmem:s24+$0x52A0] =	vst v12;
	v12 =	vld [tilespmem:s24+$0x52B0]  }
0x85: {  	v13 =	vld [tilespmem:s21+$0x10]  }
.Ltmp6:
0x86: {  	(pc) =	sbr.rel @p0 .LBB2_7-.Ltmp6, $2  }
0x87: {  	_ =	sdelay $0x2  }
0x88: {  	s25 =	smov.u32 s23;
	v12 =	vmax.f32 v12, v13  }
.Ltmp7:
0x89: {  	_ = 	snop;
	(pc) =	sbr.rel .LBB2_8-.Ltmp7, $1  }
0x8a: {  	_ =	sdelay $0x3  }
.LBB2_11:
0x8b: {  	v12 =	vld [tilespmem:$0x1000]  }
0x8c: {  	v13 =	vld [tilespmem:$0x1100]  }
0x8d: {  	v14 =	vld [tilespmem:$0x1010]  }
0x8e: {  	v15 =	vmov s17;
	v16 =	vld [tilespmem:$0x1110]  }
0x8f: {  	v17 =	vld [tilespmem:$0x1020];
	vm0 =	vgt.s32 v15, v2  }
0x90: {  	v18 =	vld [tilespmem:$0x1120];
	v12 =	vnsel vm0, $0x0, v12  }
0x91: {  	vm9 =	vgt.s32 v15, v5;
	[tilespmem:$0x1000] =	vst v12;
	v12 =	vnsel vm0, $0x140, v13;
	v13 =	vld [tilespmem:$0x1030]  }
0x92: {  	[tilespmem:$0x1100] =	vst v12;
	v12 =	vnsel vm9, $0x0, v14;
	v14 =	vld [tilespmem:$0x1130]  }
0x93: {  	v57 =	vld [tilespmem:$0x1040];
	vm10 =	vgt.s32 v15, v6;
	[tilespmem:$0x1010] =	vst v12;
	v12 =	vnsel vm9, $0x140, v16  }
0x94: {  	v58 =	vld [tilespmem:$0x1140];
	[tilespmem:$0x1110] =	vst v12;
	v12 =	vnsel vm10, $0x0, v17  }
0x95: {  	v59 =	vld [tilespmem:$0x1050];
	vm11 =	vgt.s32 v15, v7;
	[tilespmem:$0x1020] =	vst v12;
	v12 =	vnsel vm10, $0x140, v18  }
0x96: {  	[tilespmem:$0x1120] =	vst v12;
	v12 =	vnsel vm11, $0x0, v13;
	v13 =	vld [tilespmem:$0x1150]  }
0x97: {  	vm12 =	vgt.s32 v15, v8;
	[tilespmem:$0x1030] =	vst v12;
	v12 =	vnsel vm11, $0x140, v14;
	v14 =	vld [tilespmem:$0x1060]  }
0x98: {  	v60 =	vld [tilespmem:$0x1160];
	[tilespmem:$0x1130] =	vst v12;
	v12 =	vnsel vm12, $0x0, v57  }
0x99: {  	v61 =	vld [tilespmem:$0x1070];
	vm13 =	vgt.s32 v15, v9;
	[tilespmem:$0x1040] =	vst v12;
	v12 =	vnsel vm12, $0x140, v58  }
0x9a: {  	v62 =	vld [tilespmem:$0x1170];
	[tilespmem:$0x1140] =	vst v12;
	v12 =	vnsel vm13, $0x0, v59  }
0x9b: {  	vm14 =	vgt.s32 v15, v10;
	[tilespmem:$0x1050] =	vst v12;
	v12 =	vnsel vm13, $0x140, v13  }
0x9c: {  	v13 =	vld [tilespmem:$0x1000];
	[tilespmem:$0x1150] =	vst v12;
	v12 =	vnsel vm14, $0x0, v14  }
0x9d: {  	vm15 =	vgt.s32 v15, v11;
	v15 =	vld [tilespmem:$0x1020];
	[tilespmem:$0x1060] =	vst v12;
	v12 =	vnsel vm14, $0x140, v60  }
0x9e: {  	v14 =	vld [tilespmem:$0x1010];
	[tilespmem:$0x1160] =	vst v12;
	v12 =	vnsel vm15, $0x0, v61  }
0x9f: {  	v63 =	vld [tilespmem:$0x1030];
	[tilespmem:$0x1070] =	vst v12;
	v12 =	vnsel vm15, $0x140, v62  }
0xa0: {  	[tilespmem:$0x1170] =	vst v12;
	v12 =	vld [tilespmem:$0x1040]  }
0xa1: {  	[tilespmem:$0x1200] =	vst v13;
	v13 =	vld [tilespmem:$0x1050]  }
0xa2: {  	[tilespmem:$0x1220] =	vst v15;
	v15 =	vld [tilespmem:$0x1070]  }
0xa3: {  	[tilespmem:$0x1210] =	vst v14;
	v14 =	vld [tilespmem:$0x1060]  }
0xa4: {  	[tilespmem:$0x1230] =	vst v63  }
0xa5: {  	[tilespmem:$0x1240] =	vst v12  }
0xa6: {  	[tilespmem:$0x1250] =	vst v13  }
0xa7: {  	[tilespmem:$0x1270] =	vst v15  }
0xa8: {  	[tilespmem:$0x1260] =	vst v14  }
0xa9: {  	[tilespmem:s12], [sflag:$0x1] =	stream.indirect.gather [hbm4b:s3+s10], $0x80, s11, s10, $0xb8;
	[tilespmem:$0xF680] =	vst v63  }
0xaa: {  	_ =	swait.ge [sflag:s13], $0x4000  }
0xab: {  	[sflag:s13] =	ssyncset.done $0x0  }
0xac: {  	s16 =	simm.s32 $0x0;
	[sflag:s13] =	ssyncadd.s32 $0xFFFFC000  }
0xad: {  	v12 =	vld [tilespmem:s16+$0x1100];
	_ =	sdelay $0x4  }
0xae: {  	(v2sf) =	vpush v12, $0x0;
	_ =	sdelay $0xe  }
0xaf: {  	s31 =	spop (v2sf)  }
0xb0: {  	s16 =	simm.s32 $0x12A0;
	s17 =	sshll.u32 s31, $0x9  }
0xb1: {  	v12 =	vld [tilespmem:s16+$0xFFFFFFE0];
	s19 =	sshra.s32 s17, $0x2  }
0xb2: {  	v13 =	vld [tilespmem:s19+$0x5280];
	_ =	sdelay $0x4  }
0xb3: {  	v12 =	vmax.f32 v13, v12  }
0xb4: {  	[tilespmem:s19+$0x5280] =	vst v12;
	v12 =	vld [tilespmem:s19+$0x5290]  }
0xb5: {  	v13 =	vld [tilespmem:s16+$0xFFFFFFF0];
	_ =	sdelay $0x4  }
0xb6: {  	v12 =	vmax.f32 v12, v13  }
0xb7: {  	[tilespmem:s19+$0x5290] =	vst v12;
	v12 =	vld [tilespmem:s19+$0x52A0]  }
0xb8: {  	v13 =	vld [tilespmem:s16+$0x0];
	_ =	sdelay $0x4  }
0xb9: {  	v12 =	vmax.f32 v12, v13  }
0xba: {  	[tilespmem:s19+$0x52A0] =	vst v12;
	v12 =	vld [tilespmem:s19+$0x52B0]  }
0xbb: {  	v13 =	vld [tilespmem:s16+$0x10];
	_ =	sdelay $0x4  }
0xbc: {  	s20 =	simm.s32 $0x8;
	s17 =	simm.s32 $0x4;
	v12 =	vmax.f32 v12, v13  }
.LBB2_12:
0xbd: {  	s21 =	sshra.s32 s17, $0x2  }
0xbe: {  	[tilespmem:s19+$0x52B0] =	vst v12;
	s16 =	sadd.s32 $0x80, s16;
	s17 =	smov.u32 s20;
	s18 =	sadd.s32 $0x4, s20  }
0xbf: {  	p0 =	sne.s32 s20, $0x1FC;
	v12 =	vld [tilespmem:s21+$0x1100];
	_ =	sdelay $0x4  }
0xc0: {  	(v2sf) =	vpush v12, $0x0;
	_ =	sdelay $0xe  }
0xc1: {  	s19 =	spop (v2sf)  }
0xc2: {  	s19 =	sshll.u32 s19, $0x9  }
0xc3: {  	s19 =	sshra.s32 s19, $0x2;
	v12 =	vld [tilespmem:s16+$0xFFFFFFE0]  }
0xc4: {  	v13 =	vld [tilespmem:s19+$0x5280];
	_ =	sdelay $0x4  }
0xc5: {  	v12 =	vmax.f32 v13, v12  }
0xc6: {  	[tilespmem:s19+$0x5280] =	vst v12;
	v12 =	vld [tilespmem:s19+$0x5290]  }
0xc7: {  	v13 =	vld [tilespmem:s16+$0xFFFFFFF0];
	_ =	sdelay $0x4  }
0xc8: {  	v12 =	vmax.f32 v12, v13  }
0xc9: {  	[tilespmem:s19+$0x5290] =	vst v12;
	v12 =	vld [tilespmem:s19+$0x52A0]  }
0xca: {  	v13 =	vld [tilespmem:s16+$0x0];
	_ =	sdelay $0x4  }
0xcb: {  	v12 =	vmax.f32 v12, v13  }
0xcc: {  	[tilespmem:s19+$0x52A0] =	vst v12;
	v12 =	vld [tilespmem:s19+$0x52B0]  }
0xcd: {  	v13 =	vld [tilespmem:s16+$0x10]  }
.Ltmp8:
0xce: {  	(pc) =	sbr.rel @p0 .LBB2_12-.Ltmp8, $2  }
0xcf: {  	_ =	sdelay $0x2  }
0xd0: {  	s20 =	smov.u32 s18;
	v12 =	vmax.f32 v12, v13  }
0xd1: {  	s17 =	sshra.s32 s17, $0x2;
	[tilespmem:s19+$0x52B0] =	vst v12  }
0xd2: {  	v12 =	vld [tilespmem:s17+$0x1100];
	_ =	sdelay $0x4  }
0xd3: {  	(v2sf) =	vpush v12, $0x0;
	_ =	sdelay $0xe  }
0xd4: {  	s31 =	spop (v2sf)  }
0xd5: {  	s16 =	sadd.s32 $0x80, s16;
	s17 =	sshll.u32 s31, $0x9  }
0xd6: {  	v12 =	vld [tilespmem:s16+$0xFFFFFFE0];
	s17 =	sshra.s32 s17, $0x2  }
0xd7: {  	v13 =	vld [tilespmem:s17+$0x5280];
	_ =	sdelay $0x4  }
0xd8: {  	v12 =	vmax.f32 v13, v12  }
0xd9: {  	[tilespmem:s17+$0x5280] =	vst v12;
	v12 =	vld [tilespmem:s17+$0x5290]  }
0xda: {  	v13 =	vld [tilespmem:s16+$0xFFFFFFF0];
	_ =	sdelay $0x4  }
0xdb: {  	v12 =	vmax.f32 v12, v13  }
0xdc: {  	[tilespmem:s17+$0x5290] =	vst v12;
	v12 =	vld [tilespmem:s17+$0x52A0]  }
0xdd: {  	v13 =	vld [tilespmem:s16+$0x0];
	_ =	sdelay $0x4  }
0xde: {  	v12 =	vmax.f32 v12, v13  }
0xdf: {  	[tilespmem:s17+$0x52A0] =	vst v12;
	v12 =	vld [tilespmem:s17+$0x52B0]  }
0xe0: {  	v13 =	vld [tilespmem:s16+$0x10];
	_ =	sdelay $0x4  }
0xe1: {  	v12 =	vmax.f32 v12, v13  }
0xe2: {  	s16 =	simm.s32 $0x0;
	[tilespmem:s17+$0x52B0] =	vst v12  }
0xe3: {  	v14 =	vld [tilespmem:s16+$0x5280]  }
0xe4: {  	v13 =	vld [tilespmem:s16+$0x5290]  }
0xe5: {  	s17 =	simm.s32 $0x200;
	v12 =	vld [tilespmem:s16+$0x52A0]  }
.LBB2_14:
0xe6: {  	p0 =	sne.s32 s17, $0x27E00;
	v15 =	vld [tilespmem:s16+$0x52B0];
	_ =	sdelay $0x1  }
0xe7: {  	vm0 =	veq.f32 v14, $-Inf  }
.Ltmp9:
0xe8: {  	v14 =	vsel vm0, $0x0, v14;
	vm0 =	veq.f32 v13, $-Inf;
	(pc) =	sbr.rel @p0 .LBB2_14-.Ltmp9, $4  }
0xe9: {  	s18 =	sshra.s32 s17, $0x2;
	[tilespmem:s16+$0x5280] =	vst v14;
	v13 =	vsel vm0, $0x0, v13;
	vm0 =	veq.f32 v12, $-Inf  }
0xea: {  	v14 =	vld [tilespmem:s18+$0x5280];
	[tilespmem:s16+$0x5290] =	vst v13;
	v12 =	vsel vm0, $0x0, v12;
	vm0 =	veq.f32 v15, $-Inf  }
0xeb: {  	v13 =	vld [tilespmem:s18+$0x5290];
	[tilespmem:s16+$0x52A0] =	vst v12;
	v15 =	vsel vm0, $0x0, v15  }
0xec: {  	s17 =	sadd.s32 $0x200, s17;
	v12 =	vld [tilespmem:s18+$0x52A0];
	[tilespmem:s16+$0x52B0] =	vst v15;
	s16 =	smov.u32 s18  }
0xed: {  	v15 =	vld [tilespmem:s16+$0x52B0];
	_ =	sdelay $0x1  }
0xee: {  	vm0 =	veq.f32 v14, $-Inf  }
0xef: {  	v14 =	vsel vm0, $0x0, v14;
	vm13 =	veq.f32 v13, $-Inf  }
0xf0: {  	[tilespmem:s16+$0x5280] =	vst v14;
	v13 =	vsel vm13, $0x0, v13;
	vm14 =	veq.f32 v12, $-Inf  }
0xf1: {  	s15 =	sadd.s32 $0x1, s15;
	[tilespmem:s16+$0x5290] =	vst v13;
	v12 =	vsel vm14, $0x0, v12;
	vm15 =	veq.f32 v15, $-Inf  }
0xf2: {  	p0 =	sne.s32 s15, s6;
	[tilespmem:s16+$0x52A0] =	vst v12;
	v63 =	vsel vm15, $0x0, v15  }
.Ltmp10:
0xf3: {  	[tilespmem:s16+$0x52B0] =	vst v63;
	(pc) =	sbr.rel @p0 .LBB2_1-.Ltmp10, $4  }
0xf4: {  	[hbm4b:s5+s2] =	stream.linear.scatter [tilespmem:s14], [sflag:$0x2], $0xA000, $0x38;
	[tilespmem:$0xF680] =	vst v63  }
0xf5: {  	_ =	swait.ge [sflag:s7], $0xA000  }
0xf6: {  	[sflag:s7] =	ssyncset.done $0x0  }
0xf7: {  	[sflag:s7] =	ssyncadd.s32 $0xFFFF6000  }
0xf8: {  	_ =	sfence.sel $0x180000  }
0xf9: {  	[bflag:$0x0] =	sbarrier.arrive $0xFFFF  }
0xfa: {  	p0 =	sne.s32 s0, $0x0;
	_ =	strace $0x90000050  }
0xfb: {  	s0 =	sadd.s32 @!p0 $0x100000, s1;
	[bflag:$0x2] =	sbarrier.arrive $0xFFFF  }
0xfc: {  	[sflag:s0] =	ssyncadd.tile.s32 @!p0 $0x1;
	_ =	shalt  }
.Lfunc_end2:
_tile_overlayer_lowered:
.L_overlay_start_2:
0xfd: {  	(tag) =	ssettag $0x2  }
0xfe: {  	s0 =	rddreg [dreg:$0x0];
	s2 =	stileid.u32  }
0xff: {  	s1 =	rddreg [dreg:$0x1];
	p0 =	sne.s32 s2, $0x0  }
0x100: {  	s3 =	rddreg [dreg:$0x2];
	[bflag:$0x3] =	sbarrier.arrive $0xFFFF;
	s2 =	simm.s32 @!p0 $0x1C02  }
0x101: {  	[timem:s3], [sflag:s2] =	dma.local @!p0 [hbm:s0], s1  }
0x102: {  	s0 =	simm.s32 @!p0 $0x2  }
0x103: {  	_ =	swait.ge @!p0 [sflag:s0], s1  }
0x104: {  	s1 =	ssub.s32 @!p0 $0x0, s1;
	[sflag:s0] =	ssyncset.done @!p0 $0x0  }
0x105: {  	[sflag:s0] =	ssyncadd.s32 @!p0 s1  }
0x106: {  	[bflag:$0x3] =	sbarrier.arrive $0xFFFF  }
0x107: {  	_ =	shalt  }

</sc_bundles>
